<compile_context>
chip_gen: v7x
topology: tpu7x:2x2x1
jax: 0.10.2.dev20260603
libtpu: 0.0.44.dev20260713+nightly
codegen_flags: <defaults>
</compile_context>

<pallas_src>
import functools

import jax
import jax.numpy as jnp
from jax import lax
from jax.experimental import pallas as pl
from jax.experimental.pallas import tpu as pltpu
from jax.experimental.pallas import tpu_sc as plsc

N = 10000
E = 320000
D = 128
NC, NS = 2, 16
NW = NC * NS
EPW = E // NW
CH = 80
NCHUNK = EPW // CH
NP = 10240
STRIPE = NP // NS
NF = NP // D

_mesh = plsc.VectorSubcoreMesh(core_axis_name="c", subcore_axis_name="s")
_sc_params = pltpu.CompilerParams(use_tc_tiling_on_sc=False)


@functools.partial(
    pl.kernel,
    out_type=jax.ShapeDtypeStruct((NC, NF, D), jnp.float32),
    mesh=_mesh,
    compiler_params=_sc_params,
    scratch_types=[
        pltpu.VMEM_SHARED((NP,), jnp.float32),
        pltpu.VMEM((NCHUNK, CH), jnp.int32),
        pltpu.VMEM((CH,), jnp.float32),
        pltpu.VMEM((1024,), jnp.float32),
        pltpu.VMEM((8, D), jnp.float32),
        pltpu.SemaphoreType.DMA,
    ],
)
def _deg_kernel(row3, ones_hbm, zflat_hbm, degp, deg_sh, idx_v, ones_v,
                flat_v, pack_v, sem):
    c = lax.axis_index("c")
    s = lax.axis_index("s")
    wid = c * NS + s
    pltpu.sync_copy(zflat_hbm, deg_sh.at[pl.ds(s * STRIPE, STRIPE)])
    pltpu.sync_copy(row3.at[wid], idx_v)
    pltpu.sync_copy(ones_hbm, ones_v)
    plsc.subcore_barrier()

    def hist_body(j, carry):
        pltpu.async_copy(ones_v, deg_sh.at[idx_v.at[j]], sem, add=True)
        return carry

    lax.fori_loop(0, NCHUNK, hist_body, 0)

    def hist_drain(j, carry):
        pltpu.make_async_copy(ones_v, deg_sh.at[idx_v.at[0]], sem).wait()
        return carry

    lax.fori_loop(0, NCHUNK, hist_drain, 0)
    plsc.subcore_barrier()

    @pl.when(s < 10)
    def _():
        pltpu.sync_copy(deg_sh.at[pl.ds(s * 1024, 1024)], flat_v)
        for r in range(8):
            for k in range(D // 16):
                pack_v[r, pl.ds(k * 16, 16)] = flat_v[pl.ds(r * D + k * 16, 16)]
        pltpu.sync_copy(pack_v, degp.at[c].at[pl.ds(s * 8, 8)])


NBUF = 7


@functools.partial(
    pl.kernel,
    out_type=jax.ShapeDtypeStruct((NC, NP, D), jnp.bfloat16),
    mesh=_mesh,
    compiler_params=_sc_params,
    scratch_types=[
        pltpu.VMEM_SHARED((NP, D), jnp.bfloat16),
        pltpu.VMEM((NCHUNK, CH), jnp.int32),
        pltpu.VMEM((NCHUNK, CH), jnp.int32),
        pltpu.VMEM((NBUF, CH, D), jnp.bfloat16),
        pltpu.SemaphoreType.DMA,
        pltpu.SemaphoreType.DMA,
    ],
)
def _agg_kernel(y_hbm, row3, col3, zrows_hbm, aggp, agg_sh, row_v, col_v,
                bufs, gsem, ssem):
    c = lax.axis_index("c")
    s = lax.axis_index("s")
    wid = c * NS + s
    pltpu.sync_copy(zrows_hbm, agg_sh.at[pl.ds(s * STRIPE, STRIPE)])
    pltpu.sync_copy(row3.at[wid], row_v)
    pltpu.sync_copy(col3.at[wid], col_v)
    plsc.subcore_barrier()

    def gather_start(j, b):
        pltpu.async_copy(y_hbm.at[row_v.at[j]], bufs.at[b], gsem)

    def gather_wait(b):
        pltpu.make_async_copy(y_hbm.at[row_v.at[0]], bufs.at[b], gsem).wait()

    def scatter_start(j, b):
        pltpu.async_copy(bufs.at[b], agg_sh.at[col_v.at[j]], ssem, add=True)

    def scatter_wait():
        pltpu.make_async_copy(bufs.at[0], agg_sh.at[col_v.at[0]],
                              ssem).wait()

    for j in range(NBUF - 1):
        gather_start(j, j)

    def body(g, carry):
        for b in range(NBUF):
            j = NBUF * g + b
            gather_wait(b)
            scatter_start(j, b)
            scatter_wait()
            gather_start(j + NBUF - 1, (b + NBUF - 1) % NBUF)
        return carry

    NB_STEPS = (NCHUNK - NBUF) // NBUF
    lax.fori_loop(0, NB_STEPS, body, 0)
    done = NB_STEPS * NBUF
    for j in range(done, NCHUNK):
        b = j % NBUF
        gather_wait(b)
        scatter_start(j, b)
        scatter_wait()
        if j + NBUF - 1 < NCHUNK:
            gather_start(j + NBUF - 1, (b + NBUF - 1) % NBUF)
    plsc.subcore_barrier()
    pltpu.sync_copy(agg_sh.at[pl.ds(s * STRIPE, STRIPE)],
                    aggp.at[c].at[pl.ds(s * STRIPE, STRIPE)])


_RB = 1024
_RF = _RB // D


def _discol(degp_ref):
    deg = degp_ref[0] + degp_ref[1] + 1.0
    dis = lax.rsqrt(deg)
    t = jnp.repeat(dis, D, axis=0)
    rr = lax.broadcasted_iota(jnp.int32, (_RB, D), 0)
    cc = lax.broadcasted_iota(jnp.int32, (_RB, D), 1)
    eye = jnp.where(rr % D == cc, 1.0, 0.0)
    return jnp.sum(t * eye, axis=1, keepdims=True)


def _scale_body(x_ref, degp_ref, y_ref):
    y_ref[...] = (x_ref[...] * _discol(degp_ref)).astype(jnp.bfloat16)


def _out_body(aggp_ref, degp_ref, x_ref, w_ref, b_ref, out_ref):
    dis = _discol(degp_ref)
    aggsum = (aggp_ref[0].astype(jnp.float32) +
              aggp_ref[1].astype(jnp.float32))
    m = dis * aggsum + (dis * dis) * x_ref[...]
    out_ref[...] = lax.dot_general(
        m, w_ref[...], (((1,), (0,)), ((), ())),
        preferred_element_type=jnp.float32) + b_ref[...]


_GRID = NP // _RB


def kernel(x, edge_index, W, b):
    row3 = edge_index[0].reshape(NW, NCHUNK, CH)
    col3 = edge_index[1].reshape(NW, NCHUNK, CH)
    ones_f = jnp.ones((CH,), jnp.float32)
    zflat = jnp.zeros((STRIPE,), jnp.float32)
    zrows = jnp.zeros((STRIPE, D), jnp.bfloat16)

    degp = _deg_kernel(row3, ones_f, zflat)

    y = pl.pallas_call(
        _scale_body,
        grid=(_GRID,),
        in_specs=[
            pl.BlockSpec((_RB, D), lambda i: (i, 0)),
            pl.BlockSpec((NC, _RF, D), lambda i: (0, i, 0)),
        ],
        out_specs=pl.BlockSpec((_RB, D), lambda i: (i, 0)),
        out_shape=jax.ShapeDtypeStruct((N, D), jnp.bfloat16),
    )(x, degp)

    aggp = _agg_kernel(y, row3, col3, zrows)

    out = pl.pallas_call(
        _out_body,
        grid=(_GRID,),
        in_specs=[
            pl.BlockSpec((NC, _RB, D), lambda i: (0, i, 0)),
            pl.BlockSpec((NC, _RF, D), lambda i: (0, i, 0)),
            pl.BlockSpec((_RB, D), lambda i: (i, 0)),
            pl.BlockSpec((D, D), lambda i: (0, 0)),
            pl.BlockSpec((1, D), lambda i: (0, 0)),
        ],
        out_specs=pl.BlockSpec((_RB, D), lambda i: (i, 0)),
        out_shape=jax.ShapeDtypeStruct((N, D), jnp.float32),
    )(aggp, degp, x, W, b.reshape(1, D))
    return out

# --- scband reference (transcript-rebuilt; emitter-appended) ---
"""Pipeline reference for scband-graph-conv-layer-7335804142016 (READ-ONLY COPY).

The authoritative reference and input builder live on the scoring server;
editing this copy changes nothing except your own understanding.
"""

import jax, jax.numpy as jnp
import numpy as np

N_NODES = 10000
N_EDGES = 320000
IN_DIM = 128
OUT_DIM = 128


def setup_inputs(seed: int = 0) -> dict:
    key = jax.random.key(seed)
    k1, k2, k3 = jax.random.split(key, 3)
    x = jax.random.normal(k1, (N_NODES, IN_DIM), dtype=jnp.float32)
    edge_index = jax.random.randint(k2, (2, N_EDGES), 0, N_NODES, dtype=jnp.int32)
    # xavier_uniform init for weight
    limit = float(np.sqrt(6.0 / (IN_DIM + OUT_DIM)))
    W = jax.random.uniform(k3, (IN_DIM, OUT_DIM), dtype=jnp.float32, minval=-limit, maxval=limit)
    b = jnp.zeros((OUT_DIM,), dtype=jnp.float32)
    return {"x": x, "edge_index": edge_index, "W": W, "b": b}


def reference(x, edge_index, W, b):
    num_nodes = x.shape[0]
    # add self loops
    self_loops = jnp.arange(num_nodes, dtype=edge_index.dtype)
    self_loops = jnp.stack([self_loops, self_loops], axis=0)
    edge_index = jnp.concatenate([edge_index, self_loops], axis=1)
    # linear transform
    transformed = x @ W
    row = edge_index[0]
    col = edge_index[1]
    # symmetric normalization based on row (source) degrees, as in the torch code
    deg = jnp.zeros((num_nodes,), dtype=jnp.float32).at[row].add(1.0)
    deg_inv_sqrt = jnp.where(deg > 0, deg ** -0.5, 0.0)
    norm = deg_inv_sqrt[row] * deg_inv_sqrt[col]
    # message passing: output[dst] += norm * transformed[src]
    out = jnp.zeros_like(transformed).at[col].add(norm[:, None] * transformed[row])
    out = out + b
    return out

if __name__ == "__main__":
    import jax
    _d = setup_inputs()
    print(jax.jit(kernel)(*tuple(_d.values())))

</pallas_src>

<mosaic_0001>
#map = affine_map<(d0, d1) -> (0, 0, 0)>
#map1 = affine_map<(d0, d1) -> (0)>
module attributes {stable_mosaic.version = 14 : i64} {
  func.func @_deg_kernel(%arg0: i32, %arg1: i32, %arg2: memref<32x125x80xi32, #tpu.memory_space<hbm>>, %arg3: memref<80xf32, #tpu.memory_space<hbm>>, %arg4: memref<640xf32, #tpu.memory_space<hbm>>, %arg5: memref<2x80x128xf32, #tpu.memory_space<hbm>>, %arg6: memref<10240xf32, #tpu.memory_space<vmem_shared>>, %arg7: memref<125x80xi32, #tpu.memory_space<vmem>>, %arg8: memref<80xf32, #tpu.memory_space<vmem>>, %arg9: memref<1024xf32, #tpu.memory_space<vmem>>, %arg10: memref<8x128xf32, #tpu.memory_space<vmem>>, %arg11: memref<!tpu.dma_semaphore, #tpu.memory_space<semaphore_mem>>) attributes {dimension_semantics = [#tpu.dimension_semantics<core_parallel>, #tpu.dimension_semantics<subcore_parallel>], iteration_bounds = array<i64: 2, 16>, scalar_prefetch = 0 : i64, scratch_operands = 6 : i64, tpu.core_type = #tpu.core_type<sc_vector_subcore>, window_params = [{transform_indices = #map}, {transform_indices = #map1}, {transform_indices = #map1}, {transform_indices = #map}]} {
    %mul3A = arith.constant 16 : i32
    %mul3A_0 = arith.muli %arg0, %mul3A : i32
    %add3A = arith.addi %mul3A_0, %arg1 : i32
    %mul3A_1 = arith.constant 640 : i32
    %mul3A_2 = arith.muli %arg1, %mul3A_1 : i32
    "tpu.region"() ({
      %run_scoped3A = tpu.sem_alloc : memref<!tpu.dma_semaphore, #tpu.memory_space<semaphore_mem>>
      %dma_start3A = tpu.memref_slice %arg6[%mul3A_2] : memref<10240xf32, #tpu.memory_space<vmem_shared>> -> memref<640xf32, #tpu.memory_space<vmem_shared>>
      tpu.enqueue_dma source(%arg4 : memref<640xf32, #tpu.memory_space<hbm>>) target(%dma_start3A : memref<640xf32, #tpu.memory_space<vmem_shared>>) target_semaphore(%run_scoped3A : memref<!tpu.dma_semaphore, #tpu.memory_space<semaphore_mem>>)
      %dma_wait3A = tpu.memref_slice %arg6[%mul3A_2] : memref<10240xf32, #tpu.memory_space<vmem_shared>> -> memref<640xf32, #tpu.memory_space<vmem_shared>>
      tpu.wait_dma2 semaphore(%run_scoped3A : memref<!tpu.dma_semaphore, #tpu.memory_space<semaphore_mem>>) src(%arg4 : memref<640xf32, #tpu.memory_space<hbm>>) dst(%dma_wait3A : memref<640xf32, #tpu.memory_space<vmem_shared>>)
      tpu.yield
    }) : () -> ()
    "tpu.region"() ({
      %run_scoped3A = tpu.sem_alloc : memref<!tpu.dma_semaphore, #tpu.memory_space<semaphore_mem>>
      %dma_start3A = arith.constant 0 : i32
      %dma_start3A_17 = arith.constant 0 : i32
      %dma_start3A_18 = tpu.memref_slice %arg2[%add3A, %dma_start3A, %dma_start3A_17] : memref<32x125x80xi32, #tpu.memory_space<hbm>> -> memref<1x125x80xi32, #tpu.memory_space<hbm>>
      %dma_start3A_19 = tpu.memref_squeeze %dma_start3A_18 : memref<1x125x80xi32, #tpu.memory_space<hbm>> -> memref<125x80xi32, #tpu.memory_space<hbm>>
      %dma_start3A_20 = arith.constant 0 : i32
      %dma_start3A_21 = arith.constant 0 : i32
      %dma_start3A_22 = tpu.memref_slice %arg2[%add3A, %dma_start3A_20, %dma_start3A_21] : memref<32x125x80xi32, #tpu.memory_space<hbm>> -> memref<1x125x80xi32, #tpu.memory_space<hbm>>
      %dma_start3A_23 = tpu.memref_squeeze %dma_start3A_22 : memref<1x125x80xi32, #tpu.memory_space<hbm>> -> memref<125x80xi32, #tpu.memory_space<hbm>>
      tpu.enqueue_dma source(%dma_start3A_23 : memref<125x80xi32, #tpu.memory_space<hbm>>) target(%arg7 : memref<125x80xi32, #tpu.memory_space<vmem>>) target_semaphore(%run_scoped3A : memref<!tpu.dma_semaphore, #tpu.memory_space<semaphore_mem>>)
      %dma_wait3A = arith.constant 0 : i32
      %dma_wait3A_24 = arith.constant 0 : i32
      %dma_wait3A_25 = tpu.memref_slice %arg2[%add3A, %dma_wait3A, %dma_wait3A_24] : memref<32x125x80xi32, #tpu.memory_space<hbm>> -> memref<1x125x80xi32, #tpu.memory_space<hbm>>
      %dma_wait3A_26 = tpu.memref_squeeze %dma_wait3A_25 : memref<1x125x80xi32, #tpu.memory_space<hbm>> -> memref<125x80xi32, #tpu.memory_space<hbm>>
      %dma_wait3A_27 = arith.constant 0 : i32
      %dma_wait3A_28 = arith.constant 0 : i32
      %dma_wait3A_29 = tpu.memref_slice %arg2[%add3A, %dma_wait3A_27, %dma_wait3A_28] : memref<32x125x80xi32, #tpu.memory_space<hbm>> -> memref<1x125x80xi32, #tpu.memory_space<hbm>>
      %dma_wait3A_30 = tpu.memref_squeeze %dma_wait3A_29 : memref<1x125x80xi32, #tpu.memory_space<hbm>> -> memref<125x80xi32, #tpu.memory_space<hbm>>
      tpu.wait_dma2 semaphore(%run_scoped3A : memref<!tpu.dma_semaphore, #tpu.memory_space<semaphore_mem>>) src(%dma_wait3A_30 : memref<125x80xi32, #tpu.memory_space<hbm>>) dst(%arg7 : memref<125x80xi32, #tpu.memory_space<vmem>>)
      tpu.yield
    }) : () -> ()
    "tpu.region"() ({
      %run_scoped3A = tpu.sem_alloc : memref<!tpu.dma_semaphore, #tpu.memory_space<semaphore_mem>>
      tpu.enqueue_dma source(%arg3 : memref<80xf32, #tpu.memory_space<hbm>>) target(%arg8 : memref<80xf32, #tpu.memory_space<vmem>>) target_semaphore(%run_scoped3A : memref<!tpu.dma_semaphore, #tpu.memory_space<semaphore_mem>>)
      tpu.wait_dma2 semaphore(%run_scoped3A : memref<!tpu.dma_semaphore, #tpu.memory_space<semaphore_mem>>) src(%arg3 : memref<80xf32, #tpu.memory_space<hbm>>) dst(%arg8 : memref<80xf32, #tpu.memory_space<vmem>>)
      tpu.yield
    }) : () -> ()
    %barrier3A = arith.constant 0 : index
    tpu.barrier barrier_id(%barrier3A)
    %scan3A = arith.constant 0 : i32
    %scan3A_3 = arith.constant 0 : i32
    %scan3A_4 = arith.constant 125 : i32
    %scan3A_5 = arith.addi %scan3A_3, %scan3A_4 : i32
    %scan3A_6 = arith.constant 1 : i32
    scf.for %scan3A_17 = %scan3A_3 to %scan3A_5 step %scan3A_6  : i32 {
      %dma_start3A = arith.constant 0 : i32
      %dma_start3A_18 = tpu.memref_slice %arg7[%scan3A_17, %dma_start3A] : memref<125x80xi32, #tpu.memory_space<vmem>> -> memref<1x80xi32, #tpu.memory_space<vmem>>
      %dma_start3A_19 = tpu.memref_squeeze %dma_start3A_18 : memref<1x80xi32, #tpu.memory_space<vmem>> -> memref<80xi32, #tpu.memory_space<vmem>>
      %dma_start3A_20 = arith.constant 0 : i32
      %dma_start3A_21 = tpu.memref_slice %arg6[%dma_start3A_20] : memref<10240xf32, #tpu.memory_space<vmem_shared>> -> memref<10240xf32, #tpu.memory_space<vmem_shared>>
      tpu.enqueue_indirect_dma source(%arg8 : memref<80xf32, #tpu.memory_space<vmem>>) target(%dma_start3A_21 : memref<10240xf32, #tpu.memory_space<vmem_shared>>) offsets(%dma_start3A_19 : memref<80xi32, #tpu.memory_space<vmem>>) semaphore(%arg11 : memref<!tpu.dma_semaphore, #tpu.memory_space<semaphore_mem>>) {add = true}
    }
    %scan3A_7 = arith.constant 125 : i32
    %scan3A_8 = arith.constant 0 : i32
    %scan3A_9 = arith.constant 0 : i32
    %scan3A_10 = arith.constant 125 : i32
    %scan3A_11 = arith.addi %scan3A_9, %scan3A_10 : i32
    %scan3A_12 = arith.constant 1 : i32
    scf.for %scan3A_17 = %scan3A_9 to %scan3A_11 step %scan3A_12  : i32 {
      %dma_wait3A = arith.constant 0 : i32
      %dma_wait3A_18 = arith.constant 0 : i32
      %dma_wait3A_19 = tpu.memref_slice %arg7[%dma_wait3A, %dma_wait3A_18] : memref<125x80xi32, #tpu.memory_space<vmem>> -> memref<1x80xi32, #tpu.memory_space<vmem>>
      %dma_wait3A_20 = tpu.memref_squeeze %dma_wait3A_19 : memref<1x80xi32, #tpu.memory_space<vmem>> -> memref<80xi32, #tpu.memory_space<vmem>>
      %dma_wait3A_21 = arith.constant 0 : i32
      %dma_wait3A_22 = tpu.memref_slice %arg6[%dma_wait3A_21] : memref<10240xf32, #tpu.memory_space<vmem_shared>> -> memref<10240xf32, #tpu.memory_space<vmem_shared>>
      tpu.wait_indirect_dma semaphore(%arg11 : memref<!tpu.dma_semaphore, #tpu.memory_space<semaphore_mem>>) src(%arg8 : memref<80xf32, #tpu.memory_space<vmem>>) dst(%dma_wait3A_22 : memref<10240xf32, #tpu.memory_space<vmem_shared>>)
    }
    %scan3A_13 = arith.constant 125 : i32
    %barrier3A_14 = arith.constant 0 : index
    tpu.barrier barrier_id(%barrier3A_14)
    %lt3A = arith.constant 10 : i32
    %lt3A_15 = arith.cmpi slt, %arg1, %lt3A : i32
    %convert_element_type3A = arith.extui %lt3A_15 : i1 to i32
    %cond3A = arith.constant 0 : i32
    %cond3A_16 = arith.cmpi ne, %convert_element_type3A, %cond3A : i32
    scf.if %cond3A_16 {
      %mul3A_17 = arith.constant 1024 : i32
      %mul3A_18 = arith.muli %arg1, %mul3A_17 : i32
      "tpu.region"() ({
        %run_scoped3A = tpu.sem_alloc : memref<!tpu.dma_semaphore, #tpu.memory_space<semaphore_mem>>
        %dma_start3A = tpu.memref_slice %arg6[%mul3A_18] : memref<10240xf32, #tpu.memory_space<vmem_shared>> -> memref<1024xf32, #tpu.memory_space<vmem_shared>>
        %dma_start3A_595 = tpu.memref_slice %arg6[%mul3A_18] : memref<10240xf32, #tpu.memory_space<vmem_shared>> -> memref<1024xf32, #tpu.memory_space<vmem_shared>>
        tpu.enqueue_dma source(%dma_start3A_595 : memref<1024xf32, #tpu.memory_space<vmem_shared>>) target(%arg9 : memref<1024xf32, #tpu.memory_space<vmem>>) target_semaphore(%run_scoped3A : memref<!tpu.dma_semaphore, #tpu.memory_space<semaphore_mem>>)
        %dma_wait3A = tpu.memref_slice %arg6[%mul3A_18] : memref<10240xf32, #tpu.memory_space<vmem_shared>> -> memref<1024xf32, #tpu.memory_space<vmem_shared>>
        %dma_wait3A_596 = tpu.memref_slice %arg6[%mul3A_18] : memref<10240xf32, #tpu.memory_space<vmem_shared>> -> memref<1024xf32, #tpu.memory_space<vmem_shared>>
        tpu.wait_dma2 semaphore(%run_scoped3A : memref<!tpu.dma_semaphore, #tpu.memory_space<semaphore_mem>>) src(%dma_wait3A_596 : memref<1024xf32, #tpu.memory_space<vmem_shared>>) dst(%arg9 : memref<1024xf32, #tpu.memory_space<vmem>>)
        tpu.yield
      }) : () -> ()
      %get3A = arith.constant 0 : index
      %get3A_19 = tpu.vector_load %arg9[%get3A] {strides = array<i32>} : memref<1024xf32, #tpu.memory_space<vmem>>, vector<16xf32>,
      %get3A_20 = vector.shape_cast %get3A_19 : vector<16xf32> to vector<16xf32>
      %swap3A = arith.constant 0 : i32
      %swap3A_21 = arith.index_cast %swap3A : i32 to index
      %swap3A_22 = arith.constant 0 : index
      %swap3A_23 = tpu.vector_load %arg10[%swap3A_21, %swap3A_22] {strides = array<i32>} : memref<8x128xf32, #tpu.memory_space<vmem>>, vector<1x16xf32>,
      %swap3A_24 = vector.shape_cast %swap3A_23 : vector<1x16xf32> to vector<16xf32>
      %swap3A_25 = vector.shape_cast %get3A_20 : vector<16xf32> to vector<1x16xf32>
      tpu.vector_store %arg10[%swap3A_21, %swap3A_22], %swap3A_25 {strides = array<i32>} : memref<8x128xf32, #tpu.memory_space<vmem>>, vector<1x16xf32>,
      %get3A_26 = arith.constant 16 : index
      %get3A_27 = tpu.vector_load %arg9[%get3A_26] {strides = array<i32>} : memref<1024xf32, #tpu.memory_space<vmem>>, vector<16xf32>,
      %get3A_28 = vector.shape_cast %get3A_27 : vector<16xf32> to vector<16xf32>
      %swap3A_29 = arith.constant 0 : i32
      %swap3A_30 = arith.index_cast %swap3A_29 : i32 to index
      %swap3A_31 = arith.constant 16 : index
      %swap3A_32 = tpu.vector_load %arg10[%swap3A_30, %swap3A_31] {strides = array<i32>} : memref<8x128xf32, #tpu.memory_space<vmem>>, vector<1x16xf32>,
      %swap3A_33 = vector.shape_cast %swap3A_32 : vector<1x16xf32> to vector<16xf32>
      %swap3A_34 = vector.shape_cast %get3A_28 : vector<16xf32> to vector<1x16xf32>
      tpu.vector_store %arg10[%swap3A_30, %swap3A_31], %swap3A_34 {strides = array<i32>} : memref<8x128xf32, #tpu.memory_space<vmem>>, vector<1x16xf32>,
      %get3A_35 = arith.constant 32 : index
      %get3A_36 = tpu.vector_load %arg9[%get3A_35] {strides = array<i32>} : memref<1024xf32, #tpu.memory_space<vmem>>, vector<16xf32>,
      %get3A_37 = vector.shape_cast %get3A_36 : vector<16xf32> to vector<16xf32>
      %swap3A_38 = arith.constant 0 : i32
      %swap3A_39 = arith.index_cast %swap3A_38 : i32 to index
      %swap3A_40 = arith.constant 32 : index
      %swap3A_41 = tpu.vector_load %arg10[%swap3A_39, %swap3A_40] {strides = array<i32>} : memref<8x128xf32, #tpu.memory_space<vmem>>, vector<1x16xf32>,
      %swap3A_42 = vector.shape_cast %swap3A_41 : vector<1x16xf32> to vector<16xf32>
      %swap3A_43 = vector.shape_cast %get3A_37 : vector<16xf32> to vector<1x16xf32>
      tpu.vector_store %arg10[%swap3A_39, %swap3A_40], %swap3A_43 {strides = array<i32>} : memref<8x128xf32, #tpu.memory_space<vmem>>, vector<1x16xf32>,
      %get3A_44 = arith.constant 48 : index
      %get3A_45 = tpu.vector_load %arg9[%get3A_44] {strides = array<i32>} : memref<1024xf32, #tpu.memory_space<vmem>>, vector<16xf32>,
      %get3A_46 = vector.shape_cast %get3A_45 : vector<16xf32> to vector<16xf32>
      %swap3A_47 = arith.constant 0 : i32
      %swap3A_48 = arith.index_cast %swap3A_47 : i32 to index
      %swap3A_49 = arith.constant 48 : index
      %swap3A_50 = tpu.vector_load %arg10[%swap3A_48, %swap3A_49] {strides = array<i32>} : memref<8x128xf32, #tpu.memory_space<vmem>>, vector<1x16xf32>,
      %swap3A_51 = vector.shape_cast %swap3A_50 : vector<1x16xf32> to vector<16xf32>
      %swap3A_52 = vector.shape_cast %get3A_46 : vector<16xf32> to vector<1x16xf32>
      tpu.vector_store %arg10[%swap3A_48, %swap3A_49], %swap3A_52 {strides = array<i32>} : memref<8x128xf32, #tpu.memory_space<vmem>>, vector<1x16xf32>,
      %get3A_53 = arith.constant 64 : index
      %get3A_54 = tpu.vector_load %arg9[%get3A_53] {strides = array<i32>} : memref<1024xf32, #tpu.memory_space<vmem>>, vector<16xf32>,
      %get3A_55 = vector.shape_cast %get3A_54 : vector<16xf32> to vector<16xf32>
      %swap3A_56 = arith.constant 0 : i32
      %swap3A_57 = arith.index_cast %swap3A_56 : i32 to index
      %swap3A_58 = arith.constant 64 : index
      %swap3A_59 = tpu.vector_load %arg10[%swap3A_57, %swap3A_58] {strides = array<i32>} : memref<8x128xf32, #tpu.memory_space<vmem>>, vector<1x16xf32>,
      %swap3A_60 = vector.shape_cast %swap3A_59 : vector<1x16xf32> to vector<16xf32>
      %swap3A_61 = vector.shape_cast %get3A_55 : vector<16xf32> to vector<1x16xf32>
      tpu.vector_store %arg10[%swap3A_57, %swap3A_58], %swap3A_61 {strides = array<i32>} : memref<8x128xf32, #tpu.memory_space<vmem>>, vector<1x16xf32>,
      %get3A_62 = arith.constant 80 : index
      %get3A_63 = tpu.vector_load %arg9[%get3A_62] {strides = array<i32>} : memref<1024xf32, #tpu.memory_space<vmem>>, vector<16xf32>,
      %get3A_64 = vector.shape_cast %get3A_63 : vector<16xf32> to vector<16xf32>
      %swap3A_65 = arith.constant 0 : i32
      %swap3A_66 = arith.index_cast %swap3A_65 : i32 to index
      %swap3A_67 = arith.constant 80 : index
      %swap3A_68 = tpu.vector_load %arg10[%swap3A_66, %swap3A_67] {strides = array<i32>} : memref<8x128xf32, #tpu.memory_space<vmem>>, vector<1x16xf32>,
      %swap3A_69 = vector.shape_cast %swap3A_68 : vector<1x16xf32> to vector<16xf32>
      %swap3A_70 = vector.shape_cast %get3A_64 : vector<16xf32> to vector<1x16xf32>
      tpu.vector_store %arg10[%swap3A_66, %swap3A_67], %swap3A_70 {strides = array<i32>} : memref<8x128xf32, #tpu.memory_space<vmem>>, vector<1x16xf32>,
      %get3A_71 = arith.constant 96 : index
      %get3A_72 = tpu.vector_load %arg9[%get3A_71] {strides = array<i32>} : memref<1024xf32, #tpu.memory_space<vmem>>, vector<16xf32>,
      %get3A_73 = vector.shape_cast %get3A_72 : vector<16xf32> to vector<16xf32>
      %swap3A_74 = arith.constant 0 : i32
      %swap3A_75 = arith.index_cast %swap3A_74 : i32 to index
      %swap3A_76 = arith.constant 96 : index
      %swap3A_77 = tpu.vector_load %arg10[%swap3A_75, %swap3A_76] {strides = array<i32>} : memref<8x128xf32, #tpu.memory_space<vmem>>, vector<1x16xf32>,
      %swap3A_78 = vector.shape_cast %swap3A_77 : vector<1x16xf32> to vector<16xf32>
      %swap3A_79 = vector.shape_cast %get3A_73 : vector<16xf32> to vector<1x16xf32>
      tpu.vector_store %arg10[%swap3A_75, %swap3A_76], %swap3A_79 {strides = array<i32>} : memref<8x128xf32, #tpu.memory_space<vmem>>, vector<1x16xf32>,
      %get3A_80 = arith.constant 112 : index
      %get3A_81 = tpu.vector_load %arg9[%get3A_80] {strides = array<i32>} : memref<1024xf32, #tpu.memory_space<vmem>>, vector<16xf32>,
      %get3A_82 = vector.shape_cast %get3A_81 : vector<16xf32> to vector<16xf32>
      %swap3A_83 = arith.constant 0 : i32
      %swap3A_84 = arith.index_cast %swap3A_83 : i32 to index
      %swap3A_85 = arith.constant 112 : index
      %swap3A_86 = tpu.vector_load %arg10[%swap3A_84, %swap3A_85] {strides = array<i32>} : memref<8x128xf32, #tpu.memory_space<vmem>>, vector<1x16xf32>,
      %swap3A_87 = vector.shape_cast %swap3A_86 : vector<1x16xf32> to vector<16xf32>
      %swap3A_88 = vector.shape_cast %get3A_82 : vector<16xf32> to vector<1x16xf32>
      tpu.vector_store %arg10[%swap3A_84, %swap3A_85], %swap3A_88 {strides = array<i32>} : memref<8x128xf32, #tpu.memory_space<vmem>>, vector<1x16xf32>,
      %get3A_89 = arith.constant 128 : index
      %get3A_90 = tpu.vector_load %arg9[%get3A_89] {strides = array<i32>} : memref<1024xf32, #tpu.memory_space<vmem>>, vector<16xf32>,
      %get3A_91 = vector.shape_cast %get3A_90 : vector<16xf32> to vector<16xf32>
      %swap3A_92 = arith.constant 1 : i32
      %swap3A_93 = arith.index_cast %swap3A_92 : i32 to index
      %swap3A_94 = arith.constant 0 : index
      %swap3A_95 = tpu.vector_load %arg10[%swap3A_93, %swap3A_94] {strides = array<i32>} : memref<8x128xf32, #tpu.memory_space<vmem>>, vector<1x16xf32>,
      %swap3A_96 = vector.shape_cast %swap3A_95 : vector<1x16xf32> to vector<16xf32>
      %swap3A_97 = vector.shape_cast %get3A_91 : vector<16xf32> to vector<1x16xf32>
      tpu.vector_store %arg10[%swap3A_93, %swap3A_94], %swap3A_97 {strides = array<i32>} : memref<8x128xf32, #tpu.memory_space<vmem>>, vector<1x16xf32>,
      %get3A_98 = arith.constant 144 : index
      %get3A_99 = tpu.vector_load %arg9[%get3A_98] {strides = array<i32>} : memref<1024xf32, #tpu.memory_space<vmem>>, vector<16xf32>,
      %get3A_100 = vector.shape_cast %get3A_99 : vector<16xf32> to vector<16xf32>
      %swap3A_101 = arith.constant 1 : i32
      %swap3A_102 = arith.index_cast %swap3A_101 : i32 to index
      %swap3A_103 = arith.constant 16 : index
      %swap3A_104 = tpu.vector_load %arg10[%swap3A_102, %swap3A_103] {strides = array<i32>} : memref<8x128xf32, #tpu.memory_space<vmem>>, vector<1x16xf32>,
      %swap3A_105 = vector.shape_cast %swap3A_104 : vector<1x16xf32> to vector<16xf32>
      %swap3A_106 = vector.shape_cast %get3A_100 : vector<16xf32> to vector<1x16xf32>
      tpu.vector_store %arg10[%swap3A_102, %swap3A_103], %swap3A_106 {strides = array<i32>} : memref<8x128xf32, #tpu.memory_space<vmem>>, vector<1x16xf32>,
      %get3A_107 = arith.constant 160 : index
      %get3A_108 = tpu.vector_load %arg9[%get3A_107] {strides = array<i32>} : memref<1024xf32, #tpu.memory_space<vmem>>, vector<16xf32>,
      %get3A_109 = vector.shape_cast %get3A_108 : vector<16xf32> to vector<16xf32>
      %swap3A_110 = arith.constant 1 : i32
      %swap3A_111 = arith.index_cast %swap3A_110 : i32 to index
      %swap3A_112 = arith.constant 32 : index
      %swap3A_113 = tpu.vector_load %arg10[%swap3A_111, %swap3A_112] {strides = array<i32>} : memref<8x128xf32, #tpu.memory_space<vmem>>, vector<1x16xf32>,
      %swap3A_114 = vector.shape_cast %swap3A_113 : vector<1x16xf32> to vector<16xf32>
      %swap3A_115 = vector.shape_cast %get3A_109 : vector<16xf32> to vector<1x16xf32>
      tpu.vector_store %arg10[%swap3A_111, %swap3A_112], %swap3A_115 {strides = array<i32>} : memref<8x128xf32, #tpu.memory_space<vmem>>, vector<1x16xf32>,
      %get3A_116 = arith.constant 176 : index
      %get3A_117 = tpu.vector_load %arg9[%get3A_116] {strides = array<i32>} : memref<1024xf32, #tpu.memory_space<vmem>>, vector<16xf32>,
      %get3A_118 = vector.shape_cast %get3A_117 : vector<16xf32> to vector<16xf32>
      %swap3A_119 = arith.constant 1 : i32
      %swap3A_120 = arith.index_cast %swap3A_119 : i32 to index
      %swap3A_121 = arith.constant 48 : index
      %swap3A_122 = tpu.vector_load %arg10[%swap3A_120, %swap3A_121] {strides = array<i32>} : memref<8x128xf32, #tpu.memory_space<vmem>>, vector<1x16xf32>,
      %swap3A_123 = vector.shape_cast %swap3A_122 : vector<1x16xf32> to vector<16xf32>
      %swap3A_124 = vector.shape_cast %get3A_118 : vector<16xf32> to vector<1x16xf32>
      tpu.vector_store %arg10[%swap3A_120, %swap3A_121], %swap3A_124 {strides = array<i32>} : memref<8x128xf32, #tpu.memory_space<vmem>>, vector<1x16xf32>,
      %get3A_125 = arith.constant 192 : index
      %get3A_126 = tpu.vector_load %arg9[%get3A_125] {strides = array<i32>} : memref<1024xf32, #tpu.memory_space<vmem>>, vector<16xf32>,
      %get3A_127 = vector.shape_cast %get3A_126 : vector<16xf32> to vector<16xf32>
      %swap3A_128 = arith.constant 1 : i32
      %swap3A_129 = arith.index_cast %swap3A_128 : i32 to index
      %swap3A_130 = arith.constant 64 : index
      %swap3A_131 = tpu.vector_load %arg10[%swap3A_129, %swap3A_130] {strides = array<i32>} : memref<8x128xf32, #tpu.memory_space<vmem>>, vector<1x16xf32>,
      %swap3A_132 = vector.shape_cast %swap3A_131 : vector<1x16xf32> to vector<16xf32>
      %swap3A_133 = vector.shape_cast %get3A_127 : vector<16xf32> to vector<1x16xf32>
      tpu.vector_store %arg10[%swap3A_129, %swap3A_130], %swap3A_133 {strides = array<i32>} : memref<8x128xf32, #tpu.memory_space<vmem>>, vector<1x16xf32>,
      %get3A_134 = arith.constant 208 : index
      %get3A_135 = tpu.vector_load %arg9[%get3A_134] {strides = array<i32>} : memref<1024xf32, #tpu.memory_space<vmem>>, vector<16xf32>,
      %get3A_136 = vector.shape_cast %get3A_135 : vector<16xf32> to vector<16xf32>
      %swap3A_137 = arith.constant 1 : i32
      %swap3A_138 = arith.index_cast %swap3A_137 : i32 to index
      %swap3A_139 = arith.constant 80 : index
      %swap3A_140 = tpu.vector_load %arg10[%swap3A_138, %swap3A_139] {strides = array<i32>} : memref<8x128xf32, #tpu.memory_space<vmem>>, vector<1x16xf32>,
      %swap3A_141 = vector.shape_cast %swap3A_140 : vector<1x16xf32> to vector<16xf32>
      %swap3A_142 = vector.shape_cast %get3A_136 : vector<16xf32> to vector<1x16xf32>
      tpu.vector_store %arg10[%swap3A_138, %swap3A_139], %swap3A_142 {strides = array<i32>} : memref<8x128xf32, #tpu.memory_space<vmem>>, vector<1x16xf32>,
      %get3A_143 = arith.constant 224 : index
      %get3A_144 = tpu.vector_load %arg9[%get3A_143] {strides = array<i32>} : memref<1024xf32, #tpu.memory_space<vmem>>, vector<16xf32>,
      %get3A_145 = vector.shape_cast %get3A_144 : vector<16xf32> to vector<16xf32>
      %swap3A_146 = arith.constant 1 : i32
      %swap3A_147 = arith.index_cast %swap3A_146 : i32 to index
      %swap3A_148 = arith.constant 96 : index
      %swap3A_149 = tpu.vector_load %arg10[%swap3A_147, %swap3A_148] {strides = array<i32>} : memref<8x128xf32, #tpu.memory_space<vmem>>, vector<1x16xf32>,
      %swap3A_150 = vector.shape_cast %swap3A_149 : vector<1x16xf32> to vector<16xf32>
      %swap3A_151 = vector.shape_cast %get3A_145 : vector<16xf32> to vector<1x16xf32>
      tpu.vector_store %arg10[%swap3A_147, %swap3A_148], %swap3A_151 {strides = array<i32>} : memref<8x128xf32, #tpu.memory_space<vmem>>, vector<1x16xf32>,
      %get3A_152 = arith.constant 240 : index
      %get3A_153 = tpu.vector_load %arg9[%get3A_152] {strides = array<i32>} : memref<1024xf32, #tpu.memory_space<vmem>>, vector<16xf32>,
      %get3A_154 = vector.shape_cast %get3A_153 : vector<16xf32> to vector<16xf32>
      %swap3A_155 = arith.constant 1 : i32
      %swap3A_156 = arith.index_cast %swap3A_155 : i32 to index
      %swap3A_157 = arith.constant 112 : index
      %swap3A_158 = tpu.vector_load %arg10[%swap3A_156, %swap3A_157] {strides = array<i32>} : memref<8x128xf32, #tpu.memory_space<vmem>>, vector<1x16xf32>,
      %swap3A_159 = vector.shape_cast %swap3A_158 : vector<1x16xf32> to vector<16xf32>
      %swap3A_160 = vector.shape_cast %get3A_154 : vector<16xf32> to vector<1x16xf32>
      tpu.vector_store %arg10[%swap3A_156, %swap3A_157], %swap3A_160 {strides = array<i32>} : memref<8x128xf32, #tpu.memory_space<vmem>>, vector<1x16xf32>,
      %get3A_161 = arith.constant 256 : index
      %get3A_162 = tpu.vector_load %arg9[%get3A_161] {strides = array<i32>} : memref<1024xf32, #tpu.memory_space<vmem>>, vector<16xf32>,
      %get3A_163 = vector.shape_cast %get3A_162 : vector<16xf32> to vector<16xf32>
      %swap3A_164 = arith.constant 2 : i32
      %swap3A_165 = arith.index_cast %swap3A_164 : i32 to index
      %swap3A_166 = arith.constant 0 : index
      %swap3A_167 = tpu.vector_load %arg10[%swap3A_165, %swap3A_166] {strides = array<i32>} : memref<8x128xf32, #tpu.memory_space<vmem>>, vector<1x16xf32>,
      %swap3A_168 = vector.shape_cast %swap3A_167 : vector<1x16xf32> to vector<16xf32>
      %swap3A_169 = vector.shape_cast %get3A_163 : vector<16xf32> to vector<1x16xf32>
      tpu.vector_store %arg10[%swap3A_165, %swap3A_166], %swap3A_169 {strides = array<i32>} : memref<8x128xf32, #tpu.memory_space<vmem>>, vector<1x16xf32>,
      %get3A_170 = arith.constant 272 : index
      %get3A_171 = tpu.vector_load %arg9[%get3A_170] {strides = array<i32>} : memref<1024xf32, #tpu.memory_space<vmem>>, vector<16xf32>,
      %get3A_172 = vector.shape_cast %get3A_171 : vector<16xf32> to vector<16xf32>
      %swap3A_173 = arith.constant 2 : i32
      %swap3A_174 = arith.index_cast %swap3A_173 : i32 to index
      %swap3A_175 = arith.constant 16 : index
      %swap3A_176 = tpu.vector_load %arg10[%swap3A_174, %swap3A_175] {strides = array<i32>} : memref<8x128xf32, #tpu.memory_space<vmem>>, vector<1x16xf32>,
      %swap3A_177 = vector.shape_cast %swap3A_176 : vector<1x16xf32> to vector<16xf32>
      %swap3A_178 = vector.shape_cast %get3A_172 : vector<16xf32> to vector<1x16xf32>
      tpu.vector_store %arg10[%swap3A_174, %swap3A_175], %swap3A_178 {strides = array<i32>} : memref<8x128xf32, #tpu.memory_space<vmem>>, vector<1x16xf32>,
      %get3A_179 = arith.constant 288 : index
      %get3A_180 = tpu.vector_load %arg9[%get3A_179] {strides = array<i32>} : memref<1024xf32, #tpu.memory_space<vmem>>, vector<16xf32>,
      %get3A_181 = vector.shape_cast %get3A_180 : vector<16xf32> to vector<16xf32>
      %swap3A_182 = arith.constant 2 : i32
      %swap3A_183 = arith.index_cast %swap3A_182 : i32 to index
      %swap3A_184 = arith.constant 32 : index
      %swap3A_185 = tpu.vector_load %arg10[%swap3A_183, %swap3A_184] {strides = array<i32>} : memref<8x128xf32, #tpu.memory_space<vmem>>, vector<1x16xf32>,
      %swap3A_186 = vector.shape_cast %swap3A_185 : vector<1x16xf32> to vector<16xf32>
      %swap3A_187 = vector.shape_cast %get3A_181 : vector<16xf32> to vector<1x16xf32>
      tpu.vector_store %arg10[%swap3A_183, %swap3A_184], %swap3A_187 {strides = array<i32>} : memref<8x128xf32, #tpu.memory_space<vmem>>, vector<1x16xf32>,
      %get3A_188 = arith.constant 304 : index
      %get3A_189 = tpu.vector_load %arg9[%get3A_188] {strides = array<i32>} : memref<1024xf32, #tpu.memory_space<vmem>>, vector<16xf32>,
      %get3A_190 = vector.shape_cast %get3A_189 : vector<16xf32> to vector<16xf32>
      %swap3A_191 = arith.constant 2 : i32
      %swap3A_192 = arith.index_cast %swap3A_191 : i32 to index
      %swap3A_193 = arith.constant 48 : index
      %swap3A_194 = tpu.vector_load %arg10[%swap3A_192, %swap3A_193] {strides = array<i32>} : memref<8x128xf32, #tpu.memory_space<vmem>>, vector<1x16xf32>,
      %swap3A_195 = vector.shape_cast %swap3A_194 : vector<1x16xf32> to vector<16xf32>
      %swap3A_196 = vector.shape_cast %get3A_190 : vector<16xf32> to vector<1x16xf32>
      tpu.vector_store %arg10[%swap3A_192, %swap3A_193], %swap3A_196 {strides = array<i32>} : memref<8x128xf32, #tpu.memory_space<vmem>>, vector<1x16xf32>,
      %get3A_197 = arith.constant 320 : index
      %get3A_198 = tpu.vector_load %arg9[%get3A_197] {strides = array<i32>} : memref<1024xf32, #tpu.memory_space<vmem>>, vector<16xf32>,
      %get3A_199 = vector.shape_cast %get3A_198 : vector<16xf32> to vector<16xf32>
      %swap3A_200 = arith.constant 2 : i32
      %swap3A_201 = arith.index_cast %swap3A_200 : i32 to index
      %swap3A_202 = arith.constant 64 : index
      %swap3A_203 = tpu.vector_load %arg10[%swap3A_201, %swap3A_202] {strides = array<i32>} : memref<8x128xf32, #tpu.memory_space<vmem>>, vector<1x16xf32>,
      %swap3A_204 = vector.shape_cast %swap3A_203 : vector<1x16xf32> to vector<16xf32>
      %swap3A_205 = vector.shape_cast %get3A_199 : vector<16xf32> to vector<1x16xf32>
      tpu.vector_store %arg10[%swap3A_201, %swap3A_202], %swap3A_205 {strides = array<i32>} : memref<8x128xf32, #tpu.memory_space<vmem>>, vector<1x16xf32>,
      %get3A_206 = arith.constant 336 : index
      %get3A_207 = tpu.vector_load %arg9[%get3A_206] {strides = array<i32>} : memref<1024xf32, #tpu.memory_space<vmem>>, vector<16xf32>,
      %get3A_208 = vector.shape_cast %get3A_207 : vector<16xf32> to vector<16xf32>
      %swap3A_209 = arith.constant 2 : i32
      %swap3A_210 = arith.index_cast %swap3A_209 : i32 to index
      %swap3A_211 = arith.constant 80 : index
      %swap3A_212 = tpu.vector_load %arg10[%swap3A_210, %swap3A_211] {strides = array<i32>} : memref<8x128xf32, #tpu.memory_space<vmem>>, vector<1x16xf32>,
      %swap3A_213 = vector.shape_cast %swap3A_212 : vector<1x16xf32> to vector<16xf32>
      %swap3A_214 = vector.shape_cast %get3A_208 : vector<16xf32> to vector<1x16xf32>
      tpu.vector_store %arg10[%swap3A_210, %swap3A_211], %swap3A_214 {strides = array<i32>} : memref<8x128xf32, #tpu.memory_space<vmem>>, vector<1x16xf32>,
      %get3A_215 = arith.constant 352 : index
      %get3A_216 = tpu.vector_load %arg9[%get3A_215] {strides = array<i32>} : memref<1024xf32, #tpu.memory_space<vmem>>, vector<16xf32>,
      %get3A_217 = vector.shape_cast %get3A_216 : vector<16xf32> to vector<16xf32>
      %swap3A_218 = arith.constant 2 : i32
      %swap3A_219 = arith.index_cast %swap3A_218 : i32 to index
      %swap3A_220 = arith.constant 96 : index
      %swap3A_221 = tpu.vector_load %arg10[%swap3A_219, %swap3A_220] {strides = array<i32>} : memref<8x128xf32, #tpu.memory_space<vmem>>, vector<1x16xf32>,
      %swap3A_222 = vector.shape_cast %swap3A_221 : vector<1x16xf32> to vector<16xf32>
      %swap3A_223 = vector.shape_cast %get3A_217 : vector<16xf32> to vector<1x16xf32>
      tpu.vector_store %arg10[%swap3A_219, %swap3A_220], %swap3A_223 {strides = array<i32>} : memref<8x128xf32, #tpu.memory_space<vmem>>, vector<1x16xf32>,
      %get3A_224 = arith.constant 368 : index
      %get3A_225 = tpu.vector_load %arg9[%get3A_224] {strides = array<i32>} : memref<1024xf32, #tpu.memory_space<vmem>>, vector<16xf32>,
      %get3A_226 = vector.shape_cast %get3A_225 : vector<16xf32> to vector<16xf32>
      %swap3A_227 = arith.constant 2 : i32
      %swap3A_228 = arith.index_cast %swap3A_227 : i32 to index
      %swap3A_229 = arith.constant 112 : index
      %swap3A_230 = tpu.vector_load %arg10[%swap3A_228, %swap3A_229] {strides = array<i32>} : memref<8x128xf32, #tpu.memory_space<vmem>>, vector<1x16xf32>,
      %swap3A_231 = vector.shape_cast %swap3A_230 : vector<1x16xf32> to vector<16xf32>
      %swap3A_232 = vector.shape_cast %get3A_226 : vector<16xf32> to vector<1x16xf32>
      tpu.vector_store %arg10[%swap3A_228, %swap3A_229], %swap3A_232 {strides = array<i32>} : memref<8x128xf32, #tpu.memory_space<vmem>>, vector<1x16xf32>,
      %get3A_233 = arith.constant 384 : index
      %get3A_234 = tpu.vector_load %arg9[%get3A_233] {strides = array<i32>} : memref<1024xf32, #tpu.memory_space<vmem>>, vector<16xf32>,
      %get3A_235 = vector.shape_cast %get3A_234 : vector<16xf32> to vector<16xf32>
      %swap3A_236 = arith.constant 3 : i32
      %swap3A_237 = arith.index_cast %swap3A_236 : i32 to index
      %swap3A_238 = arith.constant 0 : index
      %swap3A_239 = tpu.vector_load %arg10[%swap3A_237, %swap3A_238] {strides = array<i32>} : memref<8x128xf32, #tpu.memory_space<vmem>>, vector<1x16xf32>,
      %swap3A_240 = vector.shape_cast %swap3A_239 : vector<1x16xf32> to vector<16xf32>
      %swap3A_241 = vector.shape_cast %get3A_235 : vector<16xf32> to vector<1x16xf32>
      tpu.vector_store %arg10[%swap3A_237, %swap3A_238], %swap3A_241 {strides = array<i32>} : memref<8x128xf32, #tpu.memory_space<vmem>>, vector<1x16xf32>,
      %get3A_242 = arith.constant 400 : index
      %get3A_243 = tpu.vector_load %arg9[%get3A_242] {strides = array<i32>} : memref<1024xf32, #tpu.memory_space<vmem>>, vector<16xf32>,
      %get3A_244 = vector.shape_cast %get3A_243 : vector<16xf32> to vector<16xf32>
      %swap3A_245 = arith.constant 3 : i32
      %swap3A_246 = arith.index_cast %swap3A_245 : i32 to index
      %swap3A_247 = arith.constant 16 : index
      %swap3A_248 = tpu.vector_load %arg10[%swap3A_246, %swap3A_247] {strides = array<i32>} : memref<8x128xf32, #tpu.memory_space<vmem>>, vector<1x16xf32>,
      %swap3A_249 = vector.shape_cast %swap3A_248 : vector<1x16xf32> to vector<16xf32>
      %swap3A_250 = vector.shape_cast %get3A_244 : vector<16xf32> to vector<1x16xf32>
      tpu.vector_store %arg10[%swap3A_246, %swap3A_247], %swap3A_250 {strides = array<i32>} : memref<8x128xf32, #tpu.memory_space<vmem>>, vector<1x16xf32>,
      %get3A_251 = arith.constant 416 : index
      %get3A_252 = tpu.vector_load %arg9[%get3A_251] {strides = array<i32>} : memref<1024xf32, #tpu.memory_space<vmem>>, vector<16xf32>,
      %get3A_253 = vector.shape_cast %get3A_252 : vector<16xf32> to vector<16xf32>
      %swap3A_254 = arith.constant 3 : i32
      %swap3A_255 = arith.index_cast %swap3A_254 : i32 to index
      %swap3A_256 = arith.constant 32 : index
      %swap3A_257 = tpu.vector_load %arg10[%swap3A_255, %swap3A_256] {strides = array<i32>} : memref<8x128xf32, #tpu.memory_space<vmem>>, vector<1x16xf32>,
      %swap3A_258 = vector.shape_cast %swap3A_257 : vector<1x16xf32> to vector<16xf32>
      %swap3A_259 = vector.shape_cast %get3A_253 : vector<16xf32> to vector<1x16xf32>
      tpu.vector_store %arg10[%swap3A_255, %swap3A_256], %swap3A_259 {strides = array<i32>} : memref<8x128xf32, #tpu.memory_space<vmem>>, vector<1x16xf32>,
      %get3A_260 = arith.constant 432 : index
      %get3A_261 = tpu.vector_load %arg9[%get3A_260] {strides = array<i32>} : memref<1024xf32, #tpu.memory_space<vmem>>, vector<16xf32>,
      %get3A_262 = vector.shape_cast %get3A_261 : vector<16xf32> to vector<16xf32>
      %swap3A_263 = arith.constant 3 : i32
      %swap3A_264 = arith.index_cast %swap3A_263 : i32 to index
      %swap3A_265 = arith.constant 48 : index
      %swap3A_266 = tpu.vector_load %arg10[%swap3A_264, %swap3A_265] {strides = array<i32>} : memref<8x128xf32, #tpu.memory_space<vmem>>, vector<1x16xf32>,
      %swap3A_267 = vector.shape_cast %swap3A_266 : vector<1x16xf32> to vector<16xf32>
      %swap3A_268 = vector.shape_cast %get3A_262 : vector<16xf32> to vector<1x16xf32>
      tpu.vector_store %arg10[%swap3A_264, %swap3A_265], %swap3A_268 {strides = array<i32>} : memref<8x128xf32, #tpu.memory_space<vmem>>, vector<1x16xf32>,
      %get3A_269 = arith.constant 448 : index
      %get3A_270 = tpu.vector_load %arg9[%get3A_269] {strides = array<i32>} : memref<1024xf32, #tpu.memory_space<vmem>>, vector<16xf32>,
      %get3A_271 = vector.shape_cast %get3A_270 : vector<16xf32> to vector<16xf32>
      %swap3A_272 = arith.constant 3 : i32
      %swap3A_273 = arith.index_cast %swap3A_272 : i32 to index
      %swap3A_274 = arith.constant 64 : index
      %swap3A_275 = tpu.vector_load %arg10[%swap3A_273, %swap3A_274] {strides = array<i32>} : memref<8x128xf32, #tpu.memory_space<vmem>>, vector<1x16xf32>,
      %swap3A_276 = vector.shape_cast %swap3A_275 : vector<1x16xf32> to vector<16xf32>
      %swap3A_277 = vector.shape_cast %get3A_271 : vector<16xf32> to vector<1x16xf32>
      tpu.vector_store %arg10[%swap3A_273, %swap3A_274], %swap3A_277 {strides = array<i32>} : memref<8x128xf32, #tpu.memory_space<vmem>>, vector<1x16xf32>,
      %get3A_278 = arith.constant 464 : index
      %get3A_279 = tpu.vector_load %arg9[%get3A_278] {strides = array<i32>} : memref<1024xf32, #tpu.memory_space<vmem>>, vector<16xf32>,
      %get3A_280 = vector.shape_cast %get3A_279 : vector<16xf32> to vector<16xf32>
      %swap3A_281 = arith.constant 3 : i32
      %swap3A_282 = arith.index_cast %swap3A_281 : i32 to index
      %swap3A_283 = arith.constant 80 : index
      %swap3A_284 = tpu.vector_load %arg10[%swap3A_282, %swap3A_283] {strides = array<i32>} : memref<8x128xf32, #tpu.memory_space<vmem>>, vector<1x16xf32>,
      %swap3A_285 = vector.shape_cast %swap3A_284 : vector<1x16xf32> to vector<16xf32>
      %swap3A_286 = vector.shape_cast %get3A_280 : vector<16xf32> to vector<1x16xf32>
      tpu.vector_store %arg10[%swap3A_282, %swap3A_283], %swap3A_286 {strides = array<i32>} : memref<8x128xf32, #tpu.memory_space<vmem>>, vector<1x16xf32>,
      %get3A_287 = arith.constant 480 : index
      %get3A_288 = tpu.vector_load %arg9[%get3A_287] {strides = array<i32>} : memref<1024xf32, #tpu.memory_space<vmem>>, vector<16xf32>,
      %get3A_289 = vector.shape_cast %get3A_288 : vector<16xf32> to vector<16xf32>
      %swap3A_290 = arith.constant 3 : i32
      %swap3A_291 = arith.index_cast %swap3A_290 : i32 to index
      %swap3A_292 = arith.constant 96 : index
      %swap3A_293 = tpu.vector_load %arg10[%swap3A_291, %swap3A_292] {strides = array<i32>} : memref<8x128xf32, #tpu.memory_space<vmem>>, vector<1x16xf32>,
      %swap3A_294 = vector.shape_cast %swap3A_293 : vector<1x16xf32> to vector<16xf32>
      %swap3A_295 = vector.shape_cast %get3A_289 : vector<16xf32> to vector<1x16xf32>
      tpu.vector_store %arg10[%swap3A_291, %swap3A_292], %swap3A_295 {strides = array<i32>} : memref<8x128xf32, #tpu.memory_space<vmem>>, vector<1x16xf32>,
      %get3A_296 = arith.constant 496 : index
      %get3A_297 = tpu.vector_load %arg9[%get3A_296] {strides = array<i32>} : memref<1024xf32, #tpu.memory_space<vmem>>, vector<16xf32>,
      %get3A_298 = vector.shape_cast %get3A_297 : vector<16xf32> to vector<16xf32>
      %swap3A_299 = arith.constant 3 : i32
      %swap3A_300 = arith.index_cast %swap3A_299 : i32 to index
      %swap3A_301 = arith.constant 112 : index
      %swap3A_302 = tpu.vector_load %arg10[%swap3A_300, %swap3A_301] {strides = array<i32>} : memref<8x128xf32, #tpu.memory_space<vmem>>, vector<1x16xf32>,
      %swap3A_303 = vector.shape_cast %swap3A_302 : vector<1x16xf32> to vector<16xf32>
      %swap3A_304 = vector.shape_cast %get3A_298 : vector<16xf32> to vector<1x16xf32>
      tpu.vector_store %arg10[%swap3A_300, %swap3A_301], %swap3A_304 {strides = array<i32>} : memref<8x128xf32, #tpu.memory_space<vmem>>, vector<1x16xf32>,
      %get3A_305 = arith.constant 512 : index
      %get3A_306 = tpu.vector_load %arg9[%get3A_305] {strides = array<i32>} : memref<1024xf32, #tpu.memory_space<vmem>>, vector<16xf32>,
      %get3A_307 = vector.shape_cast %get3A_306 : vector<16xf32> to vector<16xf32>
      %swap3A_308 = arith.constant 4 : i32
      %swap3A_309 = arith.index_cast %swap3A_308 : i32 to index
      %swap3A_310 = arith.constant 0 : index
      %swap3A_311 = tpu.vector_load %arg10[%swap3A_309, %swap3A_310] {strides = array<i32>} : memref<8x128xf32, #tpu.memory_space<vmem>>, vector<1x16xf32>,
      %swap3A_312 = vector.shape_cast %swap3A_311 : vector<1x16xf32> to vector<16xf32>
      %swap3A_313 = vector.shape_cast %get3A_307 : vector<16xf32> to vector<1x16xf32>
      tpu.vector_store %arg10[%swap3A_309, %swap3A_310], %swap3A_313 {strides = array<i32>} : memref<8x128xf32, #tpu.memory_space<vmem>>, vector<1x16xf32>,
      %get3A_314 = arith.constant 528 : index
      %get3A_315 = tpu.vector_load %arg9[%get3A_314] {strides = array<i32>} : memref<1024xf32, #tpu.memory_space<vmem>>, vector<16xf32>,
      %get3A_316 = vector.shape_cast %get3A_315 : vector<16xf32> to vector<16xf32>
      %swap3A_317 = arith.constant 4 : i32
      %swap3A_318 = arith.index_cast %swap3A_317 : i32 to index
      %swap3A_319 = arith.constant 16 : index
      %swap3A_320 = tpu.vector_load %arg10[%swap3A_318, %swap3A_319] {strides = array<i32>} : memref<8x128xf32, #tpu.memory_space<vmem>>, vector<1x16xf32>,
      %swap3A_321 = vector.shape_cast %swap3A_320 : vector<1x16xf32> to vector<16xf32>
      %swap3A_322 = vector.shape_cast %get3A_316 : vector<16xf32> to vector<1x16xf32>
      tpu.vector_store %arg10[%swap3A_318, %swap3A_319], %swap3A_322 {strides = array<i32>} : memref<8x128xf32, #tpu.memory_space<vmem>>, vector<1x16xf32>,
      %get3A_323 = arith.constant 544 : index
      %get3A_324 = tpu.vector_load %arg9[%get3A_323] {strides = array<i32>} : memref<1024xf32, #tpu.memory_space<vmem>>, vector<16xf32>,
      %get3A_325 = vector.shape_cast %get3A_324 : vector<16xf32> to vector<16xf32>
      %swap3A_326 = arith.constant 4 : i32
      %swap3A_327 = arith.index_cast %swap3A_326 : i32 to index
      %swap3A_328 = arith.constant 32 : index
      %swap3A_329 = tpu.vector_load %arg10[%swap3A_327, %swap3A_328] {strides = array<i32>} : memref<8x128xf32, #tpu.memory_space<vmem>>, vector<1x16xf32>,
      %swap3A_330 = vector.shape_cast %swap3A_329 : vector<1x16xf32> to vector<16xf32>
      %swap3A_331 = vector.shape_cast %get3A_325 : vector<16xf32> to vector<1x16xf32>
      tpu.vector_store %arg10[%swap3A_327, %swap3A_328], %swap3A_331 {strides = array<i32>} : memref<8x128xf32, #tpu.memory_space<vmem>>, vector<1x16xf32>,
      %get3A_332 = arith.constant 560 : index
      %get3A_333 = tpu.vector_load %arg9[%get3A_332] {strides = array<i32>} : memref<1024xf32, #tpu.memory_space<vmem>>, vector<16xf32>,
      %get3A_334 = vector.shape_cast %get3A_333 : vector<16xf32> to vector<16xf32>
      %swap3A_335 = arith.constant 4 : i32
      %swap3A_336 = arith.index_cast %swap3A_335 : i32 to index
      %swap3A_337 = arith.constant 48 : index
      %swap3A_338 = tpu.vector_load %arg10[%swap3A_336, %swap3A_337] {strides = array<i32>} : memref<8x128xf32, #tpu.memory_space<vmem>>, vector<1x16xf32>,
      %swap3A_339 = vector.shape_cast %swap3A_338 : vector<1x16xf32> to vector<16xf32>
      %swap3A_340 = vector.shape_cast %get3A_334 : vector<16xf32> to vector<1x16xf32>
      tpu.vector_store %arg10[%swap3A_336, %swap3A_337], %swap3A_340 {strides = array<i32>} : memref<8x128xf32, #tpu.memory_space<vmem>>, vector<1x16xf32>,
      %get3A_341 = arith.constant 576 : index
      %get3A_342 = tpu.vector_load %arg9[%get3A_341] {strides = array<i32>} : memref<1024xf32, #tpu.memory_space<vmem>>, vector<16xf32>,
      %get3A_343 = vector.shape_cast %get3A_342 : vector<16xf32> to vector<16xf32>
      %swap3A_344 = arith.constant 4 : i32
      %swap3A_345 = arith.index_cast %swap3A_344 : i32 to index
      %swap3A_346 = arith.constant 64 : index
      %swap3A_347 = tpu.vector_load %arg10[%swap3A_345, %swap3A_346] {strides = array<i32>} : memref<8x128xf32, #tpu.memory_space<vmem>>, vector<1x16xf32>,
      %swap3A_348 = vector.shape_cast %swap3A_347 : vector<1x16xf32> to vector<16xf32>
      %swap3A_349 = vector.shape_cast %get3A_343 : vector<16xf32> to vector<1x16xf32>
      tpu.vector_store %arg10[%swap3A_345, %swap3A_346], %swap3A_349 {strides = array<i32>} : memref<8x128xf32, #tpu.memory_space<vmem>>, vector<1x16xf32>,
      %get3A_350 = arith.constant 592 : index
      %get3A_351 = tpu.vector_load %arg9[%get3A_350] {strides = array<i32>} : memref<1024xf32, #tpu.memory_space<vmem>>, vector<16xf32>,
      %get3A_352 = vector.shape_cast %get3A_351 : vector<16xf32> to vector<16xf32>
      %swap3A_353 = arith.constant 4 : i32
      %swap3A_354 = arith.index_cast %swap3A_353 : i32 to index
      %swap3A_355 = arith.constant 80 : index
      %swap3A_356 = tpu.vector_load %arg10[%swap3A_354, %swap3A_355] {strides = array<i32>} : memref<8x128xf32, #tpu.memory_space<vmem>>, vector<1x16xf32>,
      %swap3A_357 = vector.shape_cast %swap3A_356 : vector<1x16xf32> to vector<16xf32>
      %swap3A_358 = vector.shape_cast %get3A_352 : vector<16xf32> to vector<1x16xf32>
      tpu.vector_store %arg10[%swap3A_354, %swap3A_355], %swap3A_358 {strides = array<i32>} : memref<8x128xf32, #tpu.memory_space<vmem>>, vector<1x16xf32>,
      %get3A_359 = arith.constant 608 : index
      %get3A_360 = tpu.vector_load %arg9[%get3A_359] {strides = array<i32>} : memref<1024xf32, #tpu.memory_space<vmem>>, vector<16xf32>,
      %get3A_361 = vector.shape_cast %get3A_360 : vector<16xf32> to vector<16xf32>
      %swap3A_362 = arith.constant 4 : i32
      %swap3A_363 = arith.index_cast %swap3A_362 : i32 to index
      %swap3A_364 = arith.constant 96 : index
      %swap3A_365 = tpu.vector_load %arg10[%swap3A_363, %swap3A_364] {strides = array<i32>} : memref<8x128xf32, #tpu.memory_space<vmem>>, vector<1x16xf32>,
      %swap3A_366 = vector.shape_cast %swap3A_365 : vector<1x16xf32> to vector<16xf32>
      %swap3A_367 = vector.shape_cast %get3A_361 : vector<16xf32> to vector<1x16xf32>
      tpu.vector_store %arg10[%swap3A_363, %swap3A_364], %swap3A_367 {strides = array<i32>} : memref<8x128xf32, #tpu.memory_space<vmem>>, vector<1x16xf32>,
      %get3A_368 = arith.constant 624 : index
      %get3A_369 = tpu.vector_load %arg9[%get3A_368] {strides = array<i32>} : memref<1024xf32, #tpu.memory_space<vmem>>, vector<16xf32>,
      %get3A_370 = vector.shape_cast %get3A_369 : vector<16xf32> to vector<16xf32>
      %swap3A_371 = arith.constant 4 : i32
      %swap3A_372 = arith.index_cast %swap3A_371 : i32 to index
      %swap3A_373 = arith.constant 112 : index
      %swap3A_374 = tpu.vector_load %arg10[%swap3A_372, %swap3A_373] {strides = array<i32>} : memref<8x128xf32, #tpu.memory_space<vmem>>, vector<1x16xf32>,
      %swap3A_375 = vector.shape_cast %swap3A_374 : vector<1x16xf32> to vector<16xf32>
      %swap3A_376 = vector.shape_cast %get3A_370 : vector<16xf32> to vector<1x16xf32>
      tpu.vector_store %arg10[%swap3A_372, %swap3A_373], %swap3A_376 {strides = array<i32>} : memref<8x128xf32, #tpu.memory_space<vmem>>, vector<1x16xf32>,
      %get3A_377 = arith.constant 640 : index
      %get3A_378 = tpu.vector_load %arg9[%get3A_377] {strides = array<i32>} : memref<1024xf32, #tpu.memory_space<vmem>>, vector<16xf32>,
      %get3A_379 = vector.shape_cast %get3A_378 : vector<16xf32> to vector<16xf32>
      %swap3A_380 = arith.constant 5 : i32
      %swap3A_381 = arith.index_cast %swap3A_380 : i32 to index
      %swap3A_382 = arith.constant 0 : index
      %swap3A_383 = tpu.vector_load %arg10[%swap3A_381, %swap3A_382] {strides = array<i32>} : memref<8x128xf32, #tpu.memory_space<vmem>>, vector<1x16xf32>,
      %swap3A_384 = vector.shape_cast %swap3A_383 : vector<1x16xf32> to vector<16xf32>
      %swap3A_385 = vector.shape_cast %get3A_379 : vector<16xf32> to vector<1x16xf32>
      tpu.vector_store %arg10[%swap3A_381, %swap3A_382], %swap3A_385 {strides = array<i32>} : memref<8x128xf32, #tpu.memory_space<vmem>>, vector<1x16xf32>,
      %get3A_386 = arith.constant 656 : index
      %get3A_387 = tpu.vector_load %arg9[%get3A_386] {strides = array<i32>} : memref<1024xf32, #tpu.memory_space<vmem>>, vector<16xf32>,
      %get3A_388 = vector.shape_cast %get3A_387 : vector<16xf32> to vector<16xf32>
      %swap3A_389 = arith.constant 5 : i32
      %swap3A_390 = arith.index_cast %swap3A_389 : i32 to index
      %swap3A_391 = arith.constant 16 : index
      %swap3A_392 = tpu.vector_load %arg10[%swap3A_390, %swap3A_391] {strides = array<i32>} : memref<8x128xf32, #tpu.memory_space<vmem>>, vector<1x16xf32>,
      %swap3A_393 = vector.shape_cast %swap3A_392 : vector<1x16xf32> to vector<16xf32>
      %swap3A_394 = vector.shape_cast %get3A_388 : vector<16xf32> to vector<1x16xf32>
      tpu.vector_store %arg10[%swap3A_390, %swap3A_391], %swap3A_394 {strides = array<i32>} : memref<8x128xf32, #tpu.memory_space<vmem>>, vector<1x16xf32>,
      %get3A_395 = arith.constant 672 : index
      %get3A_396 = tpu.vector_load %arg9[%get3A_395] {strides = array<i32>} : memref<1024xf32, #tpu.memory_space<vmem>>, vector<16xf32>,
      %get3A_397 = vector.shape_cast %get3A_396 : vector<16xf32> to vector<16xf32>
      %swap3A_398 = arith.constant 5 : i32
      %swap3A_399 = arith.index_cast %swap3A_398 : i32 to index
      %swap3A_400 = arith.constant 32 : index
      %swap3A_401 = tpu.vector_load %arg10[%swap3A_399, %swap3A_400] {strides = array<i32>} : memref<8x128xf32, #tpu.memory_space<vmem>>, vector<1x16xf32>,
      %swap3A_402 = vector.shape_cast %swap3A_401 : vector<1x16xf32> to vector<16xf32>
      %swap3A_403 = vector.shape_cast %get3A_397 : vector<16xf32> to vector<1x16xf32>
      tpu.vector_store %arg10[%swap3A_399, %swap3A_400], %swap3A_403 {strides = array<i32>} : memref<8x128xf32, #tpu.memory_space<vmem>>, vector<1x16xf32>,
      %get3A_404 = arith.constant 688 : index
      %get3A_405 = tpu.vector_load %arg9[%get3A_404] {strides = array<i32>} : memref<1024xf32, #tpu.memory_space<vmem>>, vector<16xf32>,
      %get3A_406 = vector.shape_cast %get3A_405 : vector<16xf32> to vector<16xf32>
      %swap3A_407 = arith.constant 5 : i32
      %swap3A_408 = arith.index_cast %swap3A_407 : i32 to index
      %swap3A_409 = arith.constant 48 : index
      %swap3A_410 = tpu.vector_load %arg10[%swap3A_408, %swap3A_409] {strides = array<i32>} : memref<8x128xf32, #tpu.memory_space<vmem>>, vector<1x16xf32>,
      %swap3A_411 = vector.shape_cast %swap3A_410 : vector<1x16xf32> to vector<16xf32>
      %swap3A_412 = vector.shape_cast %get3A_406 : vector<16xf32> to vector<1x16xf32>
      tpu.vector_store %arg10[%swap3A_408, %swap3A_409], %swap3A_412 {strides = array<i32>} : memref<8x128xf32, #tpu.memory_space<vmem>>, vector<1x16xf32>,
      %get3A_413 = arith.constant 704 : index
      %get3A_414 = tpu.vector_load %arg9[%get3A_413] {strides = array<i32>} : memref<1024xf32, #tpu.memory_space<vmem>>, vector<16xf32>,
      %get3A_415 = vector.shape_cast %get3A_414 : vector<16xf32> to vector<16xf32>
      %swap3A_416 = arith.constant 5 : i32
      %swap3A_417 = arith.index_cast %swap3A_416 : i32 to index
      %swap3A_418 = arith.constant 64 : index
      %swap3A_419 = tpu.vector_load %arg10[%swap3A_417, %swap3A_418] {strides = array<i32>} : memref<8x128xf32, #tpu.memory_space<vmem>>, vector<1x16xf32>,
      %swap3A_420 = vector.shape_cast %swap3A_419 : vector<1x16xf32> to vector<16xf32>
      %swap3A_421 = vector.shape_cast %get3A_415 : vector<16xf32> to vector<1x16xf32>
      tpu.vector_store %arg10[%swap3A_417, %swap3A_418], %swap3A_421 {strides = array<i32>} : memref<8x128xf32, #tpu.memory_space<vmem>>, vector<1x16xf32>,
      %get3A_422 = arith.constant 720 : index
      %get3A_423 = tpu.vector_load %arg9[%get3A_422] {strides = array<i32>} : memref<1024xf32, #tpu.memory_space<vmem>>, vector<16xf32>,
      %get3A_424 = vector.shape_cast %get3A_423 : vector<16xf32> to vector<16xf32>
      %swap3A_425 = arith.constant 5 : i32
      %swap3A_426 = arith.index_cast %swap3A_425 : i32 to index
      %swap3A_427 = arith.constant 80 : index
      %swap3A_428 = tpu.vector_load %arg10[%swap3A_426, %swap3A_427] {strides = array<i32>} : memref<8x128xf32, #tpu.memory_space<vmem>>, vector<1x16xf32>,
      %swap3A_429 = vector.shape_cast %swap3A_428 : vector<1x16xf32> to vector<16xf32>
      %swap3A_430 = vector.shape_cast %get3A_424 : vector<16xf32> to vector<1x16xf32>
      tpu.vector_store %arg10[%swap3A_426, %swap3A_427], %swap3A_430 {strides = array<i32>} : memref<8x128xf32, #tpu.memory_space<vmem>>, vector<1x16xf32>,
      %get3A_431 = arith.constant 736 : index
      %get3A_432 = tpu.vector_load %arg9[%get3A_431] {strides = array<i32>} : memref<1024xf32, #tpu.memory_space<vmem>>, vector<16xf32>,
      %get3A_433 = vector.shape_cast %get3A_432 : vector<16xf32> to vector<16xf32>
      %swap3A_434 = arith.constant 5 : i32
      %swap3A_435 = arith.index_cast %swap3A_434 : i32 to index
      %swap3A_436 = arith.constant 96 : index
      %swap3A_437 = tpu.vector_load %arg10[%swap3A_435, %swap3A_436] {strides = array<i32>} : memref<8x128xf32, #tpu.memory_space<vmem>>, vector<1x16xf32>,
      %swap3A_438 = vector.shape_cast %swap3A_437 : vector<1x16xf32> to vector<16xf32>
      %swap3A_439 = vector.shape_cast %get3A_433 : vector<16xf32> to vector<1x16xf32>
      tpu.vector_store %arg10[%swap3A_435, %swap3A_436], %swap3A_439 {strides = array<i32>} : memref<8x128xf32, #tpu.memory_space<vmem>>, vector<1x16xf32>,
      %get3A_440 = arith.constant 752 : index
      %get3A_441 = tpu.vector_load %arg9[%get3A_440] {strides = array<i32>} : memref<1024xf32, #tpu.memory_space<vmem>>, vector<16xf32>,
      %get3A_442 = vector.shape_cast %get3A_441 : vector<16xf32> to vector<16xf32>
      %swap3A_443 = arith.constant 5 : i32
      %swap3A_444 = arith.index_cast %swap3A_443 : i32 to index
      %swap3A_445 = arith.constant 112 : index
      %swap3A_446 = tpu.vector_load %arg10[%swap3A_444, %swap3A_445] {strides = array<i32>} : memref<8x128xf32, #tpu.memory_space<vmem>>, vector<1x16xf32>,
      %swap3A_447 = vector.shape_cast %swap3A_446 : vector<1x16xf32> to vector<16xf32>
      %swap3A_448 = vector.shape_cast %get3A_442 : vector<16xf32> to vector<1x16xf32>
      tpu.vector_store %arg10[%swap3A_444, %swap3A_445], %swap3A_448 {strides = array<i32>} : memref<8x128xf32, #tpu.memory_space<vmem>>, vector<1x16xf32>,
      %get3A_449 = arith.constant 768 : index
      %get3A_450 = tpu.vector_load %arg9[%get3A_449] {strides = array<i32>} : memref<1024xf32, #tpu.memory_space<vmem>>, vector<16xf32>,
      %get3A_451 = vector.shape_cast %get3A_450 : vector<16xf32> to vector<16xf32>
      %swap3A_452 = arith.constant 6 : i32
      %swap3A_453 = arith.index_cast %swap3A_452 : i32 to index
      %swap3A_454 = arith.constant 0 : index
      %swap3A_455 = tpu.vector_load %arg10[%swap3A_453, %swap3A_454] {strides = array<i32>} : memref<8x128xf32, #tpu.memory_space<vmem>>, vector<1x16xf32>,
      %swap3A_456 = vector.shape_cast %swap3A_455 : vector<1x16xf32> to vector<16xf32>
      %swap3A_457 = vector.shape_cast %get3A_451 : vector<16xf32> to vector<1x16xf32>
      tpu.vector_store %arg10[%swap3A_453, %swap3A_454], %swap3A_457 {strides = array<i32>} : memref<8x128xf32, #tpu.memory_space<vmem>>, vector<1x16xf32>,
      %get3A_458 = arith.constant 784 : index
      %get3A_459 = tpu.vector_load %arg9[%get3A_458] {strides = array<i32>} : memref<1024xf32, #tpu.memory_space<vmem>>, vector<16xf32>,
      %get3A_460 = vector.shape_cast %get3A_459 : vector<16xf32> to vector<16xf32>
      %swap3A_461 = arith.constant 6 : i32
      %swap3A_462 = arith.index_cast %swap3A_461 : i32 to index
      %swap3A_463 = arith.constant 16 : index
      %swap3A_464 = tpu.vector_load %arg10[%swap3A_462, %swap3A_463] {strides = array<i32>} : memref<8x128xf32, #tpu.memory_space<vmem>>, vector<1x16xf32>,
      %swap3A_465 = vector.shape_cast %swap3A_464 : vector<1x16xf32> to vector<16xf32>
      %swap3A_466 = vector.shape_cast %get3A_460 : vector<16xf32> to vector<1x16xf32>
      tpu.vector_store %arg10[%swap3A_462, %swap3A_463], %swap3A_466 {strides = array<i32>} : memref<8x128xf32, #tpu.memory_space<vmem>>, vector<1x16xf32>,
      %get3A_467 = arith.constant 800 : index
      %get3A_468 = tpu.vector_load %arg9[%get3A_467] {strides = array<i32>} : memref<1024xf32, #tpu.memory_space<vmem>>, vector<16xf32>,
      %get3A_469 = vector.shape_cast %get3A_468 : vector<16xf32> to vector<16xf32>
      %swap3A_470 = arith.constant 6 : i32
      %swap3A_471 = arith.index_cast %swap3A_470 : i32 to index
      %swap3A_472 = arith.constant 32 : index
      %swap3A_473 = tpu.vector_load %arg10[%swap3A_471, %swap3A_472] {strides = array<i32>} : memref<8x128xf32, #tpu.memory_space<vmem>>, vector<1x16xf32>,
      %swap3A_474 = vector.shape_cast %swap3A_473 : vector<1x16xf32> to vector<16xf32>
      %swap3A_475 = vector.shape_cast %get3A_469 : vector<16xf32> to vector<1x16xf32>
      tpu.vector_store %arg10[%swap3A_471, %swap3A_472], %swap3A_475 {strides = array<i32>} : memref<8x128xf32, #tpu.memory_space<vmem>>, vector<1x16xf32>,
      %get3A_476 = arith.constant 816 : index
      %get3A_477 = tpu.vector_load %arg9[%get3A_476] {strides = array<i32>} : memref<1024xf32, #tpu.memory_space<vmem>>, vector<16xf32>,
      %get3A_478 = vector.shape_cast %get3A_477 : vector<16xf32> to vector<16xf32>
      %swap3A_479 = arith.constant 6 : i32
      %swap3A_480 = arith.index_cast %swap3A_479 : i32 to index
      %swap3A_481 = arith.constant 48 : index
      %swap3A_482 = tpu.vector_load %arg10[%swap3A_480, %swap3A_481] {strides = array<i32>} : memref<8x128xf32, #tpu.memory_space<vmem>>, vector<1x16xf32>,
      %swap3A_483 = vector.shape_cast %swap3A_482 : vector<1x16xf32> to vector<16xf32>
      %swap3A_484 = vector.shape_cast %get3A_478 : vector<16xf32> to vector<1x16xf32>
      tpu.vector_store %arg10[%swap3A_480, %swap3A_481], %swap3A_484 {strides = array<i32>} : memref<8x128xf32, #tpu.memory_space<vmem>>, vector<1x16xf32>,
      %get3A_485 = arith.constant 832 : index
      %get3A_486 = tpu.vector_load %arg9[%get3A_485] {strides = array<i32>} : memref<1024xf32, #tpu.memory_space<vmem>>, vector<16xf32>,
      %get3A_487 = vector.shape_cast %get3A_486 : vector<16xf32> to vector<16xf32>
      %swap3A_488 = arith.constant 6 : i32
      %swap3A_489 = arith.index_cast %swap3A_488 : i32 to index
      %swap3A_490 = arith.constant 64 : index
      %swap3A_491 = tpu.vector_load %arg10[%swap3A_489, %swap3A_490] {strides = array<i32>} : memref<8x128xf32, #tpu.memory_space<vmem>>, vector<1x16xf32>,
      %swap3A_492 = vector.shape_cast %swap3A_491 : vector<1x16xf32> to vector<16xf32>
      %swap3A_493 = vector.shape_cast %get3A_487 : vector<16xf32> to vector<1x16xf32>
      tpu.vector_store %arg10[%swap3A_489, %swap3A_490], %swap3A_493 {strides = array<i32>} : memref<8x128xf32, #tpu.memory_space<vmem>>, vector<1x16xf32>,
      %get3A_494 = arith.constant 848 : index
      %get3A_495 = tpu.vector_load %arg9[%get3A_494] {strides = array<i32>} : memref<1024xf32, #tpu.memory_space<vmem>>, vector<16xf32>,
      %get3A_496 = vector.shape_cast %get3A_495 : vector<16xf32> to vector<16xf32>
      %swap3A_497 = arith.constant 6 : i32
      %swap3A_498 = arith.index_cast %swap3A_497 : i32 to index
      %swap3A_499 = arith.constant 80 : index
      %swap3A_500 = tpu.vector_load %arg10[%swap3A_498, %swap3A_499] {strides = array<i32>} : memref<8x128xf32, #tpu.memory_space<vmem>>, vector<1x16xf32>,
      %swap3A_501 = vector.shape_cast %swap3A_500 : vector<1x16xf32> to vector<16xf32>
      %swap3A_502 = vector.shape_cast %get3A_496 : vector<16xf32> to vector<1x16xf32>
      tpu.vector_store %arg10[%swap3A_498, %swap3A_499], %swap3A_502 {strides = array<i32>} : memref<8x128xf32, #tpu.memory_space<vmem>>, vector<1x16xf32>,
      %get3A_503 = arith.constant 864 : index
      %get3A_504 = tpu.vector_load %arg9[%get3A_503] {strides = array<i32>} : memref<1024xf32, #tpu.memory_space<vmem>>, vector<16xf32>,
      %get3A_505 = vector.shape_cast %get3A_504 : vector<16xf32> to vector<16xf32>
      %swap3A_506 = arith.constant 6 : i32
      %swap3A_507 = arith.index_cast %swap3A_506 : i32 to index
      %swap3A_508 = arith.constant 96 : index
      %swap3A_509 = tpu.vector_load %arg10[%swap3A_507, %swap3A_508] {strides = array<i32>} : memref<8x128xf32, #tpu.memory_space<vmem>>, vector<1x16xf32>,
      %swap3A_510 = vector.shape_cast %swap3A_509 : vector<1x16xf32> to vector<16xf32>
      %swap3A_511 = vector.shape_cast %get3A_505 : vector<16xf32> to vector<1x16xf32>
      tpu.vector_store %arg10[%swap3A_507, %swap3A_508], %swap3A_511 {strides = array<i32>} : memref<8x128xf32, #tpu.memory_space<vmem>>, vector<1x16xf32>,
      %get3A_512 = arith.constant 880 : index
      %get3A_513 = tpu.vector_load %arg9[%get3A_512] {strides = array<i32>} : memref<1024xf32, #tpu.memory_space<vmem>>, vector<16xf32>,
      %get3A_514 = vector.shape_cast %get3A_513 : vector<16xf32> to vector<16xf32>
      %swap3A_515 = arith.constant 6 : i32
      %swap3A_516 = arith.index_cast %swap3A_515 : i32 to index
      %swap3A_517 = arith.constant 112 : index
      %swap3A_518 = tpu.vector_load %arg10[%swap3A_516, %swap3A_517] {strides = array<i32>} : memref<8x128xf32, #tpu.memory_space<vmem>>, vector<1x16xf32>,
      %swap3A_519 = vector.shape_cast %swap3A_518 : vector<1x16xf32> to vector<16xf32>
      %swap3A_520 = vector.shape_cast %get3A_514 : vector<16xf32> to vector<1x16xf32>
      tpu.vector_store %arg10[%swap3A_516, %swap3A_517], %swap3A_520 {strides = array<i32>} : memref<8x128xf32, #tpu.memory_space<vmem>>, vector<1x16xf32>,
      %get3A_521 = arith.constant 896 : index
      %get3A_522 = tpu.vector_load %arg9[%get3A_521] {strides = array<i32>} : memref<1024xf32, #tpu.memory_space<vmem>>, vector<16xf32>,
      %get3A_523 = vector.shape_cast %get3A_522 : vector<16xf32> to vector<16xf32>
      %swap3A_524 = arith.constant 7 : i32
      %swap3A_525 = arith.index_cast %swap3A_524 : i32 to index
      %swap3A_526 = arith.constant 0 : index
      %swap3A_527 = tpu.vector_load %arg10[%swap3A_525, %swap3A_526] {strides = array<i32>} : memref<8x128xf32, #tpu.memory_space<vmem>>, vector<1x16xf32>,
      %swap3A_528 = vector.shape_cast %swap3A_527 : vector<1x16xf32> to vector<16xf32>
      %swap3A_529 = vector.shape_cast %get3A_523 : vector<16xf32> to vector<1x16xf32>
      tpu.vector_store %arg10[%swap3A_525, %swap3A_526], %swap3A_529 {strides = array<i32>} : memref<8x128xf32, #tpu.memory_space<vmem>>, vector<1x16xf32>,
      %get3A_530 = arith.constant 912 : index
      %get3A_531 = tpu.vector_load %arg9[%get3A_530] {strides = array<i32>} : memref<1024xf32, #tpu.memory_space<vmem>>, vector<16xf32>,
      %get3A_532 = vector.shape_cast %get3A_531 : vector<16xf32> to vector<16xf32>
      %swap3A_533 = arith.constant 7 : i32
      %swap3A_534 = arith.index_cast %swap3A_533 : i32 to index
      %swap3A_535 = arith.constant 16 : index
      %swap3A_536 = tpu.vector_load %arg10[%swap3A_534, %swap3A_535] {strides = array<i32>} : memref<8x128xf32, #tpu.memory_space<vmem>>, vector<1x16xf32>,
      %swap3A_537 = vector.shape_cast %swap3A_536 : vector<1x16xf32> to vector<16xf32>
      %swap3A_538 = vector.shape_cast %get3A_532 : vector<16xf32> to vector<1x16xf32>
      tpu.vector_store %arg10[%swap3A_534, %swap3A_535], %swap3A_538 {strides = array<i32>} : memref<8x128xf32, #tpu.memory_space<vmem>>, vector<1x16xf32>,
      %get3A_539 = arith.constant 928 : index
      %get3A_540 = tpu.vector_load %arg9[%get3A_539] {strides = array<i32>} : memref<1024xf32, #tpu.memory_space<vmem>>, vector<16xf32>,
      %get3A_541 = vector.shape_cast %get3A_540 : vector<16xf32> to vector<16xf32>
      %swap3A_542 = arith.constant 7 : i32
      %swap3A_543 = arith.index_cast %swap3A_542 : i32 to index
      %swap3A_544 = arith.constant 32 : index
      %swap3A_545 = tpu.vector_load %arg10[%swap3A_543, %swap3A_544] {strides = array<i32>} : memref<8x128xf32, #tpu.memory_space<vmem>>, vector<1x16xf32>,
      %swap3A_546 = vector.shape_cast %swap3A_545 : vector<1x16xf32> to vector<16xf32>
      %swap3A_547 = vector.shape_cast %get3A_541 : vector<16xf32> to vector<1x16xf32>
      tpu.vector_store %arg10[%swap3A_543, %swap3A_544], %swap3A_547 {strides = array<i32>} : memref<8x128xf32, #tpu.memory_space<vmem>>, vector<1x16xf32>,
      %get3A_548 = arith.constant 944 : index
      %get3A_549 = tpu.vector_load %arg9[%get3A_548] {strides = array<i32>} : memref<1024xf32, #tpu.memory_space<vmem>>, vector<16xf32>,
      %get3A_550 = vector.shape_cast %get3A_549 : vector<16xf32> to vector<16xf32>
      %swap3A_551 = arith.constant 7 : i32
      %swap3A_552 = arith.index_cast %swap3A_551 : i32 to index
      %swap3A_553 = arith.constant 48 : index
      %swap3A_554 = tpu.vector_load %arg10[%swap3A_552, %swap3A_553] {strides = array<i32>} : memref<8x128xf32, #tpu.memory_space<vmem>>, vector<1x16xf32>,
      %swap3A_555 = vector.shape_cast %swap3A_554 : vector<1x16xf32> to vector<16xf32>
      %swap3A_556 = vector.shape_cast %get3A_550 : vector<16xf32> to vector<1x16xf32>
      tpu.vector_store %arg10[%swap3A_552, %swap3A_553], %swap3A_556 {strides = array<i32>} : memref<8x128xf32, #tpu.memory_space<vmem>>, vector<1x16xf32>,
      %get3A_557 = arith.constant 960 : index
      %get3A_558 = tpu.vector_load %arg9[%get3A_557] {strides = array<i32>} : memref<1024xf32, #tpu.memory_space<vmem>>, vector<16xf32>,
      %get3A_559 = vector.shape_cast %get3A_558 : vector<16xf32> to vector<16xf32>
      %swap3A_560 = arith.constant 7 : i32
      %swap3A_561 = arith.index_cast %swap3A_560 : i32 to index
      %swap3A_562 = arith.constant 64 : index
      %swap3A_563 = tpu.vector_load %arg10[%swap3A_561, %swap3A_562] {strides = array<i32>} : memref<8x128xf32, #tpu.memory_space<vmem>>, vector<1x16xf32>,
      %swap3A_564 = vector.shape_cast %swap3A_563 : vector<1x16xf32> to vector<16xf32>
      %swap3A_565 = vector.shape_cast %get3A_559 : vector<16xf32> to vector<1x16xf32>
      tpu.vector_store %arg10[%swap3A_561, %swap3A_562], %swap3A_565 {strides = array<i32>} : memref<8x128xf32, #tpu.memory_space<vmem>>, vector<1x16xf32>,
      %get3A_566 = arith.constant 976 : index
      %get3A_567 = tpu.vector_load %arg9[%get3A_566] {strides = array<i32>} : memref<1024xf32, #tpu.memory_space<vmem>>, vector<16xf32>,
      %get3A_568 = vector.shape_cast %get3A_567 : vector<16xf32> to vector<16xf32>
      %swap3A_569 = arith.constant 7 : i32
      %swap3A_570 = arith.index_cast %swap3A_569 : i32 to index
      %swap3A_571 = arith.constant 80 : index
      %swap3A_572 = tpu.vector_load %arg10[%swap3A_570, %swap3A_571] {strides = array<i32>} : memref<8x128xf32, #tpu.memory_space<vmem>>, vector<1x16xf32>,
      %swap3A_573 = vector.shape_cast %swap3A_572 : vector<1x16xf32> to vector<16xf32>
      %swap3A_574 = vector.shape_cast %get3A_568 : vector<16xf32> to vector<1x16xf32>
      tpu.vector_store %arg10[%swap3A_570, %swap3A_571], %swap3A_574 {strides = array<i32>} : memref<8x128xf32, #tpu.memory_space<vmem>>, vector<1x16xf32>,
      %get3A_575 = arith.constant 992 : index
      %get3A_576 = tpu.vector_load %arg9[%get3A_575] {strides = array<i32>} : memref<1024xf32, #tpu.memory_space<vmem>>, vector<16xf32>,
      %get3A_577 = vector.shape_cast %get3A_576 : vector<16xf32> to vector<16xf32>
      %swap3A_578 = arith.constant 7 : i32
      %swap3A_579 = arith.index_cast %swap3A_578 : i32 to index
      %swap3A_580 = arith.constant 96 : index
      %swap3A_581 = tpu.vector_load %arg10[%swap3A_579, %swap3A_580] {strides = array<i32>} : memref<8x128xf32, #tpu.memory_space<vmem>>, vector<1x16xf32>,
      %swap3A_582 = vector.shape_cast %swap3A_581 : vector<1x16xf32> to vector<16xf32>
      %swap3A_583 = vector.shape_cast %get3A_577 : vector<16xf32> to vector<1x16xf32>
      tpu.vector_store %arg10[%swap3A_579, %swap3A_580], %swap3A_583 {strides = array<i32>} : memref<8x128xf32, #tpu.memory_space<vmem>>, vector<1x16xf32>,
      %get3A_584 = arith.constant 1008 : index
      %get3A_585 = tpu.vector_load %arg9[%get3A_584] {strides = array<i32>} : memref<1024xf32, #tpu.memory_space<vmem>>, vector<16xf32>,
      %get3A_586 = vector.shape_cast %get3A_585 : vector<16xf32> to vector<16xf32>
      %swap3A_587 = arith.constant 7 : i32
      %swap3A_588 = arith.index_cast %swap3A_587 : i32 to index
      %swap3A_589 = arith.constant 112 : index
      %swap3A_590 = tpu.vector_load %arg10[%swap3A_588, %swap3A_589] {strides = array<i32>} : memref<8x128xf32, #tpu.memory_space<vmem>>, vector<1x16xf32>,
      %swap3A_591 = vector.shape_cast %swap3A_590 : vector<1x16xf32> to vector<16xf32>
      %swap3A_592 = vector.shape_cast %get3A_586 : vector<16xf32> to vector<1x16xf32>
      tpu.vector_store %arg10[%swap3A_588, %swap3A_589], %swap3A_592 {strides = array<i32>} : memref<8x128xf32, #tpu.memory_space<vmem>>, vector<1x16xf32>,
      %mul3A_593 = arith.constant 8 : i32
      %mul3A_594 = arith.muli %arg1, %mul3A_593 : i32
      "tpu.region"() ({
        %run_scoped3A = tpu.sem_alloc : memref<!tpu.dma_semaphore, #tpu.memory_space<semaphore_mem>>
        %dma_start3A = arith.constant 0 : i32
        %dma_start3A_595 = arith.constant 0 : i32
        %dma_start3A_596 = tpu.memref_slice %arg5[%arg0, %dma_start3A, %dma_start3A_595] : memref<2x80x128xf32, #tpu.memory_space<hbm>> -> memref<1x80x128xf32, #tpu.memory_space<hbm>>
        %dma_start3A_597 = tpu.memref_squeeze %dma_start3A_596 : memref<1x80x128xf32, #tpu.memory_space<hbm>> -> memref<80x128xf32, #tpu.memory_space<hbm>>
        %dma_start3A_598 = arith.constant 0 : i32
        %dma_start3A_599 = tpu.memref_slice %dma_start3A_597[%mul3A_594, %dma_start3A_598] : memref<80x128xf32, #tpu.memory_space<hbm>> -> memref<8x128xf32, #tpu.memory_space<hbm>>
        %dma_start3A_600 = arith.constant 0 : i32
        %dma_start3A_601 = arith.constant 0 : i32
        %dma_start3A_602 = tpu.memref_slice %arg5[%arg0, %dma_start3A_600, %dma_start3A_601] : memref<2x80x128xf32, #tpu.memory_space<hbm>> -> memref<1x80x128xf32, #tpu.memory_space<hbm>>
        %dma_start3A_603 = tpu.memref_squeeze %dma_start3A_602 : memref<1x80x128xf32, #tpu.memory_space<hbm>> -> memref<80x128xf32, #tpu.memory_space<hbm>>
        %dma_start3A_604 = arith.constant 0 : i32
        %dma_start3A_605 = tpu.memref_slice %dma_start3A_603[%mul3A_594, %dma_start3A_604] : memref<80x128xf32, #tpu.memory_space<hbm>> -> memref<8x128xf32, #tpu.memory_space<hbm>>
        tpu.enqueue_dma source(%arg10 : memref<8x128xf32, #tpu.memory_space<vmem>>) target(%dma_start3A_605 : memref<8x128xf32, #tpu.memory_space<hbm>>) target_semaphore(%run_scoped3A : memref<!tpu.dma_semaphore, #tpu.memory_space<semaphore_mem>>)
        %dma_wait3A = arith.constant 0 : i32
        %dma_wait3A_606 = arith.constant 0 : i32
        %dma_wait3A_607 = tpu.memref_slice %arg5[%arg0, %dma_wait3A, %dma_wait3A_606] : memref<2x80x128xf32, #tpu.memory_space<hbm>> -> memref<1x80x128xf32, #tpu.memory_space<hbm>>
        %dma_wait3A_608 = tpu.memref_squeeze %dma_wait3A_607 : memref<1x80x128xf32, #tpu.memory_space<hbm>> -> memref<80x128xf32, #tpu.memory_space<hbm>>
        %dma_wait3A_609 = arith.constant 0 : i32
        %dma_wait3A_610 = tpu.memref_slice %dma_wait3A_608[%mul3A_594, %dma_wait3A_609] : memref<80x128xf32, #tpu.memory_space<hbm>> -> memref<8x128xf32, #tpu.memory_space<hbm>>
        %dma_wait3A_611 = arith.constant 0 : i32
        %dma_wait3A_612 = arith.constant 0 : i32
        %dma_wait3A_613 = tpu.memref_slice %arg5[%arg0, %dma_wait3A_611, %dma_wait3A_612] : memref<2x80x128xf32, #tpu.memory_space<hbm>> -> memref<1x80x128xf32, #tpu.memory_space<hbm>>
        %dma_wait3A_614 = tpu.memref_squeeze %dma_wait3A_613 : memref<1x80x128xf32, #tpu.memory_space<hbm>> -> memref<80x128xf32, #tpu.memory_space<hbm>>
        %dma_wait3A_615 = arith.constant 0 : i32
        %dma_wait3A_616 = tpu.memref_slice %dma_wait3A_614[%mul3A_594, %dma_wait3A_615] : memref<80x128xf32, #tpu.memory_space<hbm>> -> memref<8x128xf32, #tpu.memory_space<hbm>>
        tpu.wait_dma2 semaphore(%run_scoped3A : memref<!tpu.dma_semaphore, #tpu.memory_space<semaphore_mem>>) src(%arg10 : memref<8x128xf32, #tpu.memory_space<vmem>>) dst(%dma_wait3A_616 : memref<8x128xf32, #tpu.memory_space<hbm>>)
        tpu.yield
      }) : () -> ()
    } else {
    }
    return
  }
}

#map = affine_map<(d0, d1) -> (0, 0)>
#map1 = affine_map<(d0, d1) -> (0, 0, 0)>
module attributes {stable_mosaic.version = 14 : i64} {
  func.func @_agg_kernel(%arg0: i32, %arg1: i32, %arg2: memref<10000x128xbf16, #tpu.memory_space<hbm>>, %arg3: memref<32x125x80xi32, #tpu.memory_space<hbm>>, %arg4: memref<32x125x80xi32, #tpu.memory_space<hbm>>, %arg5: memref<640x128xbf16, #tpu.memory_space<hbm>>, %arg6: memref<2x10240x128xbf16, #tpu.memory_space<hbm>>, %arg7: memref<10240x128xbf16, #tpu.memory_space<vmem_shared>>, %arg8: memref<125x80xi32, #tpu.memory_space<vmem>>, %arg9: memref<125x80xi32, #tpu.memory_space<vmem>>, %arg10: memref<7x80x128xbf16, #tpu.memory_space<vmem>>, %arg11: memref<!tpu.dma_semaphore, #tpu.memory_space<semaphore_mem>>, %arg12: memref<!tpu.dma_semaphore, #tpu.memory_space<semaphore_mem>>) attributes {dimension_semantics = [#tpu.dimension_semantics<core_parallel>, #tpu.dimension_semantics<subcore_parallel>], iteration_bounds = array<i64: 2, 16>, scalar_prefetch = 0 : i64, scratch_operands = 6 : i64, tpu.core_type = #tpu.core_type<sc_vector_subcore>, window_params = [{transform_indices = #map}, {transform_indices = #map1}, {transform_indices = #map1}, {transform_indices = #map}, {transform_indices = #map1}]} {
    %mul3A = arith.constant 16 : i32
    %mul3A_0 = arith.muli %arg0, %mul3A : i32
    %add3A = arith.addi %mul3A_0, %arg1 : i32
    %mul3A_1 = arith.constant 640 : i32
    %mul3A_2 = arith.muli %arg1, %mul3A_1 : i32
    "tpu.region"() ({
      %run_scoped3A = tpu.sem_alloc : memref<!tpu.dma_semaphore, #tpu.memory_space<semaphore_mem>>
      %dma_start3A_635 = arith.constant 0 : i32
      %dma_start3A_636 = tpu.memref_slice %arg7[%mul3A_2, %dma_start3A_635] : memref<10240x128xbf16, #tpu.memory_space<vmem_shared>> -> memref<640x128xbf16, #tpu.memory_space<vmem_shared>>
      tpu.enqueue_dma source(%arg5 : memref<640x128xbf16, #tpu.memory_space<hbm>>) target(%dma_start3A_636 : memref<640x128xbf16, #tpu.memory_space<vmem_shared>>) target_semaphore(%run_scoped3A : memref<!tpu.dma_semaphore, #tpu.memory_space<semaphore_mem>>)
      %dma_wait3A_637 = arith.constant 0 : i32
      %dma_wait3A_638 = tpu.memref_slice %arg7[%mul3A_2, %dma_wait3A_637] : memref<10240x128xbf16, #tpu.memory_space<vmem_shared>> -> memref<640x128xbf16, #tpu.memory_space<vmem_shared>>
      tpu.wait_dma2 semaphore(%run_scoped3A : memref<!tpu.dma_semaphore, #tpu.memory_space<semaphore_mem>>) src(%arg5 : memref<640x128xbf16, #tpu.memory_space<hbm>>) dst(%dma_wait3A_638 : memref<640x128xbf16, #tpu.memory_space<vmem_shared>>)
      tpu.yield
    }) : () -> ()
    "tpu.region"() ({
      %run_scoped3A = tpu.sem_alloc : memref<!tpu.dma_semaphore, #tpu.memory_space<semaphore_mem>>
      %dma_start3A_635 = arith.constant 0 : i32
      %dma_start3A_636 = arith.constant 0 : i32
      %dma_start3A_637 = tpu.memref_slice %arg3[%add3A, %dma_start3A_635, %dma_start3A_636] : memref<32x125x80xi32, #tpu.memory_space<hbm>> -> memref<1x125x80xi32, #tpu.memory_space<hbm>>
      %dma_start3A_638 = tpu.memref_squeeze %dma_start3A_637 : memref<1x125x80xi32, #tpu.memory_space<hbm>> -> memref<125x80xi32, #tpu.memory_space<hbm>>
      %dma_start3A_639 = arith.constant 0 : i32
      %dma_start3A_640 = arith.constant 0 : i32
      %dma_start3A_641 = tpu.memref_slice %arg3[%add3A, %dma_start3A_639, %dma_start3A_640] : memref<32x125x80xi32, #tpu.memory_space<hbm>> -> memref<1x125x80xi32, #tpu.memory_space<hbm>>
      %dma_start3A_642 = tpu.memref_squeeze %dma_start3A_641 : memref<1x125x80xi32, #tpu.memory_space<hbm>> -> memref<125x80xi32, #tpu.memory_space<hbm>>
      tpu.enqueue_dma source(%dma_start3A_642 : memref<125x80xi32, #tpu.memory_space<hbm>>) target(%arg8 : memref<125x80xi32, #tpu.memory_space<vmem>>) target_semaphore(%run_scoped3A : memref<!tpu.dma_semaphore, #tpu.memory_space<semaphore_mem>>)
      %dma_wait3A_643 = arith.constant 0 : i32
      %dma_wait3A_644 = arith.constant 0 : i32
      %dma_wait3A_645 = tpu.memref_slice %arg3[%add3A, %dma_wait3A_643, %dma_wait3A_644] : memref<32x125x80xi32, #tpu.memory_space<hbm>> -> memref<1x125x80xi32, #tpu.memory_space<hbm>>
      %dma_wait3A_646 = tpu.memref_squeeze %dma_wait3A_645 : memref<1x125x80xi32, #tpu.memory_space<hbm>> -> memref<125x80xi32, #tpu.memory_space<hbm>>
      %dma_wait3A_647 = arith.constant 0 : i32
      %dma_wait3A_648 = arith.constant 0 : i32
      %dma_wait3A_649 = tpu.memref_slice %arg3[%add3A, %dma_wait3A_647, %dma_wait3A_648] : memref<32x125x80xi32, #tpu.memory_space<hbm>> -> memref<1x125x80xi32, #tpu.memory_space<hbm>>
      %dma_wait3A_650 = tpu.memref_squeeze %dma_wait3A_649 : memref<1x125x80xi32, #tpu.memory_space<hbm>> -> memref<125x80xi32, #tpu.memory_space<hbm>>
      tpu.wait_dma2 semaphore(%run_scoped3A : memref<!tpu.dma_semaphore, #tpu.memory_space<semaphore_mem>>) src(%dma_wait3A_650 : memref<125x80xi32, #tpu.memory_space<hbm>>) dst(%arg8 : memref<125x80xi32, #tpu.memory_space<vmem>>)
      tpu.yield
    }) : () -> ()
    "tpu.region"() ({
      %run_scoped3A = tpu.sem_alloc : memref<!tpu.dma_semaphore, #tpu.memory_space<semaphore_mem>>
      %dma_start3A_635 = arith.constant 0 : i32
      %dma_start3A_636 = arith.constant 0 : i32
      %dma_start3A_637 = tpu.memref_slice %arg4[%add3A, %dma_start3A_635, %dma_start3A_636] : memref<32x125x80xi32, #tpu.memory_space<hbm>> -> memref<1x125x80xi32, #tpu.memory_space<hbm>>
      %dma_start3A_638 = tpu.memref_squeeze %dma_start3A_637 : memref<1x125x80xi32, #tpu.memory_space<hbm>> -> memref<125x80xi32, #tpu.memory_space<hbm>>
      %dma_start3A_639 = arith.constant 0 : i32
      %dma_start3A_640 = arith.constant 0 : i32
      %dma_start3A_641 = tpu.memref_slice %arg4[%add3A, %dma_start3A_639, %dma_start3A_640] : memref<32x125x80xi32, #tpu.memory_space<hbm>> -> memref<1x125x80xi32, #tpu.memory_space<hbm>>
      %dma_start3A_642 = tpu.memref_squeeze %dma_start3A_641 : memref<1x125x80xi32, #tpu.memory_space<hbm>> -> memref<125x80xi32, #tpu.memory_space<hbm>>
      tpu.enqueue_dma source(%dma_start3A_642 : memref<125x80xi32, #tpu.memory_space<hbm>>) target(%arg9 : memref<125x80xi32, #tpu.memory_space<vmem>>) target_semaphore(%run_scoped3A : memref<!tpu.dma_semaphore, #tpu.memory_space<semaphore_mem>>)
      %dma_wait3A_643 = arith.constant 0 : i32
      %dma_wait3A_644 = arith.constant 0 : i32
      %dma_wait3A_645 = tpu.memref_slice %arg4[%add3A, %dma_wait3A_643, %dma_wait3A_644] : memref<32x125x80xi32, #tpu.memory_space<hbm>> -> memref<1x125x80xi32, #tpu.memory_space<hbm>>
      %dma_wait3A_646 = tpu.memref_squeeze %dma_wait3A_645 : memref<1x125x80xi32, #tpu.memory_space<hbm>> -> memref<125x80xi32, #tpu.memory_space<hbm>>
      %dma_wait3A_647 = arith.constant 0 : i32
      %dma_wait3A_648 = arith.constant 0 : i32
      %dma_wait3A_649 = tpu.memref_slice %arg4[%add3A, %dma_wait3A_647, %dma_wait3A_648] : memref<32x125x80xi32, #tpu.memory_space<hbm>> -> memref<1x125x80xi32, #tpu.memory_space<hbm>>
      %dma_wait3A_650 = tpu.memref_squeeze %dma_wait3A_649 : memref<1x125x80xi32, #tpu.memory_space<hbm>> -> memref<125x80xi32, #tpu.memory_space<hbm>>
      tpu.wait_dma2 semaphore(%run_scoped3A : memref<!tpu.dma_semaphore, #tpu.memory_space<semaphore_mem>>) src(%dma_wait3A_650 : memref<125x80xi32, #tpu.memory_space<hbm>>) dst(%arg9 : memref<125x80xi32, #tpu.memory_space<vmem>>)
      tpu.yield
    }) : () -> ()
    %barrier3A = arith.constant 0 : index
    tpu.barrier barrier_id(%barrier3A)
    %dma_start3A = arith.constant 0 : i32
    %dma_start3A_3 = arith.constant 0 : i32
    %dma_start3A_4 = arith.constant 0 : i32
    %dma_start3A_5 = arith.constant 0 : i32
    %dma_start3A_6 = tpu.memref_slice %arg10[%dma_start3A_3, %dma_start3A_4, %dma_start3A_5] : memref<7x80x128xbf16, #tpu.memory_space<vmem>> -> memref<1x80x128xbf16, #tpu.memory_space<vmem>>
    %dma_start3A_7 = tpu.memref_squeeze %dma_start3A_6 : memref<1x80x128xbf16, #tpu.memory_space<vmem>> -> memref<80x128xbf16, #tpu.memory_space<vmem>>
    %dma_start3A_8 = arith.constant 0 : i32
    %dma_start3A_9 = tpu.memref_slice %arg8[%dma_start3A, %dma_start3A_8] : memref<125x80xi32, #tpu.memory_space<vmem>> -> memref<1x80xi32, #tpu.memory_space<vmem>>
    %dma_start3A_10 = tpu.memref_squeeze %dma_start3A_9 : memref<1x80xi32, #tpu.memory_space<vmem>> -> memref<80xi32, #tpu.memory_space<vmem>>
    %dma_start3A_11 = arith.constant 0 : i32
    %dma_start3A_12 = arith.constant 0 : i32
    %dma_start3A_13 = tpu.memref_slice %arg2[%dma_start3A_11, %dma_start3A_12] : memref<10000x128xbf16, #tpu.memory_space<hbm>> -> memref<10000x128xbf16, #tpu.memory_space<hbm>>
    tpu.enqueue_indirect_dma source(%dma_start3A_13 : memref<10000x128xbf16, #tpu.memory_space<hbm>>) target(%dma_start3A_7 : memref<80x128xbf16, #tpu.memory_space<vmem>>) offsets(%dma_start3A_10 : memref<80xi32, #tpu.memory_space<vmem>>) semaphore(%arg11 : memref<!tpu.dma_semaphore, #tpu.memory_space<semaphore_mem>>)
    %dma_start3A_14 = arith.constant 1 : i32
    %dma_start3A_15 = arith.constant 1 : i32
    %dma_start3A_16 = arith.constant 0 : i32
    %dma_start3A_17 = arith.constant 0 : i32
    %dma_start3A_18 = tpu.memref_slice %arg10[%dma_start3A_15, %dma_start3A_16, %dma_start3A_17] : memref<7x80x128xbf16, #tpu.memory_space<vmem>> -> memref<1x80x128xbf16, #tpu.memory_space<vmem>>
    %dma_start3A_19 = tpu.memref_squeeze %dma_start3A_18 : memref<1x80x128xbf16, #tpu.memory_space<vmem>> -> memref<80x128xbf16, #tpu.memory_space<vmem>>
    %dma_start3A_20 = arith.constant 0 : i32
    %dma_start3A_21 = tpu.memref_slice %arg8[%dma_start3A_14, %dma_start3A_20] : memref<125x80xi32, #tpu.memory_space<vmem>> -> memref<1x80xi32, #tpu.memory_space<vmem>>
    %dma_start3A_22 = tpu.memref_squeeze %dma_start3A_21 : memref<1x80xi32, #tpu.memory_space<vmem>> -> memref<80xi32, #tpu.memory_space<vmem>>
    %dma_start3A_23 = arith.constant 0 : i32
    %dma_start3A_24 = arith.constant 0 : i32
    %dma_start3A_25 = tpu.memref_slice %arg2[%dma_start3A_23, %dma_start3A_24] : memref<10000x128xbf16, #tpu.memory_space<hbm>> -> memref<10000x128xbf16, #tpu.memory_space<hbm>>
    tpu.enqueue_indirect_dma source(%dma_start3A_25 : memref<10000x128xbf16, #tpu.memory_space<hbm>>) target(%dma_start3A_19 : memref<80x128xbf16, #tpu.memory_space<vmem>>) offsets(%dma_start3A_22 : memref<80xi32, #tpu.memory_space<vmem>>) semaphore(%arg11 : memref<!tpu.dma_semaphore, #tpu.memory_space<semaphore_mem>>)
    %dma_start3A_26 = arith.constant 2 : i32
    %dma_start3A_27 = arith.constant 2 : i32
    %dma_start3A_28 = arith.constant 0 : i32
    %dma_start3A_29 = arith.constant 0 : i32
    %dma_start3A_30 = tpu.memref_slice %arg10[%dma_start3A_27, %dma_start3A_28, %dma_start3A_29] : memref<7x80x128xbf16, #tpu.memory_space<vmem>> -> memref<1x80x128xbf16, #tpu.memory_space<vmem>>
    %dma_start3A_31 = tpu.memref_squeeze %dma_start3A_30 : memref<1x80x128xbf16, #tpu.memory_space<vmem>> -> memref<80x128xbf16, #tpu.memory_space<vmem>>
    %dma_start3A_32 = arith.constant 0 : i32
    %dma_start3A_33 = tpu.memref_slice %arg8[%dma_start3A_26, %dma_start3A_32] : memref<125x80xi32, #tpu.memory_space<vmem>> -> memref<1x80xi32, #tpu.memory_space<vmem>>
    %dma_start3A_34 = tpu.memref_squeeze %dma_start3A_33 : memref<1x80xi32, #tpu.memory_space<vmem>> -> memref<80xi32, #tpu.memory_space<vmem>>
    %dma_start3A_35 = arith.constant 0 : i32
    %dma_start3A_36 = arith.constant 0 : i32
    %dma_start3A_37 = tpu.memref_slice %arg2[%dma_start3A_35, %dma_start3A_36] : memref<10000x128xbf16, #tpu.memory_space<hbm>> -> memref<10000x128xbf16, #tpu.memory_space<hbm>>
    tpu.enqueue_indirect_dma source(%dma_start3A_37 : memref<10000x128xbf16, #tpu.memory_space<hbm>>) target(%dma_start3A_31 : memref<80x128xbf16, #tpu.memory_space<vmem>>) offsets(%dma_start3A_34 : memref<80xi32, #tpu.memory_space<vmem>>) semaphore(%arg11 : memref<!tpu.dma_semaphore, #tpu.memory_space<semaphore_mem>>)
    %dma_start3A_38 = arith.constant 3 : i32
    %dma_start3A_39 = arith.constant 3 : i32
    %dma_start3A_40 = arith.constant 0 : i32
    %dma_start3A_41 = arith.constant 0 : i32
    %dma_start3A_42 = tpu.memref_slice %arg10[%dma_start3A_39, %dma_start3A_40, %dma_start3A_41] : memref<7x80x128xbf16, #tpu.memory_space<vmem>> -> memref<1x80x128xbf16, #tpu.memory_space<vmem>>
    %dma_start3A_43 = tpu.memref_squeeze %dma_start3A_42 : memref<1x80x128xbf16, #tpu.memory_space<vmem>> -> memref<80x128xbf16, #tpu.memory_space<vmem>>
    %dma_start3A_44 = arith.constant 0 : i32
    %dma_start3A_45 = tpu.memref_slice %arg8[%dma_start3A_38, %dma_start3A_44] : memref<125x80xi32, #tpu.memory_space<vmem>> -> memref<1x80xi32, #tpu.memory_space<vmem>>
    %dma_start3A_46 = tpu.memref_squeeze %dma_start3A_45 : memref<1x80xi32, #tpu.memory_space<vmem>> -> memref<80xi32, #tpu.memory_space<vmem>>
    %dma_start3A_47 = arith.constant 0 : i32
    %dma_start3A_48 = arith.constant 0 : i32
    %dma_start3A_49 = tpu.memref_slice %arg2[%dma_start3A_47, %dma_start3A_48] : memref<10000x128xbf16, #tpu.memory_space<hbm>> -> memref<10000x128xbf16, #tpu.memory_space<hbm>>
    tpu.enqueue_indirect_dma source(%dma_start3A_49 : memref<10000x128xbf16, #tpu.memory_space<hbm>>) target(%dma_start3A_43 : memref<80x128xbf16, #tpu.memory_space<vmem>>) offsets(%dma_start3A_46 : memref<80xi32, #tpu.memory_space<vmem>>) semaphore(%arg11 : memref<!tpu.dma_semaphore, #tpu.memory_space<semaphore_mem>>)
    %dma_start3A_50 = arith.constant 4 : i32
    %dma_start3A_51 = arith.constant 4 : i32
    %dma_start3A_52 = arith.constant 0 : i32
    %dma_start3A_53 = arith.constant 0 : i32
    %dma_start3A_54 = tpu.memref_slice %arg10[%dma_start3A_51, %dma_start3A_52, %dma_start3A_53] : memref<7x80x128xbf16, #tpu.memory_space<vmem>> -> memref<1x80x128xbf16, #tpu.memory_space<vmem>>
    %dma_start3A_55 = tpu.memref_squeeze %dma_start3A_54 : memref<1x80x128xbf16, #tpu.memory_space<vmem>> -> memref<80x128xbf16, #tpu.memory_space<vmem>>
    %dma_start3A_56 = arith.constant 0 : i32
    %dma_start3A_57 = tpu.memref_slice %arg8[%dma_start3A_50, %dma_start3A_56] : memref<125x80xi32, #tpu.memory_space<vmem>> -> memref<1x80xi32, #tpu.memory_space<vmem>>
    %dma_start3A_58 = tpu.memref_squeeze %dma_start3A_57 : memref<1x80xi32, #tpu.memory_space<vmem>> -> memref<80xi32, #tpu.memory_space<vmem>>
    %dma_start3A_59 = arith.constant 0 : i32
    %dma_start3A_60 = arith.constant 0 : i32
    %dma_start3A_61 = tpu.memref_slice %arg2[%dma_start3A_59, %dma_start3A_60] : memref<10000x128xbf16, #tpu.memory_space<hbm>> -> memref<10000x128xbf16, #tpu.memory_space<hbm>>
    tpu.enqueue_indirect_dma source(%dma_start3A_61 : memref<10000x128xbf16, #tpu.memory_space<hbm>>) target(%dma_start3A_55 : memref<80x128xbf16, #tpu.memory_space<vmem>>) offsets(%dma_start3A_58 : memref<80xi32, #tpu.memory_space<vmem>>) semaphore(%arg11 : memref<!tpu.dma_semaphore, #tpu.memory_space<semaphore_mem>>)
    %dma_start3A_62 = arith.constant 5 : i32
    %dma_start3A_63 = arith.constant 5 : i32
    %dma_start3A_64 = arith.constant 0 : i32
    %dma_start3A_65 = arith.constant 0 : i32
    %dma_start3A_66 = tpu.memref_slice %arg10[%dma_start3A_63, %dma_start3A_64, %dma_start3A_65] : memref<7x80x128xbf16, #tpu.memory_space<vmem>> -> memref<1x80x128xbf16, #tpu.memory_space<vmem>>
    %dma_start3A_67 = tpu.memref_squeeze %dma_start3A_66 : memref<1x80x128xbf16, #tpu.memory_space<vmem>> -> memref<80x128xbf16, #tpu.memory_space<vmem>>
    %dma_start3A_68 = arith.constant 0 : i32
    %dma_start3A_69 = tpu.memref_slice %arg8[%dma_start3A_62, %dma_start3A_68] : memref<125x80xi32, #tpu.memory_space<vmem>> -> memref<1x80xi32, #tpu.memory_space<vmem>>
    %dma_start3A_70 = tpu.memref_squeeze %dma_start3A_69 : memref<1x80xi32, #tpu.memory_space<vmem>> -> memref<80xi32, #tpu.memory_space<vmem>>
    %dma_start3A_71 = arith.constant 0 : i32
    %dma_start3A_72 = arith.constant 0 : i32
    %dma_start3A_73 = tpu.memref_slice %arg2[%dma_start3A_71, %dma_start3A_72] : memref<10000x128xbf16, #tpu.memory_space<hbm>> -> memref<10000x128xbf16, #tpu.memory_space<hbm>>
    tpu.enqueue_indirect_dma source(%dma_start3A_73 : memref<10000x128xbf16, #tpu.memory_space<hbm>>) target(%dma_start3A_67 : memref<80x128xbf16, #tpu.memory_space<vmem>>) offsets(%dma_start3A_70 : memref<80xi32, #tpu.memory_space<vmem>>) semaphore(%arg11 : memref<!tpu.dma_semaphore, #tpu.memory_space<semaphore_mem>>)
    %scan3A = arith.constant 0 : i32
    %scan3A_74 = arith.constant 0 : i32
    %scan3A_75 = arith.constant 16 : i32
    %scan3A_76 = arith.addi %scan3A_74, %scan3A_75 : i32
    %scan3A_77 = arith.constant 1 : i32
    scf.for %scan3A_635 = %scan3A_74 to %scan3A_76 step %scan3A_77  : i32 {
      %mul3A_636 = arith.constant 7 : i32
      %mul3A_637 = arith.muli %mul3A_636, %scan3A_635 : i32
      %add3A_638 = arith.constant 0 : i32
      %add3A_639 = arith.addi %mul3A_637, %add3A_638 : i32
      %dma_wait3A_640 = arith.constant 0 : i32
      %dma_wait3A_641 = arith.constant 0 : i32
      %dma_wait3A_642 = arith.constant 0 : i32
      %dma_wait3A_643 = arith.constant 0 : i32
      %dma_wait3A_644 = tpu.memref_slice %arg10[%dma_wait3A_641, %dma_wait3A_642, %dma_wait3A_643] : memref<7x80x128xbf16, #tpu.memory_space<vmem>> -> memref<1x80x128xbf16, #tpu.memory_space<vmem>>
      %dma_wait3A_645 = tpu.memref_squeeze %dma_wait3A_644 : memref<1x80x128xbf16, #tpu.memory_space<vmem>> -> memref<80x128xbf16, #tpu.memory_space<vmem>>
      %dma_wait3A_646 = arith.constant 0 : i32
      %dma_wait3A_647 = tpu.memref_slice %arg8[%dma_wait3A_640, %dma_wait3A_646] : memref<125x80xi32, #tpu.memory_space<vmem>> -> memref<1x80xi32, #tpu.memory_space<vmem>>
      %dma_wait3A_648 = tpu.memref_squeeze %dma_wait3A_647 : memref<1x80xi32, #tpu.memory_space<vmem>> -> memref<80xi32, #tpu.memory_space<vmem>>
      %dma_wait3A_649 = arith.constant 0 : i32
      %dma_wait3A_650 = arith.constant 0 : i32
      %dma_wait3A_651 = tpu.memref_slice %arg2[%dma_wait3A_649, %dma_wait3A_650] : memref<10000x128xbf16, #tpu.memory_space<hbm>> -> memref<10000x128xbf16, #tpu.memory_space<hbm>>
      tpu.wait_indirect_dma semaphore(%arg11 : memref<!tpu.dma_semaphore, #tpu.memory_space<semaphore_mem>>) src(%dma_wait3A_651 : memref<10000x128xbf16, #tpu.memory_space<hbm>>) dst(%dma_wait3A_645 : memref<80x128xbf16, #tpu.memory_space<vmem>>)
      %dma_start3A_652 = arith.constant 0 : i32
      %dma_start3A_653 = arith.constant 0 : i32
      %dma_start3A_654 = arith.constant 0 : i32
      %dma_start3A_655 = tpu.memref_slice %arg10[%dma_start3A_652, %dma_start3A_653, %dma_start3A_654] : memref<7x80x128xbf16, #tpu.memory_space<vmem>> -> memref<1x80x128xbf16, #tpu.memory_space<vmem>>
      %dma_start3A_656 = tpu.memref_squeeze %dma_start3A_655 : memref<1x80x128xbf16, #tpu.memory_space<vmem>> -> memref<80x128xbf16, #tpu.memory_space<vmem>>
      %dma_start3A_657 = arith.constant 0 : i32
      %dma_start3A_658 = tpu.memref_slice %arg9[%add3A_639, %dma_start3A_657] : memref<125x80xi32, #tpu.memory_space<vmem>> -> memref<1x80xi32, #tpu.memory_space<vmem>>
      %dma_start3A_659 = tpu.memref_squeeze %dma_start3A_658 : memref<1x80xi32, #tpu.memory_space<vmem>> -> memref<80xi32, #tpu.memory_space<vmem>>
      %dma_start3A_660 = arith.constant 0 : i32
      %dma_start3A_661 = arith.constant 0 : i32
      %dma_start3A_662 = tpu.memref_slice %arg7[%dma_start3A_660, %dma_start3A_661] : memref<10240x128xbf16, #tpu.memory_space<vmem_shared>> -> memref<10240x128xbf16, #tpu.memory_space<vmem_shared>>
      tpu.enqueue_indirect_dma source(%dma_start3A_656 : memref<80x128xbf16, #tpu.memory_space<vmem>>) target(%dma_start3A_662 : memref<10240x128xbf16, #tpu.memory_space<vmem_shared>>) offsets(%dma_start3A_659 : memref<80xi32, #tpu.memory_space<vmem>>) semaphore(%arg12 : memref<!tpu.dma_semaphore, #tpu.memory_space<semaphore_mem>>) {add = true}
      %dma_wait3A_663 = arith.constant 0 : i32
      %dma_wait3A_664 = arith.constant 0 : i32
      %dma_wait3A_665 = arith.constant 0 : i32
      %dma_wait3A_666 = arith.constant 0 : i32
      %dma_wait3A_667 = tpu.memref_slice %arg10[%dma_wait3A_663, %dma_wait3A_665, %dma_wait3A_666] : memref<7x80x128xbf16, #tpu.memory_space<vmem>> -> memref<1x80x128xbf16, #tpu.memory_space<vmem>>
      %dma_wait3A_668 = tpu.memref_squeeze %dma_wait3A_667 : memref<1x80x128xbf16, #tpu.memory_space<vmem>> -> memref<80x128xbf16, #tpu.memory_space<vmem>>
      %dma_wait3A_669 = arith.constant 0 : i32
      %dma_wait3A_670 = tpu.memref_slice %arg9[%dma_wait3A_664, %dma_wait3A_669] : memref<125x80xi32, #tpu.memory_space<vmem>> -> memref<1x80xi32, #tpu.memory_space<vmem>>
      %dma_wait3A_671 = tpu.memref_squeeze %dma_wait3A_670 : memref<1x80xi32, #tpu.memory_space<vmem>> -> memref<80xi32, #tpu.memory_space<vmem>>
      %dma_wait3A_672 = arith.constant 0 : i32
      %dma_wait3A_673 = arith.constant 0 : i32
      %dma_wait3A_674 = tpu.memref_slice %arg7[%dma_wait3A_672, %dma_wait3A_673] : memref<10240x128xbf16, #tpu.memory_space<vmem_shared>> -> memref<10240x128xbf16, #tpu.memory_space<vmem_shared>>
      tpu.wait_indirect_dma semaphore(%arg12 : memref<!tpu.dma_semaphore, #tpu.memory_space<semaphore_mem>>) src(%dma_wait3A_668 : memref<80x128xbf16, #tpu.memory_space<vmem>>) dst(%dma_wait3A_674 : memref<10240x128xbf16, #tpu.memory_space<vmem_shared>>)
      %add3A_675 = arith.constant 7 : i32
      %add3A_676 = arith.addi %add3A_639, %add3A_675 : i32
      %sub3A = arith.constant 1 : i32
      %sub3A_677 = arith.subi %add3A_676, %sub3A : i32
      %dma_start3A_678 = arith.constant 6 : i32
      %dma_start3A_679 = arith.constant 0 : i32
      %dma_start3A_680 = arith.constant 0 : i32
      %dma_start3A_681 = tpu.memref_slice %arg10[%dma_start3A_678, %dma_start3A_679, %dma_start3A_680] : memref<7x80x128xbf16, #tpu.memory_space<vmem>> -> memref<1x80x128xbf16, #tpu.memory_space<vmem>>
      %dma_start3A_682 = tpu.memref_squeeze %dma_start3A_681 : memref<1x80x128xbf16, #tpu.memory_space<vmem>> -> memref<80x128xbf16, #tpu.memory_space<vmem>>
      %dma_start3A_683 = arith.constant 0 : i32
      %dma_start3A_684 = tpu.memref_slice %arg8[%sub3A_677, %dma_start3A_683] : memref<125x80xi32, #tpu.memory_space<vmem>> -> memref<1x80xi32, #tpu.memory_space<vmem>>
      %dma_start3A_685 = tpu.memref_squeeze %dma_start3A_684 : memref<1x80xi32, #tpu.memory_space<vmem>> -> memref<80xi32, #tpu.memory_space<vmem>>
      %dma_start3A_686 = arith.constant 0 : i32
      %dma_start3A_687 = arith.constant 0 : i32
      %dma_start3A_688 = tpu.memref_slice %arg2[%dma_start3A_686, %dma_start3A_687] : memref<10000x128xbf16, #tpu.memory_space<hbm>> -> memref<10000x128xbf16, #tpu.memory_space<hbm>>
      tpu.enqueue_indirect_dma source(%dma_start3A_688 : memref<10000x128xbf16, #tpu.memory_space<hbm>>) target(%dma_start3A_682 : memref<80x128xbf16, #tpu.memory_space<vmem>>) offsets(%dma_start3A_685 : memref<80xi32, #tpu.memory_space<vmem>>) semaphore(%arg11 : memref<!tpu.dma_semaphore, #tpu.memory_space<semaphore_mem>>)
      %mul3A_689 = arith.constant 7 : i32
      %mul3A_690 = arith.muli %mul3A_689, %scan3A_635 : i32
      %add3A_691 = arith.constant 1 : i32
      %add3A_692 = arith.addi %mul3A_690, %add3A_691 : i32
      %dma_wait3A_693 = arith.constant 0 : i32
      %dma_wait3A_694 = arith.constant 1 : i32
      %dma_wait3A_695 = arith.constant 0 : i32
      %dma_wait3A_696 = arith.constant 0 : i32
      %dma_wait3A_697 = tpu.memref_slice %arg10[%dma_wait3A_694, %dma_wait3A_695, %dma_wait3A_696] : memref<7x80x128xbf16, #tpu.memory_space<vmem>> -> memref<1x80x128xbf16, #tpu.memory_space<vmem>>
      %dma_wait3A_698 = tpu.memref_squeeze %dma_wait3A_697 : memref<1x80x128xbf16, #tpu.memory_space<vmem>> -> memref<80x128xbf16, #tpu.memory_space<vmem>>
      %dma_wait3A_699 = arith.constant 0 : i32
      %dma_wait3A_700 = tpu.memref_slice %arg8[%dma_wait3A_693, %dma_wait3A_699] : memref<125x80xi32, #tpu.memory_space<vmem>> -> memref<1x80xi32, #tpu.memory_space<vmem>>
      %dma_wait3A_701 = tpu.memref_squeeze %dma_wait3A_700 : memref<1x80xi32, #tpu.memory_space<vmem>> -> memref<80xi32, #tpu.memory_space<vmem>>
      %dma_wait3A_702 = arith.constant 0 : i32
      %dma_wait3A_703 = arith.constant 0 : i32
      %dma_wait3A_704 = tpu.memref_slice %arg2[%dma_wait3A_702, %dma_wait3A_703] : memref<10000x128xbf16, #tpu.memory_space<hbm>> -> memref<10000x128xbf16, #tpu.memory_space<hbm>>
      tpu.wait_indirect_dma semaphore(%arg11 : memref<!tpu.dma_semaphore, #tpu.memory_space<semaphore_mem>>) src(%dma_wait3A_704 : memref<10000x128xbf16, #tpu.memory_space<hbm>>) dst(%dma_wait3A_698 : memref<80x128xbf16, #tpu.memory_space<vmem>>)
      %dma_start3A_705 = arith.constant 1 : i32
      %dma_start3A_706 = arith.constant 0 : i32
      %dma_start3A_707 = arith.constant 0 : i32
      %dma_start3A_708 = tpu.memref_slice %arg10[%dma_start3A_705, %dma_start3A_706, %dma_start3A_707] : memref<7x80x128xbf16, #tpu.memory_space<vmem>> -> memref<1x80x128xbf16, #tpu.memory_space<vmem>>
      %dma_start3A_709 = tpu.memref_squeeze %dma_start3A_708 : memref<1x80x128xbf16, #tpu.memory_space<vmem>> -> memref<80x128xbf16, #tpu.memory_space<vmem>>
      %dma_start3A_710 = arith.constant 0 : i32
      %dma_start3A_711 = tpu.memref_slice %arg9[%add3A_692, %dma_start3A_710] : memref<125x80xi32, #tpu.memory_space<vmem>> -> memref<1x80xi32, #tpu.memory_space<vmem>>
      %dma_start3A_712 = tpu.memref_squeeze %dma_start3A_711 : memref<1x80xi32, #tpu.memory_space<vmem>> -> memref<80xi32, #tpu.memory_space<vmem>>
      %dma_start3A_713 = arith.constant 0 : i32
      %dma_start3A_714 = arith.constant 0 : i32
      %dma_start3A_715 = tpu.memref_slice %arg7[%dma_start3A_713, %dma_start3A_714] : memref<10240x128xbf16, #tpu.memory_space<vmem_shared>> -> memref<10240x128xbf16, #tpu.memory_space<vmem_shared>>
      tpu.enqueue_indirect_dma source(%dma_start3A_709 : memref<80x128xbf16, #tpu.memory_space<vmem>>) target(%dma_start3A_715 : memref<10240x128xbf16, #tpu.memory_space<vmem_shared>>) offsets(%dma_start3A_712 : memref<80xi32, #tpu.memory_space<vmem>>) semaphore(%arg12 : memref<!tpu.dma_semaphore, #tpu.memory_space<semaphore_mem>>) {add = true}
      %dma_wait3A_716 = arith.constant 0 : i32
      %dma_wait3A_717 = arith.constant 0 : i32
      %dma_wait3A_718 = arith.constant 0 : i32
      %dma_wait3A_719 = arith.constant 0 : i32
      %dma_wait3A_720 = tpu.memref_slice %arg10[%dma_wait3A_716, %dma_wait3A_718, %dma_wait3A_719] : memref<7x80x128xbf16, #tpu.memory_space<vmem>> -> memref<1x80x128xbf16, #tpu.memory_space<vmem>>
      %dma_wait3A_721 = tpu.memref_squeeze %dma_wait3A_720 : memref<1x80x128xbf16, #tpu.memory_space<vmem>> -> memref<80x128xbf16, #tpu.memory_space<vmem>>
      %dma_wait3A_722 = arith.constant 0 : i32
      %dma_wait3A_723 = tpu.memref_slice %arg9[%dma_wait3A_717, %dma_wait3A_722] : memref<125x80xi32, #tpu.memory_space<vmem>> -> memref<1x80xi32, #tpu.memory_space<vmem>>
      %dma_wait3A_724 = tpu.memref_squeeze %dma_wait3A_723 : memref<1x80xi32, #tpu.memory_space<vmem>> -> memref<80xi32, #tpu.memory_space<vmem>>
      %dma_wait3A_725 = arith.constant 0 : i32
      %dma_wait3A_726 = arith.constant 0 : i32
      %dma_wait3A_727 = tpu.memref_slice %arg7[%dma_wait3A_725, %dma_wait3A_726] : memref<10240x128xbf16, #tpu.memory_space<vmem_shared>> -> memref<10240x128xbf16, #tpu.memory_space<vmem_shared>>
      tpu.wait_indirect_dma semaphore(%arg12 : memref<!tpu.dma_semaphore, #tpu.memory_space<semaphore_mem>>) src(%dma_wait3A_721 : memref<80x128xbf16, #tpu.memory_space<vmem>>) dst(%dma_wait3A_727 : memref<10240x128xbf16, #tpu.memory_space<vmem_shared>>)
      %add3A_728 = arith.constant 7 : i32
      %add3A_729 = arith.addi %add3A_692, %add3A_728 : i32
      %sub3A_730 = arith.constant 1 : i32
      %sub3A_731 = arith.subi %add3A_729, %sub3A_730 : i32
      %dma_start3A_732 = arith.constant 0 : i32
      %dma_start3A_733 = arith.constant 0 : i32
      %dma_start3A_734 = arith.constant 0 : i32
      %dma_start3A_735 = tpu.memref_slice %arg10[%dma_start3A_732, %dma_start3A_733, %dma_start3A_734] : memref<7x80x128xbf16, #tpu.memory_space<vmem>> -> memref<1x80x128xbf16, #tpu.memory_space<vmem>>
      %dma_start3A_736 = tpu.memref_squeeze %dma_start3A_735 : memref<1x80x128xbf16, #tpu.memory_space<vmem>> -> memref<80x128xbf16, #tpu.memory_space<vmem>>
      %dma_start3A_737 = arith.constant 0 : i32
      %dma_start3A_738 = tpu.memref_slice %arg8[%sub3A_731, %dma_start3A_737] : memref<125x80xi32, #tpu.memory_space<vmem>> -> memref<1x80xi32, #tpu.memory_space<vmem>>
      %dma_start3A_739 = tpu.memref_squeeze %dma_start3A_738 : memref<1x80xi32, #tpu.memory_space<vmem>> -> memref<80xi32, #tpu.memory_space<vmem>>
      %dma_start3A_740 = arith.constant 0 : i32
      %dma_start3A_741 = arith.constant 0 : i32
      %dma_start3A_742 = tpu.memref_slice %arg2[%dma_start3A_740, %dma_start3A_741] : memref<10000x128xbf16, #tpu.memory_space<hbm>> -> memref<10000x128xbf16, #tpu.memory_space<hbm>>
      tpu.enqueue_indirect_dma source(%dma_start3A_742 : memref<10000x128xbf16, #tpu.memory_space<hbm>>) target(%dma_start3A_736 : memref<80x128xbf16, #tpu.memory_space<vmem>>) offsets(%dma_start3A_739 : memref<80xi32, #tpu.memory_space<vmem>>) semaphore(%arg11 : memref<!tpu.dma_semaphore, #tpu.memory_space<semaphore_mem>>)
      %mul3A_743 = arith.constant 7 : i32
      %mul3A_744 = arith.muli %mul3A_743, %scan3A_635 : i32
      %add3A_745 = arith.constant 2 : i32
      %add3A_746 = arith.addi %mul3A_744, %add3A_745 : i32
      %dma_wait3A_747 = arith.constant 0 : i32
      %dma_wait3A_748 = arith.constant 2 : i32
      %dma_wait3A_749 = arith.constant 0 : i32
      %dma_wait3A_750 = arith.constant 0 : i32
      %dma_wait3A_751 = tpu.memref_slice %arg10[%dma_wait3A_748, %dma_wait3A_749, %dma_wait3A_750] : memref<7x80x128xbf16, #tpu.memory_space<vmem>> -> memref<1x80x128xbf16, #tpu.memory_space<vmem>>
      %dma_wait3A_752 = tpu.memref_squeeze %dma_wait3A_751 : memref<1x80x128xbf16, #tpu.memory_space<vmem>> -> memref<80x128xbf16, #tpu.memory_space<vmem>>
      %dma_wait3A_753 = arith.constant 0 : i32
      %dma_wait3A_754 = tpu.memref_slice %arg8[%dma_wait3A_747, %dma_wait3A_753] : memref<125x80xi32, #tpu.memory_space<vmem>> -> memref<1x80xi32, #tpu.memory_space<vmem>>
      %dma_wait3A_755 = tpu.memref_squeeze %dma_wait3A_754 : memref<1x80xi32, #tpu.memory_space<vmem>> -> memref<80xi32, #tpu.memory_space<vmem>>
      %dma_wait3A_756 = arith.constant 0 : i32
      %dma_wait3A_757 = arith.constant 0 : i32
      %dma_wait3A_758 = tpu.memref_slice %arg2[%dma_wait3A_756, %dma_wait3A_757] : memref<10000x128xbf16, #tpu.memory_space<hbm>> -> memref<10000x128xbf16, #tpu.memory_space<hbm>>
      tpu.wait_indirect_dma semaphore(%arg11 : memref<!tpu.dma_semaphore, #tpu.memory_space<semaphore_mem>>) src(%dma_wait3A_758 : memref<10000x128xbf16, #tpu.memory_space<hbm>>) dst(%dma_wait3A_752 : memref<80x128xbf16, #tpu.memory_space<vmem>>)
      %dma_start3A_759 = arith.constant 2 : i32
      %dma_start3A_760 = arith.constant 0 : i32
      %dma_start3A_761 = arith.constant 0 : i32
      %dma_start3A_762 = tpu.memref_slice %arg10[%dma_start3A_759, %dma_start3A_760, %dma_start3A_761] : memref<7x80x128xbf16, #tpu.memory_space<vmem>> -> memref<1x80x128xbf16, #tpu.memory_space<vmem>>
      %dma_start3A_763 = tpu.memref_squeeze %dma_start3A_762 : memref<1x80x128xbf16, #tpu.memory_space<vmem>> -> memref<80x128xbf16, #tpu.memory_space<vmem>>
      %dma_start3A_764 = arith.constant 0 : i32
      %dma_start3A_765 = tpu.memref_slice %arg9[%add3A_746, %dma_start3A_764] : memref<125x80xi32, #tpu.memory_space<vmem>> -> memref<1x80xi32, #tpu.memory_space<vmem>>
      %dma_start3A_766 = tpu.memref_squeeze %dma_start3A_765 : memref<1x80xi32, #tpu.memory_space<vmem>> -> memref<80xi32, #tpu.memory_space<vmem>>
      %dma_start3A_767 = arith.constant 0 : i32
      %dma_start3A_768 = arith.constant 0 : i32
      %dma_start3A_769 = tpu.memref_slice %arg7[%dma_start3A_767, %dma_start3A_768] : memref<10240x128xbf16, #tpu.memory_space<vmem_shared>> -> memref<10240x128xbf16, #tpu.memory_space<vmem_shared>>
      tpu.enqueue_indirect_dma source(%dma_start3A_763 : memref<80x128xbf16, #tpu.memory_space<vmem>>) target(%dma_start3A_769 : memref<10240x128xbf16, #tpu.memory_space<vmem_shared>>) offsets(%dma_start3A_766 : memref<80xi32, #tpu.memory_space<vmem>>) semaphore(%arg12 : memref<!tpu.dma_semaphore, #tpu.memory_space<semaphore_mem>>) {add = true}
      %dma_wait3A_770 = arith.constant 0 : i32
      %dma_wait3A_771 = arith.constant 0 : i32
      %dma_wait3A_772 = arith.constant 0 : i32
      %dma_wait3A_773 = arith.constant 0 : i32
      %dma_wait3A_774 = tpu.memref_slice %arg10[%dma_wait3A_770, %dma_wait3A_772, %dma_wait3A_773] : memref<7x80x128xbf16, #tpu.memory_space<vmem>> -> memref<1x80x128xbf16, #tpu.memory_space<vmem>>
      %dma_wait3A_775 = tpu.memref_squeeze %dma_wait3A_774 : memref<1x80x128xbf16, #tpu.memory_space<vmem>> -> memref<80x128xbf16, #tpu.memory_space<vmem>>
      %dma_wait3A_776 = arith.constant 0 : i32
      %dma_wait3A_777 = tpu.memref_slice %arg9[%dma_wait3A_771, %dma_wait3A_776] : memref<125x80xi32, #tpu.memory_space<vmem>> -> memref<1x80xi32, #tpu.memory_space<vmem>>
      %dma_wait3A_778 = tpu.memref_squeeze %dma_wait3A_777 : memref<1x80xi32, #tpu.memory_space<vmem>> -> memref<80xi32, #tpu.memory_space<vmem>>
      %dma_wait3A_779 = arith.constant 0 : i32
      %dma_wait3A_780 = arith.constant 0 : i32
      %dma_wait3A_781 = tpu.memref_slice %arg7[%dma_wait3A_779, %dma_wait3A_780] : memref<10240x128xbf16, #tpu.memory_space<vmem_shared>> -> memref<10240x128xbf16, #tpu.memory_space<vmem_shared>>
      tpu.wait_indirect_dma semaphore(%arg12 : memref<!tpu.dma_semaphore, #tpu.memory_space<semaphore_mem>>) src(%dma_wait3A_775 : memref<80x128xbf16, #tpu.memory_space<vmem>>) dst(%dma_wait3A_781 : memref<10240x128xbf16, #tpu.memory_space<vmem_shared>>)
      %add3A_782 = arith.constant 7 : i32
      %add3A_783 = arith.addi %add3A_746, %add3A_782 : i32
      %sub3A_784 = arith.constant 1 : i32
      %sub3A_785 = arith.subi %add3A_783, %sub3A_784 : i32
      %dma_start3A_786 = arith.constant 1 : i32
      %dma_start3A_787 = arith.constant 0 : i32
      %dma_start3A_788 = arith.constant 0 : i32
      %dma_start3A_789 = tpu.memref_slice %arg10[%dma_start3A_786, %dma_start3A_787, %dma_start3A_788] : memref<7x80x128xbf16, #tpu.memory_space<vmem>> -> memref<1x80x128xbf16, #tpu.memory_space<vmem>>
      %dma_start3A_790 = tpu.memref_squeeze %dma_start3A_789 : memref<1x80x128xbf16, #tpu.memory_space<vmem>> -> memref<80x128xbf16, #tpu.memory_space<vmem>>
      %dma_start3A_791 = arith.constant 0 : i32
      %dma_start3A_792 = tpu.memref_slice %arg8[%sub3A_785, %dma_start3A_791] : memref<125x80xi32, #tpu.memory_space<vmem>> -> memref<1x80xi32, #tpu.memory_space<vmem>>
      %dma_start3A_793 = tpu.memref_squeeze %dma_start3A_792 : memref<1x80xi32, #tpu.memory_space<vmem>> -> memref<80xi32, #tpu.memory_space<vmem>>
      %dma_start3A_794 = arith.constant 0 : i32
      %dma_start3A_795 = arith.constant 0 : i32
      %dma_start3A_796 = tpu.memref_slice %arg2[%dma_start3A_794, %dma_start3A_795] : memref<10000x128xbf16, #tpu.memory_space<hbm>> -> memref<10000x128xbf16, #tpu.memory_space<hbm>>
      tpu.enqueue_indirect_dma source(%dma_start3A_796 : memref<10000x128xbf16, #tpu.memory_space<hbm>>) target(%dma_start3A_790 : memref<80x128xbf16, #tpu.memory_space<vmem>>) offsets(%dma_start3A_793 : memref<80xi32, #tpu.memory_space<vmem>>) semaphore(%arg11 : memref<!tpu.dma_semaphore, #tpu.memory_space<semaphore_mem>>)
      %mul3A_797 = arith.constant 7 : i32
      %mul3A_798 = arith.muli %mul3A_797, %scan3A_635 : i32
      %add3A_799 = arith.constant 3 : i32
      %add3A_800 = arith.addi %mul3A_798, %add3A_799 : i32
      %dma_wait3A_801 = arith.constant 0 : i32
      %dma_wait3A_802 = arith.constant 3 : i32
      %dma_wait3A_803 = arith.constant 0 : i32
      %dma_wait3A_804 = arith.constant 0 : i32
      %dma_wait3A_805 = tpu.memref_slice %arg10[%dma_wait3A_802, %dma_wait3A_803, %dma_wait3A_804] : memref<7x80x128xbf16, #tpu.memory_space<vmem>> -> memref<1x80x128xbf16, #tpu.memory_space<vmem>>
      %dma_wait3A_806 = tpu.memref_squeeze %dma_wait3A_805 : memref<1x80x128xbf16, #tpu.memory_space<vmem>> -> memref<80x128xbf16, #tpu.memory_space<vmem>>
      %dma_wait3A_807 = arith.constant 0 : i32
      %dma_wait3A_808 = tpu.memref_slice %arg8[%dma_wait3A_801, %dma_wait3A_807] : memref<125x80xi32, #tpu.memory_space<vmem>> -> memref<1x80xi32, #tpu.memory_space<vmem>>
      %dma_wait3A_809 = tpu.memref_squeeze %dma_wait3A_808 : memref<1x80xi32, #tpu.memory_space<vmem>> -> memref<80xi32, #tpu.memory_space<vmem>>
      %dma_wait3A_810 = arith.constant 0 : i32
      %dma_wait3A_811 = arith.constant 0 : i32
      %dma_wait3A_812 = tpu.memref_slice %arg2[%dma_wait3A_810, %dma_wait3A_811] : memref<10000x128xbf16, #tpu.memory_space<hbm>> -> memref<10000x128xbf16, #tpu.memory_space<hbm>>
      tpu.wait_indirect_dma semaphore(%arg11 : memref<!tpu.dma_semaphore, #tpu.memory_space<semaphore_mem>>) src(%dma_wait3A_812 : memref<10000x128xbf16, #tpu.memory_space<hbm>>) dst(%dma_wait3A_806 : memref<80x128xbf16, #tpu.memory_space<vmem>>)
      %dma_start3A_813 = arith.constant 3 : i32
      %dma_start3A_814 = arith.constant 0 : i32
      %dma_start3A_815 = arith.constant 0 : i32
      %dma_start3A_816 = tpu.memref_slice %arg10[%dma_start3A_813, %dma_start3A_814, %dma_start3A_815] : memref<7x80x128xbf16, #tpu.memory_space<vmem>> -> memref<1x80x128xbf16, #tpu.memory_space<vmem>>
      %dma_start3A_817 = tpu.memref_squeeze %dma_start3A_816 : memref<1x80x128xbf16, #tpu.memory_space<vmem>> -> memref<80x128xbf16, #tpu.memory_space<vmem>>
      %dma_start3A_818 = arith.constant 0 : i32
      %dma_start3A_819 = tpu.memref_slice %arg9[%add3A_800, %dma_start3A_818] : memref<125x80xi32, #tpu.memory_space<vmem>> -> memref<1x80xi32, #tpu.memory_space<vmem>>
      %dma_start3A_820 = tpu.memref_squeeze %dma_start3A_819 : memref<1x80xi32, #tpu.memory_space<vmem>> -> memref<80xi32, #tpu.memory_space<vmem>>
      %dma_start3A_821 = arith.constant 0 : i32
      %dma_start3A_822 = arith.constant 0 : i32
      %dma_start3A_823 = tpu.memref_slice %arg7[%dma_start3A_821, %dma_start3A_822] : memref<10240x128xbf16, #tpu.memory_space<vmem_shared>> -> memref<10240x128xbf16, #tpu.memory_space<vmem_shared>>
      tpu.enqueue_indirect_dma source(%dma_start3A_817 : memref<80x128xbf16, #tpu.memory_space<vmem>>) target(%dma_start3A_823 : memref<10240x128xbf16, #tpu.memory_space<vmem_shared>>) offsets(%dma_start3A_820 : memref<80xi32, #tpu.memory_space<vmem>>) semaphore(%arg12 : memref<!tpu.dma_semaphore, #tpu.memory_space<semaphore_mem>>) {add = true}
      %dma_wait3A_824 = arith.constant 0 : i32
      %dma_wait3A_825 = arith.constant 0 : i32
      %dma_wait3A_826 = arith.constant 0 : i32
      %dma_wait3A_827 = arith.constant 0 : i32
      %dma_wait3A_828 = tpu.memref_slice %arg10[%dma_wait3A_824, %dma_wait3A_826, %dma_wait3A_827] : memref<7x80x128xbf16, #tpu.memory_space<vmem>> -> memref<1x80x128xbf16, #tpu.memory_space<vmem>>
      %dma_wait3A_829 = tpu.memref_squeeze %dma_wait3A_828 : memref<1x80x128xbf16, #tpu.memory_space<vmem>> -> memref<80x128xbf16, #tpu.memory_space<vmem>>
      %dma_wait3A_830 = arith.constant 0 : i32
      %dma_wait3A_831 = tpu.memref_slice %arg9[%dma_wait3A_825, %dma_wait3A_830] : memref<125x80xi32, #tpu.memory_space<vmem>> -> memref<1x80xi32, #tpu.memory_space<vmem>>
      %dma_wait3A_832 = tpu.memref_squeeze %dma_wait3A_831 : memref<1x80xi32, #tpu.memory_space<vmem>> -> memref<80xi32, #tpu.memory_space<vmem>>
      %dma_wait3A_833 = arith.constant 0 : i32
      %dma_wait3A_834 = arith.constant 0 : i32
      %dma_wait3A_835 = tpu.memref_slice %arg7[%dma_wait3A_833, %dma_wait3A_834] : memref<10240x128xbf16, #tpu.memory_space<vmem_shared>> -> memref<10240x128xbf16, #tpu.memory_space<vmem_shared>>
      tpu.wait_indirect_dma semaphore(%arg12 : memref<!tpu.dma_semaphore, #tpu.memory_space<semaphore_mem>>) src(%dma_wait3A_829 : memref<80x128xbf16, #tpu.memory_space<vmem>>) dst(%dma_wait3A_835 : memref<10240x128xbf16, #tpu.memory_space<vmem_shared>>)
      %add3A_836 = arith.constant 7 : i32
      %add3A_837 = arith.addi %add3A_800, %add3A_836 : i32
      %sub3A_838 = arith.constant 1 : i32
      %sub3A_839 = arith.subi %add3A_837, %sub3A_838 : i32
      %dma_start3A_840 = arith.constant 2 : i32
      %dma_start3A_841 = arith.constant 0 : i32
      %dma_start3A_842 = arith.constant 0 : i32
      %dma_start3A_843 = tpu.memref_slice %arg10[%dma_start3A_840, %dma_start3A_841, %dma_start3A_842] : memref<7x80x128xbf16, #tpu.memory_space<vmem>> -> memref<1x80x128xbf16, #tpu.memory_space<vmem>>
      %dma_start3A_844 = tpu.memref_squeeze %dma_start3A_843 : memref<1x80x128xbf16, #tpu.memory_space<vmem>> -> memref<80x128xbf16, #tpu.memory_space<vmem>>
      %dma_start3A_845 = arith.constant 0 : i32
      %dma_start3A_846 = tpu.memref_slice %arg8[%sub3A_839, %dma_start3A_845] : memref<125x80xi32, #tpu.memory_space<vmem>> -> memref<1x80xi32, #tpu.memory_space<vmem>>
      %dma_start3A_847 = tpu.memref_squeeze %dma_start3A_846 : memref<1x80xi32, #tpu.memory_space<vmem>> -> memref<80xi32, #tpu.memory_space<vmem>>
      %dma_start3A_848 = arith.constant 0 : i32
      %dma_start3A_849 = arith.constant 0 : i32
      %dma_start3A_850 = tpu.memref_slice %arg2[%dma_start3A_848, %dma_start3A_849] : memref<10000x128xbf16, #tpu.memory_space<hbm>> -> memref<10000x128xbf16, #tpu.memory_space<hbm>>
      tpu.enqueue_indirect_dma source(%dma_start3A_850 : memref<10000x128xbf16, #tpu.memory_space<hbm>>) target(%dma_start3A_844 : memref<80x128xbf16, #tpu.memory_space<vmem>>) offsets(%dma_start3A_847 : memref<80xi32, #tpu.memory_space<vmem>>) semaphore(%arg11 : memref<!tpu.dma_semaphore, #tpu.memory_space<semaphore_mem>>)
      %mul3A_851 = arith.constant 7 : i32
      %mul3A_852 = arith.muli %mul3A_851, %scan3A_635 : i32
      %add3A_853 = arith.constant 4 : i32
      %add3A_854 = arith.addi %mul3A_852, %add3A_853 : i32
      %dma_wait3A_855 = arith.constant 0 : i32
      %dma_wait3A_856 = arith.constant 4 : i32
      %dma_wait3A_857 = arith.constant 0 : i32
      %dma_wait3A_858 = arith.constant 0 : i32
      %dma_wait3A_859 = tpu.memref_slice %arg10[%dma_wait3A_856, %dma_wait3A_857, %dma_wait3A_858] : memref<7x80x128xbf16, #tpu.memory_space<vmem>> -> memref<1x80x128xbf16, #tpu.memory_space<vmem>>
      %dma_wait3A_860 = tpu.memref_squeeze %dma_wait3A_859 : memref<1x80x128xbf16, #tpu.memory_space<vmem>> -> memref<80x128xbf16, #tpu.memory_space<vmem>>
      %dma_wait3A_861 = arith.constant 0 : i32
      %dma_wait3A_862 = tpu.memref_slice %arg8[%dma_wait3A_855, %dma_wait3A_861] : memref<125x80xi32, #tpu.memory_space<vmem>> -> memref<1x80xi32, #tpu.memory_space<vmem>>
      %dma_wait3A_863 = tpu.memref_squeeze %dma_wait3A_862 : memref<1x80xi32, #tpu.memory_space<vmem>> -> memref<80xi32, #tpu.memory_space<vmem>>
      %dma_wait3A_864 = arith.constant 0 : i32
      %dma_wait3A_865 = arith.constant 0 : i32
      %dma_wait3A_866 = tpu.memref_slice %arg2[%dma_wait3A_864, %dma_wait3A_865] : memref<10000x128xbf16, #tpu.memory_space<hbm>> -> memref<10000x128xbf16, #tpu.memory_space<hbm>>
      tpu.wait_indirect_dma semaphore(%arg11 : memref<!tpu.dma_semaphore, #tpu.memory_space<semaphore_mem>>) src(%dma_wait3A_866 : memref<10000x128xbf16, #tpu.memory_space<hbm>>) dst(%dma_wait3A_860 : memref<80x128xbf16, #tpu.memory_space<vmem>>)
      %dma_start3A_867 = arith.constant 4 : i32
      %dma_start3A_868 = arith.constant 0 : i32
      %dma_start3A_869 = arith.constant 0 : i32
      %dma_start3A_870 = tpu.memref_slice %arg10[%dma_start3A_867, %dma_start3A_868, %dma_start3A_869] : memref<7x80x128xbf16, #tpu.memory_space<vmem>> -> memref<1x80x128xbf16, #tpu.memory_space<vmem>>
      %dma_start3A_871 = tpu.memref_squeeze %dma_start3A_870 : memref<1x80x128xbf16, #tpu.memory_space<vmem>> -> memref<80x128xbf16, #tpu.memory_space<vmem>>
      %dma_start3A_872 = arith.constant 0 : i32
      %dma_start3A_873 = tpu.memref_slice %arg9[%add3A_854, %dma_start3A_872] : memref<125x80xi32, #tpu.memory_space<vmem>> -> memref<1x80xi32, #tpu.memory_space<vmem>>
      %dma_start3A_874 = tpu.memref_squeeze %dma_start3A_873 : memref<1x80xi32, #tpu.memory_space<vmem>> -> memref<80xi32, #tpu.memory_space<vmem>>
      %dma_start3A_875 = arith.constant 0 : i32
      %dma_start3A_876 = arith.constant 0 : i32
      %dma_start3A_877 = tpu.memref_slice %arg7[%dma_start3A_875, %dma_start3A_876] : memref<10240x128xbf16, #tpu.memory_space<vmem_shared>> -> memref<10240x128xbf16, #tpu.memory_space<vmem_shared>>
      tpu.enqueue_indirect_dma source(%dma_start3A_871 : memref<80x128xbf16, #tpu.memory_space<vmem>>) target(%dma_start3A_877 : memref<10240x128xbf16, #tpu.memory_space<vmem_shared>>) offsets(%dma_start3A_874 : memref<80xi32, #tpu.memory_space<vmem>>) semaphore(%arg12 : memref<!tpu.dma_semaphore, #tpu.memory_space<semaphore_mem>>) {add = true}
      %dma_wait3A_878 = arith.constant 0 : i32
      %dma_wait3A_879 = arith.constant 0 : i32
      %dma_wait3A_880 = arith.constant 0 : i32
      %dma_wait3A_881 = arith.constant 0 : i32
      %dma_wait3A_882 = tpu.memref_slice %arg10[%dma_wait3A_878, %dma_wait3A_880, %dma_wait3A_881] : memref<7x80x128xbf16, #tpu.memory_space<vmem>> -> memref<1x80x128xbf16, #tpu.memory_space<vmem>>
      %dma_wait3A_883 = tpu.memref_squeeze %dma_wait3A_882 : memref<1x80x128xbf16, #tpu.memory_space<vmem>> -> memref<80x128xbf16, #tpu.memory_space<vmem>>
      %dma_wait3A_884 = arith.constant 0 : i32
      %dma_wait3A_885 = tpu.memref_slice %arg9[%dma_wait3A_879, %dma_wait3A_884] : memref<125x80xi32, #tpu.memory_space<vmem>> -> memref<1x80xi32, #tpu.memory_space<vmem>>
      %dma_wait3A_886 = tpu.memref_squeeze %dma_wait3A_885 : memref<1x80xi32, #tpu.memory_space<vmem>> -> memref<80xi32, #tpu.memory_space<vmem>>
      %dma_wait3A_887 = arith.constant 0 : i32
      %dma_wait3A_888 = arith.constant 0 : i32
      %dma_wait3A_889 = tpu.memref_slice %arg7[%dma_wait3A_887, %dma_wait3A_888] : memref<10240x128xbf16, #tpu.memory_space<vmem_shared>> -> memref<10240x128xbf16, #tpu.memory_space<vmem_shared>>
      tpu.wait_indirect_dma semaphore(%arg12 : memref<!tpu.dma_semaphore, #tpu.memory_space<semaphore_mem>>) src(%dma_wait3A_883 : memref<80x128xbf16, #tpu.memory_space<vmem>>) dst(%dma_wait3A_889 : memref<10240x128xbf16, #tpu.memory_space<vmem_shared>>)
      %add3A_890 = arith.constant 7 : i32
      %add3A_891 = arith.addi %add3A_854, %add3A_890 : i32
      %sub3A_892 = arith.constant 1 : i32
      %sub3A_893 = arith.subi %add3A_891, %sub3A_892 : i32
      %dma_start3A_894 = arith.constant 3 : i32
      %dma_start3A_895 = arith.constant 0 : i32
      %dma_start3A_896 = arith.constant 0 : i32
      %dma_start3A_897 = tpu.memref_slice %arg10[%dma_start3A_894, %dma_start3A_895, %dma_start3A_896] : memref<7x80x128xbf16, #tpu.memory_space<vmem>> -> memref<1x80x128xbf16, #tpu.memory_space<vmem>>
      %dma_start3A_898 = tpu.memref_squeeze %dma_start3A_897 : memref<1x80x128xbf16, #tpu.memory_space<vmem>> -> memref<80x128xbf16, #tpu.memory_space<vmem>>
      %dma_start3A_899 = arith.constant 0 : i32
      %dma_start3A_900 = tpu.memref_slice %arg8[%sub3A_893, %dma_start3A_899] : memref<125x80xi32, #tpu.memory_space<vmem>> -> memref<1x80xi32, #tpu.memory_space<vmem>>
      %dma_start3A_901 = tpu.memref_squeeze %dma_start3A_900 : memref<1x80xi32, #tpu.memory_space<vmem>> -> memref<80xi32, #tpu.memory_space<vmem>>
      %dma_start3A_902 = arith.constant 0 : i32
      %dma_start3A_903 = arith.constant 0 : i32
      %dma_start3A_904 = tpu.memref_slice %arg2[%dma_start3A_902, %dma_start3A_903] : memref<10000x128xbf16, #tpu.memory_space<hbm>> -> memref<10000x128xbf16, #tpu.memory_space<hbm>>
      tpu.enqueue_indirect_dma source(%dma_start3A_904 : memref<10000x128xbf16, #tpu.memory_space<hbm>>) target(%dma_start3A_898 : memref<80x128xbf16, #tpu.memory_space<vmem>>) offsets(%dma_start3A_901 : memref<80xi32, #tpu.memory_space<vmem>>) semaphore(%arg11 : memref<!tpu.dma_semaphore, #tpu.memory_space<semaphore_mem>>)
      %mul3A_905 = arith.constant 7 : i32
      %mul3A_906 = arith.muli %mul3A_905, %scan3A_635 : i32
      %add3A_907 = arith.constant 5 : i32
      %add3A_908 = arith.addi %mul3A_906, %add3A_907 : i32
      %dma_wait3A_909 = arith.constant 0 : i32
      %dma_wait3A_910 = arith.constant 5 : i32
      %dma_wait3A_911 = arith.constant 0 : i32
      %dma_wait3A_912 = arith.constant 0 : i32
      %dma_wait3A_913 = tpu.memref_slice %arg10[%dma_wait3A_910, %dma_wait3A_911, %dma_wait3A_912] : memref<7x80x128xbf16, #tpu.memory_space<vmem>> -> memref<1x80x128xbf16, #tpu.memory_space<vmem>>
      %dma_wait3A_914 = tpu.memref_squeeze %dma_wait3A_913 : memref<1x80x128xbf16, #tpu.memory_space<vmem>> -> memref<80x128xbf16, #tpu.memory_space<vmem>>
      %dma_wait3A_915 = arith.constant 0 : i32
      %dma_wait3A_916 = tpu.memref_slice %arg8[%dma_wait3A_909, %dma_wait3A_915] : memref<125x80xi32, #tpu.memory_space<vmem>> -> memref<1x80xi32, #tpu.memory_space<vmem>>
      %dma_wait3A_917 = tpu.memref_squeeze %dma_wait3A_916 : memref<1x80xi32, #tpu.memory_space<vmem>> -> memref<80xi32, #tpu.memory_space<vmem>>
      %dma_wait3A_918 = arith.constant 0 : i32
      %dma_wait3A_919 = arith.constant 0 : i32
      %dma_wait3A_920 = tpu.memref_slice %arg2[%dma_wait3A_918, %dma_wait3A_919] : memref<10000x128xbf16, #tpu.memory_space<hbm>> -> memref<10000x128xbf16, #tpu.memory_space<hbm>>
      tpu.wait_indirect_dma semaphore(%arg11 : memref<!tpu.dma_semaphore, #tpu.memory_space<semaphore_mem>>) src(%dma_wait3A_920 : memref<10000x128xbf16, #tpu.memory_space<hbm>>) dst(%dma_wait3A_914 : memref<80x128xbf16, #tpu.memory_space<vmem>>)
      %dma_start3A_921 = arith.constant 5 : i32
      %dma_start3A_922 = arith.constant 0 : i32
      %dma_start3A_923 = arith.constant 0 : i32
      %dma_start3A_924 = tpu.memref_slice %arg10[%dma_start3A_921, %dma_start3A_922, %dma_start3A_923] : memref<7x80x128xbf16, #tpu.memory_space<vmem>> -> memref<1x80x128xbf16, #tpu.memory_space<vmem>>
      %dma_start3A_925 = tpu.memref_squeeze %dma_start3A_924 : memref<1x80x128xbf16, #tpu.memory_space<vmem>> -> memref<80x128xbf16, #tpu.memory_space<vmem>>
      %dma_start3A_926 = arith.constant 0 : i32
      %dma_start3A_927 = tpu.memref_slice %arg9[%add3A_908, %dma_start3A_926] : memref<125x80xi32, #tpu.memory_space<vmem>> -> memref<1x80xi32, #tpu.memory_space<vmem>>
      %dma_start3A_928 = tpu.memref_squeeze %dma_start3A_927 : memref<1x80xi32, #tpu.memory_space<vmem>> -> memref<80xi32, #tpu.memory_space<vmem>>
      %dma_start3A_929 = arith.constant 0 : i32
      %dma_start3A_930 = arith.constant 0 : i32
      %dma_start3A_931 = tpu.memref_slice %arg7[%dma_start3A_929, %dma_start3A_930] : memref<10240x128xbf16, #tpu.memory_space<vmem_shared>> -> memref<10240x128xbf16, #tpu.memory_space<vmem_shared>>
      tpu.enqueue_indirect_dma source(%dma_start3A_925 : memref<80x128xbf16, #tpu.memory_space<vmem>>) target(%dma_start3A_931 : memref<10240x128xbf16, #tpu.memory_space<vmem_shared>>) offsets(%dma_start3A_928 : memref<80xi32, #tpu.memory_space<vmem>>) semaphore(%arg12 : memref<!tpu.dma_semaphore, #tpu.memory_space<semaphore_mem>>) {add = true}
      %dma_wait3A_932 = arith.constant 0 : i32
      %dma_wait3A_933 = arith.constant 0 : i32
      %dma_wait3A_934 = arith.constant 0 : i32
      %dma_wait3A_935 = arith.constant 0 : i32
      %dma_wait3A_936 = tpu.memref_slice %arg10[%dma_wait3A_932, %dma_wait3A_934, %dma_wait3A_935] : memref<7x80x128xbf16, #tpu.memory_space<vmem>> -> memref<1x80x128xbf16, #tpu.memory_space<vmem>>
      %dma_wait3A_937 = tpu.memref_squeeze %dma_wait3A_936 : memref<1x80x128xbf16, #tpu.memory_space<vmem>> -> memref<80x128xbf16, #tpu.memory_space<vmem>>
      %dma_wait3A_938 = arith.constant 0 : i32
      %dma_wait3A_939 = tpu.memref_slice %arg9[%dma_wait3A_933, %dma_wait3A_938] : memref<125x80xi32, #tpu.memory_space<vmem>> -> memref<1x80xi32, #tpu.memory_space<vmem>>
      %dma_wait3A_940 = tpu.memref_squeeze %dma_wait3A_939 : memref<1x80xi32, #tpu.memory_space<vmem>> -> memref<80xi32, #tpu.memory_space<vmem>>
      %dma_wait3A_941 = arith.constant 0 : i32
      %dma_wait3A_942 = arith.constant 0 : i32
      %dma_wait3A_943 = tpu.memref_slice %arg7[%dma_wait3A_941, %dma_wait3A_942] : memref<10240x128xbf16, #tpu.memory_space<vmem_shared>> -> memref<10240x128xbf16, #tpu.memory_space<vmem_shared>>
      tpu.wait_indirect_dma semaphore(%arg12 : memref<!tpu.dma_semaphore, #tpu.memory_space<semaphore_mem>>) src(%dma_wait3A_937 : memref<80x128xbf16, #tpu.memory_space<vmem>>) dst(%dma_wait3A_943 : memref<10240x128xbf16, #tpu.memory_space<vmem_shared>>)
      %add3A_944 = arith.constant 7 : i32
      %add3A_945 = arith.addi %add3A_908, %add3A_944 : i32
      %sub3A_946 = arith.constant 1 : i32
      %sub3A_947 = arith.subi %add3A_945, %sub3A_946 : i32
      %dma_start3A_948 = arith.constant 4 : i32
      %dma_start3A_949 = arith.constant 0 : i32
      %dma_start3A_950 = arith.constant 0 : i32
      %dma_start3A_951 = tpu.memref_slice %arg10[%dma_start3A_948, %dma_start3A_949, %dma_start3A_950] : memref<7x80x128xbf16, #tpu.memory_space<vmem>> -> memref<1x80x128xbf16, #tpu.memory_space<vmem>>
      %dma_start3A_952 = tpu.memref_squeeze %dma_start3A_951 : memref<1x80x128xbf16, #tpu.memory_space<vmem>> -> memref<80x128xbf16, #tpu.memory_space<vmem>>
      %dma_start3A_953 = arith.constant 0 : i32
      %dma_start3A_954 = tpu.memref_slice %arg8[%sub3A_947, %dma_start3A_953] : memref<125x80xi32, #tpu.memory_space<vmem>> -> memref<1x80xi32, #tpu.memory_space<vmem>>
      %dma_start3A_955 = tpu.memref_squeeze %dma_start3A_954 : memref<1x80xi32, #tpu.memory_space<vmem>> -> memref<80xi32, #tpu.memory_space<vmem>>
      %dma_start3A_956 = arith.constant 0 : i32
      %dma_start3A_957 = arith.constant 0 : i32
      %dma_start3A_958 = tpu.memref_slice %arg2[%dma_start3A_956, %dma_start3A_957] : memref<10000x128xbf16, #tpu.memory_space<hbm>> -> memref<10000x128xbf16, #tpu.memory_space<hbm>>
      tpu.enqueue_indirect_dma source(%dma_start3A_958 : memref<10000x128xbf16, #tpu.memory_space<hbm>>) target(%dma_start3A_952 : memref<80x128xbf16, #tpu.memory_space<vmem>>) offsets(%dma_start3A_955 : memref<80xi32, #tpu.memory_space<vmem>>) semaphore(%arg11 : memref<!tpu.dma_semaphore, #tpu.memory_space<semaphore_mem>>)
      %mul3A_959 = arith.constant 7 : i32
      %mul3A_960 = arith.muli %mul3A_959, %scan3A_635 : i32
      %add3A_961 = arith.constant 6 : i32
      %add3A_962 = arith.addi %mul3A_960, %add3A_961 : i32
      %dma_wait3A_963 = arith.constant 0 : i32
      %dma_wait3A_964 = arith.constant 6 : i32
      %dma_wait3A_965 = arith.constant 0 : i32
      %dma_wait3A_966 = arith.constant 0 : i32
      %dma_wait3A_967 = tpu.memref_slice %arg10[%dma_wait3A_964, %dma_wait3A_965, %dma_wait3A_966] : memref<7x80x128xbf16, #tpu.memory_space<vmem>> -> memref<1x80x128xbf16, #tpu.memory_space<vmem>>
      %dma_wait3A_968 = tpu.memref_squeeze %dma_wait3A_967 : memref<1x80x128xbf16, #tpu.memory_space<vmem>> -> memref<80x128xbf16, #tpu.memory_space<vmem>>
      %dma_wait3A_969 = arith.constant 0 : i32
      %dma_wait3A_970 = tpu.memref_slice %arg8[%dma_wait3A_963, %dma_wait3A_969] : memref<125x80xi32, #tpu.memory_space<vmem>> -> memref<1x80xi32, #tpu.memory_space<vmem>>
      %dma_wait3A_971 = tpu.memref_squeeze %dma_wait3A_970 : memref<1x80xi32, #tpu.memory_space<vmem>> -> memref<80xi32, #tpu.memory_space<vmem>>
      %dma_wait3A_972 = arith.constant 0 : i32
      %dma_wait3A_973 = arith.constant 0 : i32
      %dma_wait3A_974 = tpu.memref_slice %arg2[%dma_wait3A_972, %dma_wait3A_973] : memref<10000x128xbf16, #tpu.memory_space<hbm>> -> memref<10000x128xbf16, #tpu.memory_space<hbm>>
      tpu.wait_indirect_dma semaphore(%arg11 : memref<!tpu.dma_semaphore, #tpu.memory_space<semaphore_mem>>) src(%dma_wait3A_974 : memref<10000x128xbf16, #tpu.memory_space<hbm>>) dst(%dma_wait3A_968 : memref<80x128xbf16, #tpu.memory_space<vmem>>)
      %dma_start3A_975 = arith.constant 6 : i32
      %dma_start3A_976 = arith.constant 0 : i32
      %dma_start3A_977 = arith.constant 0 : i32
      %dma_start3A_978 = tpu.memref_slice %arg10[%dma_start3A_975, %dma_start3A_976, %dma_start3A_977] : memref<7x80x128xbf16, #tpu.memory_space<vmem>> -> memref<1x80x128xbf16, #tpu.memory_space<vmem>>
      %dma_start3A_979 = tpu.memref_squeeze %dma_start3A_978 : memref<1x80x128xbf16, #tpu.memory_space<vmem>> -> memref<80x128xbf16, #tpu.memory_space<vmem>>
      %dma_start3A_980 = arith.constant 0 : i32
      %dma_start3A_981 = tpu.memref_slice %arg9[%add3A_962, %dma_start3A_980] : memref<125x80xi32, #tpu.memory_space<vmem>> -> memref<1x80xi32, #tpu.memory_space<vmem>>
      %dma_start3A_982 = tpu.memref_squeeze %dma_start3A_981 : memref<1x80xi32, #tpu.memory_space<vmem>> -> memref<80xi32, #tpu.memory_space<vmem>>
      %dma_start3A_983 = arith.constant 0 : i32
      %dma_start3A_984 = arith.constant 0 : i32
      %dma_start3A_985 = tpu.memref_slice %arg7[%dma_start3A_983, %dma_start3A_984] : memref<10240x128xbf16, #tpu.memory_space<vmem_shared>> -> memref<10240x128xbf16, #tpu.memory_space<vmem_shared>>
      tpu.enqueue_indirect_dma source(%dma_start3A_979 : memref<80x128xbf16, #tpu.memory_space<vmem>>) target(%dma_start3A_985 : memref<10240x128xbf16, #tpu.memory_space<vmem_shared>>) offsets(%dma_start3A_982 : memref<80xi32, #tpu.memory_space<vmem>>) semaphore(%arg12 : memref<!tpu.dma_semaphore, #tpu.memory_space<semaphore_mem>>) {add = true}
      %dma_wait3A_986 = arith.constant 0 : i32
      %dma_wait3A_987 = arith.constant 0 : i32
      %dma_wait3A_988 = arith.constant 0 : i32
      %dma_wait3A_989 = arith.constant 0 : i32
      %dma_wait3A_990 = tpu.memref_slice %arg10[%dma_wait3A_986, %dma_wait3A_988, %dma_wait3A_989] : memref<7x80x128xbf16, #tpu.memory_space<vmem>> -> memref<1x80x128xbf16, #tpu.memory_space<vmem>>
      %dma_wait3A_991 = tpu.memref_squeeze %dma_wait3A_990 : memref<1x80x128xbf16, #tpu.memory_space<vmem>> -> memref<80x128xbf16, #tpu.memory_space<vmem>>
      %dma_wait3A_992 = arith.constant 0 : i32
      %dma_wait3A_993 = tpu.memref_slice %arg9[%dma_wait3A_987, %dma_wait3A_992] : memref<125x80xi32, #tpu.memory_space<vmem>> -> memref<1x80xi32, #tpu.memory_space<vmem>>
      %dma_wait3A_994 = tpu.memref_squeeze %dma_wait3A_993 : memref<1x80xi32, #tpu.memory_space<vmem>> -> memref<80xi32, #tpu.memory_space<vmem>>
      %dma_wait3A_995 = arith.constant 0 : i32
      %dma_wait3A_996 = arith.constant 0 : i32
      %dma_wait3A_997 = tpu.memref_slice %arg7[%dma_wait3A_995, %dma_wait3A_996] : memref<10240x128xbf16, #tpu.memory_space<vmem_shared>> -> memref<10240x128xbf16, #tpu.memory_space<vmem_shared>>
      tpu.wait_indirect_dma semaphore(%arg12 : memref<!tpu.dma_semaphore, #tpu.memory_space<semaphore_mem>>) src(%dma_wait3A_991 : memref<80x128xbf16, #tpu.memory_space<vmem>>) dst(%dma_wait3A_997 : memref<10240x128xbf16, #tpu.memory_space<vmem_shared>>)
      %add3A_998 = arith.constant 7 : i32
      %add3A_999 = arith.addi %add3A_962, %add3A_998 : i32
      %sub3A_1000 = arith.constant 1 : i32
      %sub3A_1001 = arith.subi %add3A_999, %sub3A_1000 : i32
      %dma_start3A_1002 = arith.constant 5 : i32
      %dma_start3A_1003 = arith.constant 0 : i32
      %dma_start3A_1004 = arith.constant 0 : i32
      %dma_start3A_1005 = tpu.memref_slice %arg10[%dma_start3A_1002, %dma_start3A_1003, %dma_start3A_1004] : memref<7x80x128xbf16, #tpu.memory_space<vmem>> -> memref<1x80x128xbf16, #tpu.memory_space<vmem>>
      %dma_start3A_1006 = tpu.memref_squeeze %dma_start3A_1005 : memref<1x80x128xbf16, #tpu.memory_space<vmem>> -> memref<80x128xbf16, #tpu.memory_space<vmem>>
      %dma_start3A_1007 = arith.constant 0 : i32
      %dma_start3A_1008 = tpu.memref_slice %arg8[%sub3A_1001, %dma_start3A_1007] : memref<125x80xi32, #tpu.memory_space<vmem>> -> memref<1x80xi32, #tpu.memory_space<vmem>>
      %dma_start3A_1009 = tpu.memref_squeeze %dma_start3A_1008 : memref<1x80xi32, #tpu.memory_space<vmem>> -> memref<80xi32, #tpu.memory_space<vmem>>
      %dma_start3A_1010 = arith.constant 0 : i32
      %dma_start3A_1011 = arith.constant 0 : i32
      %dma_start3A_1012 = tpu.memref_slice %arg2[%dma_start3A_1010, %dma_start3A_1011] : memref<10000x128xbf16, #tpu.memory_space<hbm>> -> memref<10000x128xbf16, #tpu.memory_space<hbm>>
      tpu.enqueue_indirect_dma source(%dma_start3A_1012 : memref<10000x128xbf16, #tpu.memory_space<hbm>>) target(%dma_start3A_1006 : memref<80x128xbf16, #tpu.memory_space<vmem>>) offsets(%dma_start3A_1009 : memref<80xi32, #tpu.memory_space<vmem>>) semaphore(%arg11 : memref<!tpu.dma_semaphore, #tpu.memory_space<semaphore_mem>>)
    }
    %scan3A_78 = arith.constant 16 : i32
    %dma_wait3A = arith.constant 0 : i32
    %dma_wait3A_79 = arith.constant 0 : i32
    %dma_wait3A_80 = arith.constant 0 : i32
    %dma_wait3A_81 = arith.constant 0 : i32
    %dma_wait3A_82 = tpu.memref_slice %arg10[%dma_wait3A_79, %dma_wait3A_80, %dma_wait3A_81] : memref<7x80x128xbf16, #tpu.memory_space<vmem>> -> memref<1x80x128xbf16, #tpu.memory_space<vmem>>
    %dma_wait3A_83 = tpu.memref_squeeze %dma_wait3A_82 : memref<1x80x128xbf16, #tpu.memory_space<vmem>> -> memref<80x128xbf16, #tpu.memory_space<vmem>>
    %dma_wait3A_84 = arith.constant 0 : i32
    %dma_wait3A_85 = tpu.memref_slice %arg8[%dma_wait3A, %dma_wait3A_84] : memref<125x80xi32, #tpu.memory_space<vmem>> -> memref<1x80xi32, #tpu.memory_space<vmem>>
    %dma_wait3A_86 = tpu.memref_squeeze %dma_wait3A_85 : memref<1x80xi32, #tpu.memory_space<vmem>> -> memref<80xi32, #tpu.memory_space<vmem>>
    %dma_wait3A_87 = arith.constant 0 : i32
    %dma_wait3A_88 = arith.constant 0 : i32
    %dma_wait3A_89 = tpu.memref_slice %arg2[%dma_wait3A_87, %dma_wait3A_88] : memref<10000x128xbf16, #tpu.memory_space<hbm>> -> memref<10000x128xbf16, #tpu.memory_space<hbm>>
    tpu.wait_indirect_dma semaphore(%arg11 : memref<!tpu.dma_semaphore, #tpu.memory_space<semaphore_mem>>) src(%dma_wait3A_89 : memref<10000x128xbf16, #tpu.memory_space<hbm>>) dst(%dma_wait3A_83 : memref<80x128xbf16, #tpu.memory_space<vmem>>)
    %dma_start3A_90 = arith.constant 0 : i32
    %dma_start3A_91 = arith.constant 112 : i32
    %dma_start3A_92 = arith.constant 0 : i32
    %dma_start3A_93 = arith.constant 0 : i32
    %dma_start3A_94 = tpu.memref_slice %arg10[%dma_start3A_90, %dma_start3A_92, %dma_start3A_93] : memref<7x80x128xbf16, #tpu.memory_space<vmem>> -> memref<1x80x128xbf16, #tpu.memory_space<vmem>>
    %dma_start3A_95 = tpu.memref_squeeze %dma_start3A_94 : memref<1x80x128xbf16, #tpu.memory_space<vmem>> -> memref<80x128xbf16, #tpu.memory_space<vmem>>
    %dma_start3A_96 = arith.constant 0 : i32
    %dma_start3A_97 = tpu.memref_slice %arg9[%dma_start3A_91, %dma_start3A_96] : memref<125x80xi32, #tpu.memory_space<vmem>> -> memref<1x80xi32, #tpu.memory_space<vmem>>
    %dma_start3A_98 = tpu.memref_squeeze %dma_start3A_97 : memref<1x80xi32, #tpu.memory_space<vmem>> -> memref<80xi32, #tpu.memory_space<vmem>>
    %dma_start3A_99 = arith.constant 0 : i32
    %dma_start3A_100 = arith.constant 0 : i32
    %dma_start3A_101 = tpu.memref_slice %arg7[%dma_start3A_99, %dma_start3A_100] : memref<10240x128xbf16, #tpu.memory_space<vmem_shared>> -> memref<10240x128xbf16, #tpu.memory_space<vmem_shared>>
    tpu.enqueue_indirect_dma source(%dma_start3A_95 : memref<80x128xbf16, #tpu.memory_space<vmem>>) target(%dma_start3A_101 : memref<10240x128xbf16, #tpu.memory_space<vmem_shared>>) offsets(%dma_start3A_98 : memref<80xi32, #tpu.memory_space<vmem>>) semaphore(%arg12 : memref<!tpu.dma_semaphore, #tpu.memory_space<semaphore_mem>>) {add = true}
    %dma_wait3A_102 = arith.constant 0 : i32
    %dma_wait3A_103 = arith.constant 0 : i32
    %dma_wait3A_104 = arith.constant 0 : i32
    %dma_wait3A_105 = arith.constant 0 : i32
    %dma_wait3A_106 = tpu.memref_slice %arg10[%dma_wait3A_102, %dma_wait3A_104, %dma_wait3A_105] : memref<7x80x128xbf16, #tpu.memory_space<vmem>> -> memref<1x80x128xbf16, #tpu.memory_space<vmem>>
    %dma_wait3A_107 = tpu.memref_squeeze %dma_wait3A_106 : memref<1x80x128xbf16, #tpu.memory_space<vmem>> -> memref<80x128xbf16, #tpu.memory_space<vmem>>
    %dma_wait3A_108 = arith.constant 0 : i32
    %dma_wait3A_109 = tpu.memref_slice %arg9[%dma_wait3A_103, %dma_wait3A_108] : memref<125x80xi32, #tpu.memory_space<vmem>> -> memref<1x80xi32, #tpu.memory_space<vmem>>
    %dma_wait3A_110 = tpu.memref_squeeze %dma_wait3A_109 : memref<1x80xi32, #tpu.memory_space<vmem>> -> memref<80xi32, #tpu.memory_space<vmem>>
    %dma_wait3A_111 = arith.constant 0 : i32
    %dma_wait3A_112 = arith.constant 0 : i32
    %dma_wait3A_113 = tpu.memref_slice %arg7[%dma_wait3A_111, %dma_wait3A_112] : memref<10240x128xbf16, #tpu.memory_space<vmem_shared>> -> memref<10240x128xbf16, #tpu.memory_space<vmem_shared>>
    tpu.wait_indirect_dma semaphore(%arg12 : memref<!tpu.dma_semaphore, #tpu.memory_space<semaphore_mem>>) src(%dma_wait3A_107 : memref<80x128xbf16, #tpu.memory_space<vmem>>) dst(%dma_wait3A_113 : memref<10240x128xbf16, #tpu.memory_space<vmem_shared>>)
    %dma_start3A_114 = arith.constant 118 : i32
    %dma_start3A_115 = arith.constant 6 : i32
    %dma_start3A_116 = arith.constant 0 : i32
    %dma_start3A_117 = arith.constant 0 : i32
    %dma_start3A_118 = tpu.memref_slice %arg10[%dma_start3A_115, %dma_start3A_116, %dma_start3A_117] : memref<7x80x128xbf16, #tpu.memory_space<vmem>> -> memref<1x80x128xbf16, #tpu.memory_space<vmem>>
    %dma_start3A_119 = tpu.memref_squeeze %dma_start3A_118 : memref<1x80x128xbf16, #tpu.memory_space<vmem>> -> memref<80x128xbf16, #tpu.memory_space<vmem>>
    %dma_start3A_120 = arith.constant 0 : i32
    %dma_start3A_121 = tpu.memref_slice %arg8[%dma_start3A_114, %dma_start3A_120] : memref<125x80xi32, #tpu.memory_space<vmem>> -> memref<1x80xi32, #tpu.memory_space<vmem>>
    %dma_start3A_122 = tpu.memref_squeeze %dma_start3A_121 : memref<1x80xi32, #tpu.memory_space<vmem>> -> memref<80xi32, #tpu.memory_space<vmem>>
    %dma_start3A_123 = arith.constant 0 : i32
    %dma_start3A_124 = arith.constant 0 : i32
    %dma_start3A_125 = tpu.memref_slice %arg2[%dma_start3A_123, %dma_start3A_124] : memref<10000x128xbf16, #tpu.memory_space<hbm>> -> memref<10000x128xbf16, #tpu.memory_space<hbm>>
    tpu.enqueue_indirect_dma source(%dma_start3A_125 : memref<10000x128xbf16, #tpu.memory_space<hbm>>) target(%dma_start3A_119 : memref<80x128xbf16, #tpu.memory_space<vmem>>) offsets(%dma_start3A_122 : memref<80xi32, #tpu.memory_space<vmem>>) semaphore(%arg11 : memref<!tpu.dma_semaphore, #tpu.memory_space<semaphore_mem>>)
    %dma_wait3A_126 = arith.constant 0 : i32
    %dma_wait3A_127 = arith.constant 1 : i32
    %dma_wait3A_128 = arith.constant 0 : i32
    %dma_wait3A_129 = arith.constant 0 : i32
    %dma_wait3A_130 = tpu.memref_slice %arg10[%dma_wait3A_127, %dma_wait3A_128, %dma_wait3A_129] : memref<7x80x128xbf16, #tpu.memory_space<vmem>> -> memref<1x80x128xbf16, #tpu.memory_space<vmem>>
    %dma_wait3A_131 = tpu.memref_squeeze %dma_wait3A_130 : memref<1x80x128xbf16, #tpu.memory_space<vmem>> -> memref<80x128xbf16, #tpu.memory_space<vmem>>
    %dma_wait3A_132 = arith.constant 0 : i32
    %dma_wait3A_133 = tpu.memref_slice %arg8[%dma_wait3A_126, %dma_wait3A_132] : memref<125x80xi32, #tpu.memory_space<vmem>> -> memref<1x80xi32, #tpu.memory_space<vmem>>
    %dma_wait3A_134 = tpu.memref_squeeze %dma_wait3A_133 : memref<1x80xi32, #tpu.memory_space<vmem>> -> memref<80xi32, #tpu.memory_space<vmem>>
    %dma_wait3A_135 = arith.constant 0 : i32
    %dma_wait3A_136 = arith.constant 0 : i32
    %dma_wait3A_137 = tpu.memref_slice %arg2[%dma_wait3A_135, %dma_wait3A_136] : memref<10000x128xbf16, #tpu.memory_space<hbm>> -> memref<10000x128xbf16, #tpu.memory_space<hbm>>
    tpu.wait_indirect_dma semaphore(%arg11 : memref<!tpu.dma_semaphore, #tpu.memory_space<semaphore_mem>>) src(%dma_wait3A_137 : memref<10000x128xbf16, #tpu.memory_space<hbm>>) dst(%dma_wait3A_131 : memref<80x128xbf16, #tpu.memory_space<vmem>>)
    %dma_start3A_138 = arith.constant 1 : i32
    %dma_start3A_139 = arith.constant 113 : i32
    %dma_start3A_140 = arith.constant 0 : i32
    %dma_start3A_141 = arith.constant 0 : i32
    %dma_start3A_142 = tpu.memref_slice %arg10[%dma_start3A_138, %dma_start3A_140, %dma_start3A_141] : memref<7x80x128xbf16, #tpu.memory_space<vmem>> -> memref<1x80x128xbf16, #tpu.memory_space<vmem>>
    %dma_start3A_143 = tpu.memref_squeeze %dma_start3A_142 : memref<1x80x128xbf16, #tpu.memory_space<vmem>> -> memref<80x128xbf16, #tpu.memory_space<vmem>>
    %dma_start3A_144 = arith.constant 0 : i32
    %dma_start3A_145 = tpu.memref_slice %arg9[%dma_start3A_139, %dma_start3A_144] : memref<125x80xi32, #tpu.memory_space<vmem>> -> memref<1x80xi32, #tpu.memory_space<vmem>>
    %dma_start3A_146 = tpu.memref_squeeze %dma_start3A_145 : memref<1x80xi32, #tpu.memory_space<vmem>> -> memref<80xi32, #tpu.memory_space<vmem>>
    %dma_start3A_147 = arith.constant 0 : i32
    %dma_start3A_148 = arith.constant 0 : i32
    %dma_start3A_149 = tpu.memref_slice %arg7[%dma_start3A_147, %dma_start3A_148] : memref<10240x128xbf16, #tpu.memory_space<vmem_shared>> -> memref<10240x128xbf16, #tpu.memory_space<vmem_shared>>
    tpu.enqueue_indirect_dma source(%dma_start3A_143 : memref<80x128xbf16, #tpu.memory_space<vmem>>) target(%dma_start3A_149 : memref<10240x128xbf16, #tpu.memory_space<vmem_shared>>) offsets(%dma_start3A_146 : memref<80xi32, #tpu.memory_space<vmem>>) semaphore(%arg12 : memref<!tpu.dma_semaphore, #tpu.memory_space<semaphore_mem>>) {add = true}
    %dma_wait3A_150 = arith.constant 0 : i32
    %dma_wait3A_151 = arith.constant 0 : i32
    %dma_wait3A_152 = arith.constant 0 : i32
    %dma_wait3A_153 = arith.constant 0 : i32
    %dma_wait3A_154 = tpu.memref_slice %arg10[%dma_wait3A_150, %dma_wait3A_152, %dma_wait3A_153] : memref<7x80x128xbf16, #tpu.memory_space<vmem>> -> memref<1x80x128xbf16, #tpu.memory_space<vmem>>
    %dma_wait3A_155 = tpu.memref_squeeze %dma_wait3A_154 : memref<1x80x128xbf16, #tpu.memory_space<vmem>> -> memref<80x128xbf16, #tpu.memory_space<vmem>>
    %dma_wait3A_156 = arith.constant 0 : i32
    %dma_wait3A_157 = tpu.memref_slice %arg9[%dma_wait3A_151, %dma_wait3A_156] : memref<125x80xi32, #tpu.memory_space<vmem>> -> memref<1x80xi32, #tpu.memory_space<vmem>>
    %dma_wait3A_158 = tpu.memref_squeeze %dma_wait3A_157 : memref<1x80xi32, #tpu.memory_space<vmem>> -> memref<80xi32, #tpu.memory_space<vmem>>
    %dma_wait3A_159 = arith.constant 0 : i32
    %dma_wait3A_160 = arith.constant 0 : i32
    %dma_wait3A_161 = tpu.memref_slice %arg7[%dma_wait3A_159, %dma_wait3A_160] : memref<10240x128xbf16, #tpu.memory_space<vmem_shared>> -> memref<10240x128xbf16, #tpu.memory_space<vmem_shared>>
    tpu.wait_indirect_dma semaphore(%arg12 : memref<!tpu.dma_semaphore, #tpu.memory_space<semaphore_mem>>) src(%dma_wait3A_155 : memref<80x128xbf16, #tpu.memory_space<vmem>>) dst(%dma_wait3A_161 : memref<10240x128xbf16, #tpu.memory_space<vmem_shared>>)
    %dma_start3A_162 = arith.constant 119 : i32
    %dma_start3A_163 = arith.constant 0 : i32
    %dma_start3A_164 = arith.constant 0 : i32
    %dma_start3A_165 = arith.constant 0 : i32
    %dma_start3A_166 = tpu.memref_slice %arg10[%dma_start3A_163, %dma_start3A_164, %dma_start3A_165] : memref<7x80x128xbf16, #tpu.memory_space<vmem>> -> memref<1x80x128xbf16, #tpu.memory_space<vmem>>
    %dma_start3A_167 = tpu.memref_squeeze %dma_start3A_166 : memref<1x80x128xbf16, #tpu.memory_space<vmem>> -> memref<80x128xbf16, #tpu.memory_space<vmem>>
    %dma_start3A_168 = arith.constant 0 : i32
    %dma_start3A_169 = tpu.memref_slice %arg8[%dma_start3A_162, %dma_start3A_168] : memref<125x80xi32, #tpu.memory_space<vmem>> -> memref<1x80xi32, #tpu.memory_space<vmem>>
    %dma_start3A_170 = tpu.memref_squeeze %dma_start3A_169 : memref<1x80xi32, #tpu.memory_space<vmem>> -> memref<80xi32, #tpu.memory_space<vmem>>
    %dma_start3A_171 = arith.constant 0 : i32
    %dma_start3A_172 = arith.constant 0 : i32
    %dma_start3A_173 = tpu.memref_slice %arg2[%dma_start3A_171, %dma_start3A_172] : memref<10000x128xbf16, #tpu.memory_space<hbm>> -> memref<10000x128xbf16, #tpu.memory_space<hbm>>
    tpu.enqueue_indirect_dma source(%dma_start3A_173 : memref<10000x128xbf16, #tpu.memory_space<hbm>>) target(%dma_start3A_167 : memref<80x128xbf16, #tpu.memory_space<vmem>>) offsets(%dma_start3A_170 : memref<80xi32, #tpu.memory_space<vmem>>) semaphore(%arg11 : memref<!tpu.dma_semaphore, #tpu.memory_space<semaphore_mem>>)
    %dma_wait3A_174 = arith.constant 0 : i32
    %dma_wait3A_175 = arith.constant 2 : i32
    %dma_wait3A_176 = arith.constant 0 : i32
    %dma_wait3A_177 = arith.constant 0 : i32
    %dma_wait3A_178 = tpu.memref_slice %arg10[%dma_wait3A_175, %dma_wait3A_176, %dma_wait3A_177] : memref<7x80x128xbf16, #tpu.memory_space<vmem>> -> memref<1x80x128xbf16, #tpu.memory_space<vmem>>
    %dma_wait3A_179 = tpu.memref_squeeze %dma_wait3A_178 : memref<1x80x128xbf16, #tpu.memory_space<vmem>> -> memref<80x128xbf16, #tpu.memory_space<vmem>>
    %dma_wait3A_180 = arith.constant 0 : i32
    %dma_wait3A_181 = tpu.memref_slice %arg8[%dma_wait3A_174, %dma_wait3A_180] : memref<125x80xi32, #tpu.memory_space<vmem>> -> memref<1x80xi32, #tpu.memory_space<vmem>>
    %dma_wait3A_182 = tpu.memref_squeeze %dma_wait3A_181 : memref<1x80xi32, #tpu.memory_space<vmem>> -> memref<80xi32, #tpu.memory_space<vmem>>
    %dma_wait3A_183 = arith.constant 0 : i32
    %dma_wait3A_184 = arith.constant 0 : i32
    %dma_wait3A_185 = tpu.memref_slice %arg2[%dma_wait3A_183, %dma_wait3A_184] : memref<10000x128xbf16, #tpu.memory_space<hbm>> -> memref<10000x128xbf16, #tpu.memory_space<hbm>>
    tpu.wait_indirect_dma semaphore(%arg11 : memref<!tpu.dma_semaphore, #tpu.memory_space<semaphore_mem>>) src(%dma_wait3A_185 : memref<10000x128xbf16, #tpu.memory_space<hbm>>) dst(%dma_wait3A_179 : memref<80x128xbf16, #tpu.memory_space<vmem>>)
    %dma_start3A_186 = arith.constant 2 : i32
    %dma_start3A_187 = arith.constant 114 : i32
    %dma_start3A_188 = arith.constant 0 : i32
    %dma_start3A_189 = arith.constant 0 : i32
    %dma_start3A_190 = tpu.memref_slice %arg10[%dma_start3A_186, %dma_start3A_188, %dma_start3A_189] : memref<7x80x128xbf16, #tpu.memory_space<vmem>> -> memref<1x80x128xbf16, #tpu.memory_space<vmem>>
    %dma_start3A_191 = tpu.memref_squeeze %dma_start3A_190 : memref<1x80x128xbf16, #tpu.memory_space<vmem>> -> memref<80x128xbf16, #tpu.memory_space<vmem>>
    %dma_start3A_192 = arith.constant 0 : i32
    %dma_start3A_193 = tpu.memref_slice %arg9[%dma_start3A_187, %dma_start3A_192] : memref<125x80xi32, #tpu.memory_space<vmem>> -> memref<1x80xi32, #tpu.memory_space<vmem>>
    %dma_start3A_194 = tpu.memref_squeeze %dma_start3A_193 : memref<1x80xi32, #tpu.memory_space<vmem>> -> memref<80xi32, #tpu.memory_space<vmem>>
    %dma_start3A_195 = arith.constant 0 : i32
    %dma_start3A_196 = arith.constant 0 : i32
    %dma_start3A_197 = tpu.memref_slice %arg7[%dma_start3A_195, %dma_start3A_196] : memref<10240x128xbf16, #tpu.memory_space<vmem_shared>> -> memref<10240x128xbf16, #tpu.memory_space<vmem_shared>>
    tpu.enqueue_indirect_dma source(%dma_start3A_191 : memref<80x128xbf16, #tpu.memory_space<vmem>>) target(%dma_start3A_197 : memref<10240x128xbf16, #tpu.memory_space<vmem_shared>>) offsets(%dma_start3A_194 : memref<80xi32, #tpu.memory_space<vmem>>) semaphore(%arg12 : memref<!tpu.dma_semaphore, #tpu.memory_space<semaphore_mem>>) {add = true}
    %dma_wait3A_198 = arith.constant 0 : i32
    %dma_wait3A_199 = arith.constant 0 : i32
    %dma_wait3A_200 = arith.constant 0 : i32
    %dma_wait3A_201 = arith.constant 0 : i32
    %dma_wait3A_202 = tpu.memref_slice %arg10[%dma_wait3A_198, %dma_wait3A_200, %dma_wait3A_201] : memref<7x80x128xbf16, #tpu.memory_space<vmem>> -> memref<1x80x128xbf16, #tpu.memory_space<vmem>>
    %dma_wait3A_203 = tpu.memref_squeeze %dma_wait3A_202 : memref<1x80x128xbf16, #tpu.memory_space<vmem>> -> memref<80x128xbf16, #tpu.memory_space<vmem>>
    %dma_wait3A_204 = arith.constant 0 : i32
    %dma_wait3A_205 = tpu.memref_slice %arg9[%dma_wait3A_199, %dma_wait3A_204] : memref<125x80xi32, #tpu.memory_space<vmem>> -> memref<1x80xi32, #tpu.memory_space<vmem>>
    %dma_wait3A_206 = tpu.memref_squeeze %dma_wait3A_205 : memref<1x80xi32, #tpu.memory_space<vmem>> -> memref<80xi32, #tpu.memory_space<vmem>>
    %dma_wait3A_207 = arith.constant 0 : i32
    %dma_wait3A_208 = arith.constant 0 : i32
    %dma_wait3A_209 = tpu.memref_slice %arg7[%dma_wait3A_207, %dma_wait3A_208] : memref<10240x128xbf16, #tpu.memory_space<vmem_shared>> -> memref<10240x128xbf16, #tpu.memory_space<vmem_shared>>
    tpu.wait_indirect_dma semaphore(%arg12 : memref<!tpu.dma_semaphore, #tpu.memory_space<semaphore_mem>>) src(%dma_wait3A_203 : memref<80x128xbf16, #tpu.memory_space<vmem>>) dst(%dma_wait3A_209 : memref<10240x128xbf16, #tpu.memory_space<vmem_shared>>)
    %dma_start3A_210 = arith.constant 120 : i32
    %dma_start3A_211 = arith.constant 1 : i32
    %dma_start3A_212 = arith.constant 0 : i32
    %dma_start3A_213 = arith.constant 0 : i32
    %dma_start3A_214 = tpu.memref_slice %arg10[%dma_start3A_211, %dma_start3A_212, %dma_start3A_213] : memref<7x80x128xbf16, #tpu.memory_space<vmem>> -> memref<1x80x128xbf16, #tpu.memory_space<vmem>>
    %dma_start3A_215 = tpu.memref_squeeze %dma_start3A_214 : memref<1x80x128xbf16, #tpu.memory_space<vmem>> -> memref<80x128xbf16, #tpu.memory_space<vmem>>
    %dma_start3A_216 = arith.constant 0 : i32
    %dma_start3A_217 = tpu.memref_slice %arg8[%dma_start3A_210, %dma_start3A_216] : memref<125x80xi32, #tpu.memory_space<vmem>> -> memref<1x80xi32, #tpu.memory_space<vmem>>
    %dma_start3A_218 = tpu.memref_squeeze %dma_start3A_217 : memref<1x80xi32, #tpu.memory_space<vmem>> -> memref<80xi32, #tpu.memory_space<vmem>>
    %dma_start3A_219 = arith.constant 0 : i32
    %dma_start3A_220 = arith.constant 0 : i32
    %dma_start3A_221 = tpu.memref_slice %arg2[%dma_start3A_219, %dma_start3A_220] : memref<10000x128xbf16, #tpu.memory_space<hbm>> -> memref<10000x128xbf16, #tpu.memory_space<hbm>>
    tpu.enqueue_indirect_dma source(%dma_start3A_221 : memref<10000x128xbf16, #tpu.memory_space<hbm>>) target(%dma_start3A_215 : memref<80x128xbf16, #tpu.memory_space<vmem>>) offsets(%dma_start3A_218 : memref<80xi32, #tpu.memory_space<vmem>>) semaphore(%arg11 : memref<!tpu.dma_semaphore, #tpu.memory_space<semaphore_mem>>)
    %dma_wait3A_222 = arith.constant 0 : i32
    %dma_wait3A_223 = arith.constant 3 : i32
    %dma_wait3A_224 = arith.constant 0 : i32
    %dma_wait3A_225 = arith.constant 0 : i32
    %dma_wait3A_226 = tpu.memref_slice %arg10[%dma_wait3A_223, %dma_wait3A_224, %dma_wait3A_225] : memref<7x80x128xbf16, #tpu.memory_space<vmem>> -> memref<1x80x128xbf16, #tpu.memory_space<vmem>>
    %dma_wait3A_227 = tpu.memref_squeeze %dma_wait3A_226 : memref<1x80x128xbf16, #tpu.memory_space<vmem>> -> memref<80x128xbf16, #tpu.memory_space<vmem>>
    %dma_wait3A_228 = arith.constant 0 : i32
    %dma_wait3A_229 = tpu.memref_slice %arg8[%dma_wait3A_222, %dma_wait3A_228] : memref<125x80xi32, #tpu.memory_space<vmem>> -> memref<1x80xi32, #tpu.memory_space<vmem>>
    %dma_wait3A_230 = tpu.memref_squeeze %dma_wait3A_229 : memref<1x80xi32, #tpu.memory_space<vmem>> -> memref<80xi32, #tpu.memory_space<vmem>>
    %dma_wait3A_231 = arith.constant 0 : i32
    %dma_wait3A_232 = arith.constant 0 : i32
    %dma_wait3A_233 = tpu.memref_slice %arg2[%dma_wait3A_231, %dma_wait3A_232] : memref<10000x128xbf16, #tpu.memory_space<hbm>> -> memref<10000x128xbf16, #tpu.memory_space<hbm>>
    tpu.wait_indirect_dma semaphore(%arg11 : memref<!tpu.dma_semaphore, #tpu.memory_space<semaphore_mem>>) src(%dma_wait3A_233 : memref<10000x128xbf16, #tpu.memory_space<hbm>>) dst(%dma_wait3A_227 : memref<80x128xbf16, #tpu.memory_space<vmem>>)
    %dma_start3A_234 = arith.constant 3 : i32
    %dma_start3A_235 = arith.constant 115 : i32
    %dma_start3A_236 = arith.constant 0 : i32
    %dma_start3A_237 = arith.constant 0 : i32
    %dma_start3A_238 = tpu.memref_slice %arg10[%dma_start3A_234, %dma_start3A_236, %dma_start3A_237] : memref<7x80x128xbf16, #tpu.memory_space<vmem>> -> memref<1x80x128xbf16, #tpu.memory_space<vmem>>
    %dma_start3A_239 = tpu.memref_squeeze %dma_start3A_238 : memref<1x80x128xbf16, #tpu.memory_space<vmem>> -> memref<80x128xbf16, #tpu.memory_space<vmem>>
    %dma_start3A_240 = arith.constant 0 : i32
    %dma_start3A_241 = tpu.memref_slice %arg9[%dma_start3A_235, %dma_start3A_240] : memref<125x80xi32, #tpu.memory_space<vmem>> -> memref<1x80xi32, #tpu.memory_space<vmem>>
    %dma_start3A_242 = tpu.memref_squeeze %dma_start3A_241 : memref<1x80xi32, #tpu.memory_space<vmem>> -> memref<80xi32, #tpu.memory_space<vmem>>
    %dma_start3A_243 = arith.constant 0 : i32
    %dma_start3A_244 = arith.constant 0 : i32
    %dma_start3A_245 = tpu.memref_slice %arg7[%dma_start3A_243, %dma_start3A_244] : memref<10240x128xbf16, #tpu.memory_space<vmem_shared>> -> memref<10240x128xbf16, #tpu.memory_space<vmem_shared>>
    tpu.enqueue_indirect_dma source(%dma_start3A_239 : memref<80x128xbf16, #tpu.memory_space<vmem>>) target(%dma_start3A_245 : memref<10240x128xbf16, #tpu.memory_space<vmem_shared>>) offsets(%dma_start3A_242 : memref<80xi32, #tpu.memory_space<vmem>>) semaphore(%arg12 : memref<!tpu.dma_semaphore, #tpu.memory_space<semaphore_mem>>) {add = true}
    %dma_wait3A_246 = arith.constant 0 : i32
    %dma_wait3A_247 = arith.constant 0 : i32
    %dma_wait3A_248 = arith.constant 0 : i32
    %dma_wait3A_249 = arith.constant 0 : i32
    %dma_wait3A_250 = tpu.memref_slice %arg10[%dma_wait3A_246, %dma_wait3A_248, %dma_wait3A_249] : memref<7x80x128xbf16, #tpu.memory_space<vmem>> -> memref<1x80x128xbf16, #tpu.memory_space<vmem>>
    %dma_wait3A_251 = tpu.memref_squeeze %dma_wait3A_250 : memref<1x80x128xbf16, #tpu.memory_space<vmem>> -> memref<80x128xbf16, #tpu.memory_space<vmem>>
    %dma_wait3A_252 = arith.constant 0 : i32
    %dma_wait3A_253 = tpu.memref_slice %arg9[%dma_wait3A_247, %dma_wait3A_252] : memref<125x80xi32, #tpu.memory_space<vmem>> -> memref<1x80xi32, #tpu.memory_space<vmem>>
    %dma_wait3A_254 = tpu.memref_squeeze %dma_wait3A_253 : memref<1x80xi32, #tpu.memory_space<vmem>> -> memref<80xi32, #tpu.memory_space<vmem>>
    %dma_wait3A_255 = arith.constant 0 : i32
    %dma_wait3A_256 = arith.constant 0 : i32
    %dma_wait3A_257 = tpu.memref_slice %arg7[%dma_wait3A_255, %dma_wait3A_256] : memref<10240x128xbf16, #tpu.memory_space<vmem_shared>> -> memref<10240x128xbf16, #tpu.memory_space<vmem_shared>>
    tpu.wait_indirect_dma semaphore(%arg12 : memref<!tpu.dma_semaphore, #tpu.memory_space<semaphore_mem>>) src(%dma_wait3A_251 : memref<80x128xbf16, #tpu.memory_space<vmem>>) dst(%dma_wait3A_257 : memref<10240x128xbf16, #tpu.memory_space<vmem_shared>>)
    %dma_start3A_258 = arith.constant 121 : i32
    %dma_start3A_259 = arith.constant 2 : i32
    %dma_start3A_260 = arith.constant 0 : i32
    %dma_start3A_261 = arith.constant 0 : i32
    %dma_start3A_262 = tpu.memref_slice %arg10[%dma_start3A_259, %dma_start3A_260, %dma_start3A_261] : memref<7x80x128xbf16, #tpu.memory_space<vmem>> -> memref<1x80x128xbf16, #tpu.memory_space<vmem>>
    %dma_start3A_263 = tpu.memref_squeeze %dma_start3A_262 : memref<1x80x128xbf16, #tpu.memory_space<vmem>> -> memref<80x128xbf16, #tpu.memory_space<vmem>>
    %dma_start3A_264 = arith.constant 0 : i32
    %dma_start3A_265 = tpu.memref_slice %arg8[%dma_start3A_258, %dma_start3A_264] : memref<125x80xi32, #tpu.memory_space<vmem>> -> memref<1x80xi32, #tpu.memory_space<vmem>>
    %dma_start3A_266 = tpu.memref_squeeze %dma_start3A_265 : memref<1x80xi32, #tpu.memory_space<vmem>> -> memref<80xi32, #tpu.memory_space<vmem>>
    %dma_start3A_267 = arith.constant 0 : i32
    %dma_start3A_268 = arith.constant 0 : i32
    %dma_start3A_269 = tpu.memref_slice %arg2[%dma_start3A_267, %dma_start3A_268] : memref<10000x128xbf16, #tpu.memory_space<hbm>> -> memref<10000x128xbf16, #tpu.memory_space<hbm>>
    tpu.enqueue_indirect_dma source(%dma_start3A_269 : memref<10000x128xbf16, #tpu.memory_space<hbm>>) target(%dma_start3A_263 : memref<80x128xbf16, #tpu.memory_space<vmem>>) offsets(%dma_start3A_266 : memref<80xi32, #tpu.memory_space<vmem>>) semaphore(%arg11 : memref<!tpu.dma_semaphore, #tpu.memory_space<semaphore_mem>>)
    %dma_wait3A_270 = arith.constant 0 : i32
    %dma_wait3A_271 = arith.constant 4 : i32
    %dma_wait3A_272 = arith.constant 0 : i32
    %dma_wait3A_273 = arith.constant 0 : i32
    %dma_wait3A_274 = tpu.memref_slice %arg10[%dma_wait3A_271, %dma_wait3A_272, %dma_wait3A_273] : memref<7x80x128xbf16, #tpu.memory_space<vmem>> -> memref<1x80x128xbf16, #tpu.memory_space<vmem>>
    %dma_wait3A_275 = tpu.memref_squeeze %dma_wait3A_274 : memref<1x80x128xbf16, #tpu.memory_space<vmem>> -> memref<80x128xbf16, #tpu.memory_space<vmem>>
    %dma_wait3A_276 = arith.constant 0 : i32
    %dma_wait3A_277 = tpu.memref_slice %arg8[%dma_wait3A_270, %dma_wait3A_276] : memref<125x80xi32, #tpu.memory_space<vmem>> -> memref<1x80xi32, #tpu.memory_space<vmem>>
    %dma_wait3A_278 = tpu.memref_squeeze %dma_wait3A_277 : memref<1x80xi32, #tpu.memory_space<vmem>> -> memref<80xi32, #tpu.memory_space<vmem>>
    %dma_wait3A_279 = arith.constant 0 : i32
    %dma_wait3A_280 = arith.constant 0 : i32
    %dma_wait3A_281 = tpu.memref_slice %arg2[%dma_wait3A_279, %dma_wait3A_280] : memref<10000x128xbf16, #tpu.memory_space<hbm>> -> memref<10000x128xbf16, #tpu.memory_space<hbm>>
    tpu.wait_indirect_dma semaphore(%arg11 : memref<!tpu.dma_semaphore, #tpu.memory_space<semaphore_mem>>) src(%dma_wait3A_281 : memref<10000x128xbf16, #tpu.memory_space<hbm>>) dst(%dma_wait3A_275 : memref<80x128xbf16, #tpu.memory_space<vmem>>)
    %dma_start3A_282 = arith.constant 4 : i32
    %dma_start3A_283 = arith.constant 116 : i32
    %dma_start3A_284 = arith.constant 0 : i32
    %dma_start3A_285 = arith.constant 0 : i32
    %dma_start3A_286 = tpu.memref_slice %arg10[%dma_start3A_282, %dma_start3A_284, %dma_start3A_285] : memref<7x80x128xbf16, #tpu.memory_space<vmem>> -> memref<1x80x128xbf16, #tpu.memory_space<vmem>>
    %dma_start3A_287 = tpu.memref_squeeze %dma_start3A_286 : memref<1x80x128xbf16, #tpu.memory_space<vmem>> -> memref<80x128xbf16, #tpu.memory_space<vmem>>
    %dma_start3A_288 = arith.constant 0 : i32
    %dma_start3A_289 = tpu.memref_slice %arg9[%dma_start3A_283, %dma_start3A_288] : memref<125x80xi32, #tpu.memory_space<vmem>> -> memref<1x80xi32, #tpu.memory_space<vmem>>
    %dma_start3A_290 = tpu.memref_squeeze %dma_start3A_289 : memref<1x80xi32, #tpu.memory_space<vmem>> -> memref<80xi32, #tpu.memory_space<vmem>>
    %dma_start3A_291 = arith.constant 0 : i32
    %dma_start3A_292 = arith.constant 0 : i32
    %dma_start3A_293 = tpu.memref_slice %arg7[%dma_start3A_291, %dma_start3A_292] : memref<10240x128xbf16, #tpu.memory_space<vmem_shared>> -> memref<10240x128xbf16, #tpu.memory_space<vmem_shared>>
    tpu.enqueue_indirect_dma source(%dma_start3A_287 : memref<80x128xbf16, #tpu.memory_space<vmem>>) target(%dma_start3A_293 : memref<10240x128xbf16, #tpu.memory_space<vmem_shared>>) offsets(%dma_start3A_290 : memref<80xi32, #tpu.memory_space<vmem>>) semaphore(%arg12 : memref<!tpu.dma_semaphore, #tpu.memory_space<semaphore_mem>>) {add = true}
    %dma_wait3A_294 = arith.constant 0 : i32
    %dma_wait3A_295 = arith.constant 0 : i32
    %dma_wait3A_296 = arith.constant 0 : i32
    %dma_wait3A_297 = arith.constant 0 : i32
    %dma_wait3A_298 = tpu.memref_slice %arg10[%dma_wait3A_294, %dma_wait3A_296, %dma_wait3A_297] : memref<7x80x128xbf16, #tpu.memory_space<vmem>> -> memref<1x80x128xbf16, #tpu.memory_space<vmem>>
    %dma_wait3A_299 = tpu.memref_squeeze %dma_wait3A_298 : memref<1x80x128xbf16, #tpu.memory_space<vmem>> -> memref<80x128xbf16, #tpu.memory_space<vmem>>
    %dma_wait3A_300 = arith.constant 0 : i32
    %dma_wait3A_301 = tpu.memref_slice %arg9[%dma_wait3A_295, %dma_wait3A_300] : memref<125x80xi32, #tpu.memory_space<vmem>> -> memref<1x80xi32, #tpu.memory_space<vmem>>
    %dma_wait3A_302 = tpu.memref_squeeze %dma_wait3A_301 : memref<1x80xi32, #tpu.memory_space<vmem>> -> memref<80xi32, #tpu.memory_space<vmem>>
    %dma_wait3A_303 = arith.constant 0 : i32
    %dma_wait3A_304 = arith.constant 0 : i32
    %dma_wait3A_305 = tpu.memref_slice %arg7[%dma_wait3A_303, %dma_wait3A_304] : memref<10240x128xbf16, #tpu.memory_space<vmem_shared>> -> memref<10240x128xbf16, #tpu.memory_space<vmem_shared>>
    tpu.wait_indirect_dma semaphore(%arg12 : memref<!tpu.dma_semaphore, #tpu.memory_space<semaphore_mem>>) src(%dma_wait3A_299 : memref<80x128xbf16, #tpu.memory_space<vmem>>) dst(%dma_wait3A_305 : memref<10240x128xbf16, #tpu.memory_space<vmem_shared>>)
    %dma_start3A_306 = arith.constant 122 : i32
    %dma_start3A_307 = arith.constant 3 : i32
    %dma_start3A_308 = arith.constant 0 : i32
    %dma_start3A_309 = arith.constant 0 : i32
    %dma_start3A_310 = tpu.memref_slice %arg10[%dma_start3A_307, %dma_start3A_308, %dma_start3A_309] : memref<7x80x128xbf16, #tpu.memory_space<vmem>> -> memref<1x80x128xbf16, #tpu.memory_space<vmem>>
    %dma_start3A_311 = tpu.memref_squeeze %dma_start3A_310 : memref<1x80x128xbf16, #tpu.memory_space<vmem>> -> memref<80x128xbf16, #tpu.memory_space<vmem>>
    %dma_start3A_312 = arith.constant 0 : i32
    %dma_start3A_313 = tpu.memref_slice %arg8[%dma_start3A_306, %dma_start3A_312] : memref<125x80xi32, #tpu.memory_space<vmem>> -> memref<1x80xi32, #tpu.memory_space<vmem>>
    %dma_start3A_314 = tpu.memref_squeeze %dma_start3A_313 : memref<1x80xi32, #tpu.memory_space<vmem>> -> memref<80xi32, #tpu.memory_space<vmem>>
    %dma_start3A_315 = arith.constant 0 : i32
    %dma_start3A_316 = arith.constant 0 : i32
    %dma_start3A_317 = tpu.memref_slice %arg2[%dma_start3A_315, %dma_start3A_316] : memref<10000x128xbf16, #tpu.memory_space<hbm>> -> memref<10000x128xbf16, #tpu.memory_space<hbm>>
    tpu.enqueue_indirect_dma source(%dma_start3A_317 : memref<10000x128xbf16, #tpu.memory_space<hbm>>) target(%dma_start3A_311 : memref<80x128xbf16, #tpu.memory_space<vmem>>) offsets(%dma_start3A_314 : memref<80xi32, #tpu.memory_space<vmem>>) semaphore(%arg11 : memref<!tpu.dma_semaphore, #tpu.memory_space<semaphore_mem>>)
    %dma_wait3A_318 = arith.constant 0 : i32
    %dma_wait3A_319 = arith.constant 5 : i32
    %dma_wait3A_320 = arith.constant 0 : i32
    %dma_wait3A_321 = arith.constant 0 : i32
    %dma_wait3A_322 = tpu.memref_slice %arg10[%dma_wait3A_319, %dma_wait3A_320, %dma_wait3A_321] : memref<7x80x128xbf16, #tpu.memory_space<vmem>> -> memref<1x80x128xbf16, #tpu.memory_space<vmem>>
    %dma_wait3A_323 = tpu.memref_squeeze %dma_wait3A_322 : memref<1x80x128xbf16, #tpu.memory_space<vmem>> -> memref<80x128xbf16, #tpu.memory_space<vmem>>
    %dma_wait3A_324 = arith.constant 0 : i32
    %dma_wait3A_325 = tpu.memref_slice %arg8[%dma_wait3A_318, %dma_wait3A_324] : memref<125x80xi32, #tpu.memory_space<vmem>> -> memref<1x80xi32, #tpu.memory_space<vmem>>
    %dma_wait3A_326 = tpu.memref_squeeze %dma_wait3A_325 : memref<1x80xi32, #tpu.memory_space<vmem>> -> memref<80xi32, #tpu.memory_space<vmem>>
    %dma_wait3A_327 = arith.constant 0 : i32
    %dma_wait3A_328 = arith.constant 0 : i32
    %dma_wait3A_329 = tpu.memref_slice %arg2[%dma_wait3A_327, %dma_wait3A_328] : memref<10000x128xbf16, #tpu.memory_space<hbm>> -> memref<10000x128xbf16, #tpu.memory_space<hbm>>
    tpu.wait_indirect_dma semaphore(%arg11 : memref<!tpu.dma_semaphore, #tpu.memory_space<semaphore_mem>>) src(%dma_wait3A_329 : memref<10000x128xbf16, #tpu.memory_space<hbm>>) dst(%dma_wait3A_323 : memref<80x128xbf16, #tpu.memory_space<vmem>>)
    %dma_start3A_330 = arith.constant 5 : i32
    %dma_start3A_331 = arith.constant 117 : i32
    %dma_start3A_332 = arith.constant 0 : i32
    %dma_start3A_333 = arith.constant 0 : i32
    %dma_start3A_334 = tpu.memref_slice %arg10[%dma_start3A_330, %dma_start3A_332, %dma_start3A_333] : memref<7x80x128xbf16, #tpu.memory_space<vmem>> -> memref<1x80x128xbf16, #tpu.memory_space<vmem>>
    %dma_start3A_335 = tpu.memref_squeeze %dma_start3A_334 : memref<1x80x128xbf16, #tpu.memory_space<vmem>> -> memref<80x128xbf16, #tpu.memory_space<vmem>>
    %dma_start3A_336 = arith.constant 0 : i32
    %dma_start3A_337 = tpu.memref_slice %arg9[%dma_start3A_331, %dma_start3A_336] : memref<125x80xi32, #tpu.memory_space<vmem>> -> memref<1x80xi32, #tpu.memory_space<vmem>>
    %dma_start3A_338 = tpu.memref_squeeze %dma_start3A_337 : memref<1x80xi32, #tpu.memory_space<vmem>> -> memref<80xi32, #tpu.memory_space<vmem>>
    %dma_start3A_339 = arith.constant 0 : i32
    %dma_start3A_340 = arith.constant 0 : i32
    %dma_start3A_341 = tpu.memref_slice %arg7[%dma_start3A_339, %dma_start3A_340] : memref<10240x128xbf16, #tpu.memory_space<vmem_shared>> -> memref<10240x128xbf16, #tpu.memory_space<vmem_shared>>
    tpu.enqueue_indirect_dma source(%dma_start3A_335 : memref<80x128xbf16, #tpu.memory_space<vmem>>) target(%dma_start3A_341 : memref<10240x128xbf16, #tpu.memory_space<vmem_shared>>) offsets(%dma_start3A_338 : memref<80xi32, #tpu.memory_space<vmem>>) semaphore(%arg12 : memref<!tpu.dma_semaphore, #tpu.memory_space<semaphore_mem>>) {add = true}
    %dma_wait3A_342 = arith.constant 0 : i32
    %dma_wait3A_343 = arith.constant 0 : i32
    %dma_wait3A_344 = arith.constant 0 : i32
    %dma_wait3A_345 = arith.constant 0 : i32
    %dma_wait3A_346 = tpu.memref_slice %arg10[%dma_wait3A_342, %dma_wait3A_344, %dma_wait3A_345] : memref<7x80x128xbf16, #tpu.memory_space<vmem>> -> memref<1x80x128xbf16, #tpu.memory_space<vmem>>
    %dma_wait3A_347 = tpu.memref_squeeze %dma_wait3A_346 : memref<1x80x128xbf16, #tpu.memory_space<vmem>> -> memref<80x128xbf16, #tpu.memory_space<vmem>>
    %dma_wait3A_348 = arith.constant 0 : i32
    %dma_wait3A_349 = tpu.memref_slice %arg9[%dma_wait3A_343, %dma_wait3A_348] : memref<125x80xi32, #tpu.memory_space<vmem>> -> memref<1x80xi32, #tpu.memory_space<vmem>>
    %dma_wait3A_350 = tpu.memref_squeeze %dma_wait3A_349 : memref<1x80xi32, #tpu.memory_space<vmem>> -> memref<80xi32, #tpu.memory_space<vmem>>
    %dma_wait3A_351 = arith.constant 0 : i32
    %dma_wait3A_352 = arith.constant 0 : i32
    %dma_wait3A_353 = tpu.memref_slice %arg7[%dma_wait3A_351, %dma_wait3A_352] : memref<10240x128xbf16, #tpu.memory_space<vmem_shared>> -> memref<10240x128xbf16, #tpu.memory_space<vmem_shared>>
    tpu.wait_indirect_dma semaphore(%arg12 : memref<!tpu.dma_semaphore, #tpu.memory_space<semaphore_mem>>) src(%dma_wait3A_347 : memref<80x128xbf16, #tpu.memory_space<vmem>>) dst(%dma_wait3A_353 : memref<10240x128xbf16, #tpu.memory_space<vmem_shared>>)
    %dma_start3A_354 = arith.constant 123 : i32
    %dma_start3A_355 = arith.constant 4 : i32
    %dma_start3A_356 = arith.constant 0 : i32
    %dma_start3A_357 = arith.constant 0 : i32
    %dma_start3A_358 = tpu.memref_slice %arg10[%dma_start3A_355, %dma_start3A_356, %dma_start3A_357] : memref<7x80x128xbf16, #tpu.memory_space<vmem>> -> memref<1x80x128xbf16, #tpu.memory_space<vmem>>
    %dma_start3A_359 = tpu.memref_squeeze %dma_start3A_358 : memref<1x80x128xbf16, #tpu.memory_space<vmem>> -> memref<80x128xbf16, #tpu.memory_space<vmem>>
    %dma_start3A_360 = arith.constant 0 : i32
    %dma_start3A_361 = tpu.memref_slice %arg8[%dma_start3A_354, %dma_start3A_360] : memref<125x80xi32, #tpu.memory_space<vmem>> -> memref<1x80xi32, #tpu.memory_space<vmem>>
    %dma_start3A_362 = tpu.memref_squeeze %dma_start3A_361 : memref<1x80xi32, #tpu.memory_space<vmem>> -> memref<80xi32, #tpu.memory_space<vmem>>
    %dma_start3A_363 = arith.constant 0 : i32
    %dma_start3A_364 = arith.constant 0 : i32
    %dma_start3A_365 = tpu.memref_slice %arg2[%dma_start3A_363, %dma_start3A_364] : memref<10000x128xbf16, #tpu.memory_space<hbm>> -> memref<10000x128xbf16, #tpu.memory_space<hbm>>
    tpu.enqueue_indirect_dma source(%dma_start3A_365 : memref<10000x128xbf16, #tpu.memory_space<hbm>>) target(%dma_start3A_359 : memref<80x128xbf16, #tpu.memory_space<vmem>>) offsets(%dma_start3A_362 : memref<80xi32, #tpu.memory_space<vmem>>) semaphore(%arg11 : memref<!tpu.dma_semaphore, #tpu.memory_space<semaphore_mem>>)
    %dma_wait3A_366 = arith.constant 0 : i32
    %dma_wait3A_367 = arith.constant 6 : i32
    %dma_wait3A_368 = arith.constant 0 : i32
    %dma_wait3A_369 = arith.constant 0 : i32
    %dma_wait3A_370 = tpu.memref_slice %arg10[%dma_wait3A_367, %dma_wait3A_368, %dma_wait3A_369] : memref<7x80x128xbf16, #tpu.memory_space<vmem>> -> memref<1x80x128xbf16, #tpu.memory_space<vmem>>
    %dma_wait3A_371 = tpu.memref_squeeze %dma_wait3A_370 : memref<1x80x128xbf16, #tpu.memory_space<vmem>> -> memref<80x128xbf16, #tpu.memory_space<vmem>>
    %dma_wait3A_372 = arith.constant 0 : i32
    %dma_wait3A_373 = tpu.memref_slice %arg8[%dma_wait3A_366, %dma_wait3A_372] : memref<125x80xi32, #tpu.memory_space<vmem>> -> memref<1x80xi32, #tpu.memory_space<vmem>>
    %dma_wait3A_374 = tpu.memref_squeeze %dma_wait3A_373 : memref<1x80xi32, #tpu.memory_space<vmem>> -> memref<80xi32, #tpu.memory_space<vmem>>
    %dma_wait3A_375 = arith.constant 0 : i32
    %dma_wait3A_376 = arith.constant 0 : i32
    %dma_wait3A_377 = tpu.memref_slice %arg2[%dma_wait3A_375, %dma_wait3A_376] : memref<10000x128xbf16, #tpu.memory_space<hbm>> -> memref<10000x128xbf16, #tpu.memory_space<hbm>>
    tpu.wait_indirect_dma semaphore(%arg11 : memref<!tpu.dma_semaphore, #tpu.memory_space<semaphore_mem>>) src(%dma_wait3A_377 : memref<10000x128xbf16, #tpu.memory_space<hbm>>) dst(%dma_wait3A_371 : memref<80x128xbf16, #tpu.memory_space<vmem>>)
    %dma_start3A_378 = arith.constant 6 : i32
    %dma_start3A_379 = arith.constant 118 : i32
    %dma_start3A_380 = arith.constant 0 : i32
    %dma_start3A_381 = arith.constant 0 : i32
    %dma_start3A_382 = tpu.memref_slice %arg10[%dma_start3A_378, %dma_start3A_380, %dma_start3A_381] : memref<7x80x128xbf16, #tpu.memory_space<vmem>> -> memref<1x80x128xbf16, #tpu.memory_space<vmem>>
    %dma_start3A_383 = tpu.memref_squeeze %dma_start3A_382 : memref<1x80x128xbf16, #tpu.memory_space<vmem>> -> memref<80x128xbf16, #tpu.memory_space<vmem>>
    %dma_start3A_384 = arith.constant 0 : i32
    %dma_start3A_385 = tpu.memref_slice %arg9[%dma_start3A_379, %dma_start3A_384] : memref<125x80xi32, #tpu.memory_space<vmem>> -> memref<1x80xi32, #tpu.memory_space<vmem>>
    %dma_start3A_386 = tpu.memref_squeeze %dma_start3A_385 : memref<1x80xi32, #tpu.memory_space<vmem>> -> memref<80xi32, #tpu.memory_space<vmem>>
    %dma_start3A_387 = arith.constant 0 : i32
    %dma_start3A_388 = arith.constant 0 : i32
    %dma_start3A_389 = tpu.memref_slice %arg7[%dma_start3A_387, %dma_start3A_388] : memref<10240x128xbf16, #tpu.memory_space<vmem_shared>> -> memref<10240x128xbf16, #tpu.memory_space<vmem_shared>>
    tpu.enqueue_indirect_dma source(%dma_start3A_383 : memref<80x128xbf16, #tpu.memory_space<vmem>>) target(%dma_start3A_389 : memref<10240x128xbf16, #tpu.memory_space<vmem_shared>>) offsets(%dma_start3A_386 : memref<80xi32, #tpu.memory_space<vmem>>) semaphore(%arg12 : memref<!tpu.dma_semaphore, #tpu.memory_space<semaphore_mem>>) {add = true}
    %dma_wait3A_390 = arith.constant 0 : i32
    %dma_wait3A_391 = arith.constant 0 : i32
    %dma_wait3A_392 = arith.constant 0 : i32
    %dma_wait3A_393 = arith.constant 0 : i32
    %dma_wait3A_394 = tpu.memref_slice %arg10[%dma_wait3A_390, %dma_wait3A_392, %dma_wait3A_393] : memref<7x80x128xbf16, #tpu.memory_space<vmem>> -> memref<1x80x128xbf16, #tpu.memory_space<vmem>>
    %dma_wait3A_395 = tpu.memref_squeeze %dma_wait3A_394 : memref<1x80x128xbf16, #tpu.memory_space<vmem>> -> memref<80x128xbf16, #tpu.memory_space<vmem>>
    %dma_wait3A_396 = arith.constant 0 : i32
    %dma_wait3A_397 = tpu.memref_slice %arg9[%dma_wait3A_391, %dma_wait3A_396] : memref<125x80xi32, #tpu.memory_space<vmem>> -> memref<1x80xi32, #tpu.memory_space<vmem>>
    %dma_wait3A_398 = tpu.memref_squeeze %dma_wait3A_397 : memref<1x80xi32, #tpu.memory_space<vmem>> -> memref<80xi32, #tpu.memory_space<vmem>>
    %dma_wait3A_399 = arith.constant 0 : i32
    %dma_wait3A_400 = arith.constant 0 : i32
    %dma_wait3A_401 = tpu.memref_slice %arg7[%dma_wait3A_399, %dma_wait3A_400] : memref<10240x128xbf16, #tpu.memory_space<vmem_shared>> -> memref<10240x128xbf16, #tpu.memory_space<vmem_shared>>
    tpu.wait_indirect_dma semaphore(%arg12 : memref<!tpu.dma_semaphore, #tpu.memory_space<semaphore_mem>>) src(%dma_wait3A_395 : memref<80x128xbf16, #tpu.memory_space<vmem>>) dst(%dma_wait3A_401 : memref<10240x128xbf16, #tpu.memory_space<vmem_shared>>)
    %dma_start3A_402 = arith.constant 124 : i32
    %dma_start3A_403 = arith.constant 5 : i32
    %dma_start3A_404 = arith.constant 0 : i32
    %dma_start3A_405 = arith.constant 0 : i32
    %dma_start3A_406 = tpu.memref_slice %arg10[%dma_start3A_403, %dma_start3A_404, %dma_start3A_405] : memref<7x80x128xbf16, #tpu.memory_space<vmem>> -> memref<1x80x128xbf16, #tpu.memory_space<vmem>>
    %dma_start3A_407 = tpu.memref_squeeze %dma_start3A_406 : memref<1x80x128xbf16, #tpu.memory_space<vmem>> -> memref<80x128xbf16, #tpu.memory_space<vmem>>
    %dma_start3A_408 = arith.constant 0 : i32
    %dma_start3A_409 = tpu.memref_slice %arg8[%dma_start3A_402, %dma_start3A_408] : memref<125x80xi32, #tpu.memory_space<vmem>> -> memref<1x80xi32, #tpu.memory_space<vmem>>
    %dma_start3A_410 = tpu.memref_squeeze %dma_start3A_409 : memref<1x80xi32, #tpu.memory_space<vmem>> -> memref<80xi32, #tpu.memory_space<vmem>>
    %dma_start3A_411 = arith.constant 0 : i32
    %dma_start3A_412 = arith.constant 0 : i32
    %dma_start3A_413 = tpu.memref_slice %arg2[%dma_start3A_411, %dma_start3A_412] : memref<10000x128xbf16, #tpu.memory_space<hbm>> -> memref<10000x128xbf16, #tpu.memory_space<hbm>>
    tpu.enqueue_indirect_dma source(%dma_start3A_413 : memref<10000x128xbf16, #tpu.memory_space<hbm>>) target(%dma_start3A_407 : memref<80x128xbf16, #tpu.memory_space<vmem>>) offsets(%dma_start3A_410 : memref<80xi32, #tpu.memory_space<vmem>>) semaphore(%arg11 : memref<!tpu.dma_semaphore, #tpu.memory_space<semaphore_mem>>)
    %dma_wait3A_414 = arith.constant 0 : i32
    %dma_wait3A_415 = arith.constant 0 : i32
    %dma_wait3A_416 = arith.constant 0 : i32
    %dma_wait3A_417 = arith.constant 0 : i32
    %dma_wait3A_418 = tpu.memref_slice %arg10[%dma_wait3A_415, %dma_wait3A_416, %dma_wait3A_417] : memref<7x80x128xbf16, #tpu.memory_space<vmem>> -> memref<1x80x128xbf16, #tpu.memory_space<vmem>>
    %dma_wait3A_419 = tpu.memref_squeeze %dma_wait3A_418 : memref<1x80x128xbf16, #tpu.memory_space<vmem>> -> memref<80x128xbf16, #tpu.memory_space<vmem>>
    %dma_wait3A_420 = arith.constant 0 : i32
    %dma_wait3A_421 = tpu.memref_slice %arg8[%dma_wait3A_414, %dma_wait3A_420] : memref<125x80xi32, #tpu.memory_space<vmem>> -> memref<1x80xi32, #tpu.memory_space<vmem>>
    %dma_wait3A_422 = tpu.memref_squeeze %dma_wait3A_421 : memref<1x80xi32, #tpu.memory_space<vmem>> -> memref<80xi32, #tpu.memory_space<vmem>>
    %dma_wait3A_423 = arith.constant 0 : i32
    %dma_wait3A_424 = arith.constant 0 : i32
    %dma_wait3A_425 = tpu.memref_slice %arg2[%dma_wait3A_423, %dma_wait3A_424] : memref<10000x128xbf16, #tpu.memory_space<hbm>> -> memref<10000x128xbf16, #tpu.memory_space<hbm>>
    tpu.wait_indirect_dma semaphore(%arg11 : memref<!tpu.dma_semaphore, #tpu.memory_space<semaphore_mem>>) src(%dma_wait3A_425 : memref<10000x128xbf16, #tpu.memory_space<hbm>>) dst(%dma_wait3A_419 : memref<80x128xbf16, #tpu.memory_space<vmem>>)
    %dma_start3A_426 = arith.constant 0 : i32
    %dma_start3A_427 = arith.constant 119 : i32
    %dma_start3A_428 = arith.constant 0 : i32
    %dma_start3A_429 = arith.constant 0 : i32
    %dma_start3A_430 = tpu.memref_slice %arg10[%dma_start3A_426, %dma_start3A_428, %dma_start3A_429] : memref<7x80x128xbf16, #tpu.memory_space<vmem>> -> memref<1x80x128xbf16, #tpu.memory_space<vmem>>
    %dma_start3A_431 = tpu.memref_squeeze %dma_start3A_430 : memref<1x80x128xbf16, #tpu.memory_space<vmem>> -> memref<80x128xbf16, #tpu.memory_space<vmem>>
    %dma_start3A_432 = arith.constant 0 : i32
    %dma_start3A_433 = tpu.memref_slice %arg9[%dma_start3A_427, %dma_start3A_432] : memref<125x80xi32, #tpu.memory_space<vmem>> -> memref<1x80xi32, #tpu.memory_space<vmem>>
    %dma_start3A_434 = tpu.memref_squeeze %dma_start3A_433 : memref<1x80xi32, #tpu.memory_space<vmem>> -> memref<80xi32, #tpu.memory_space<vmem>>
    %dma_start3A_435 = arith.constant 0 : i32
    %dma_start3A_436 = arith.constant 0 : i32
    %dma_start3A_437 = tpu.memref_slice %arg7[%dma_start3A_435, %dma_start3A_436] : memref<10240x128xbf16, #tpu.memory_space<vmem_shared>> -> memref<10240x128xbf16, #tpu.memory_space<vmem_shared>>
    tpu.enqueue_indirect_dma source(%dma_start3A_431 : memref<80x128xbf16, #tpu.memory_space<vmem>>) target(%dma_start3A_437 : memref<10240x128xbf16, #tpu.memory_space<vmem_shared>>) offsets(%dma_start3A_434 : memref<80xi32, #tpu.memory_space<vmem>>) semaphore(%arg12 : memref<!tpu.dma_semaphore, #tpu.memory_space<semaphore_mem>>) {add = true}
    %dma_wait3A_438 = arith.constant 0 : i32
    %dma_wait3A_439 = arith.constant 0 : i32
    %dma_wait3A_440 = arith.constant 0 : i32
    %dma_wait3A_441 = arith.constant 0 : i32
    %dma_wait3A_442 = tpu.memref_slice %arg10[%dma_wait3A_438, %dma_wait3A_440, %dma_wait3A_441] : memref<7x80x128xbf16, #tpu.memory_space<vmem>> -> memref<1x80x128xbf16, #tpu.memory_space<vmem>>
    %dma_wait3A_443 = tpu.memref_squeeze %dma_wait3A_442 : memref<1x80x128xbf16, #tpu.memory_space<vmem>> -> memref<80x128xbf16, #tpu.memory_space<vmem>>
    %dma_wait3A_444 = arith.constant 0 : i32
    %dma_wait3A_445 = tpu.memref_slice %arg9[%dma_wait3A_439, %dma_wait3A_444] : memref<125x80xi32, #tpu.memory_space<vmem>> -> memref<1x80xi32, #tpu.memory_space<vmem>>
    %dma_wait3A_446 = tpu.memref_squeeze %dma_wait3A_445 : memref<1x80xi32, #tpu.memory_space<vmem>> -> memref<80xi32, #tpu.memory_space<vmem>>
    %dma_wait3A_447 = arith.constant 0 : i32
    %dma_wait3A_448 = arith.constant 0 : i32
    %dma_wait3A_449 = tpu.memref_slice %arg7[%dma_wait3A_447, %dma_wait3A_448] : memref<10240x128xbf16, #tpu.memory_space<vmem_shared>> -> memref<10240x128xbf16, #tpu.memory_space<vmem_shared>>
    tpu.wait_indirect_dma semaphore(%arg12 : memref<!tpu.dma_semaphore, #tpu.memory_space<semaphore_mem>>) src(%dma_wait3A_443 : memref<80x128xbf16, #tpu.memory_space<vmem>>) dst(%dma_wait3A_449 : memref<10240x128xbf16, #tpu.memory_space<vmem_shared>>)
    %dma_wait3A_450 = arith.constant 0 : i32
    %dma_wait3A_451 = arith.constant 1 : i32
    %dma_wait3A_452 = arith.constant 0 : i32
    %dma_wait3A_453 = arith.constant 0 : i32
    %dma_wait3A_454 = tpu.memref_slice %arg10[%dma_wait3A_451, %dma_wait3A_452, %dma_wait3A_453] : memref<7x80x128xbf16, #tpu.memory_space<vmem>> -> memref<1x80x128xbf16, #tpu.memory_space<vmem>>
    %dma_wait3A_455 = tpu.memref_squeeze %dma_wait3A_454 : memref<1x80x128xbf16, #tpu.memory_space<vmem>> -> memref<80x128xbf16, #tpu.memory_space<vmem>>
    %dma_wait3A_456 = arith.constant 0 : i32
    %dma_wait3A_457 = tpu.memref_slice %arg8[%dma_wait3A_450, %dma_wait3A_456] : memref<125x80xi32, #tpu.memory_space<vmem>> -> memref<1x80xi32, #tpu.memory_space<vmem>>
    %dma_wait3A_458 = tpu.memref_squeeze %dma_wait3A_457 : memref<1x80xi32, #tpu.memory_space<vmem>> -> memref<80xi32, #tpu.memory_space<vmem>>
    %dma_wait3A_459 = arith.constant 0 : i32
    %dma_wait3A_460 = arith.constant 0 : i32
    %dma_wait3A_461 = tpu.memref_slice %arg2[%dma_wait3A_459, %dma_wait3A_460] : memref<10000x128xbf16, #tpu.memory_space<hbm>> -> memref<10000x128xbf16, #tpu.memory_space<hbm>>
    tpu.wait_indirect_dma semaphore(%arg11 : memref<!tpu.dma_semaphore, #tpu.memory_space<semaphore_mem>>) src(%dma_wait3A_461 : memref<10000x128xbf16, #tpu.memory_space<hbm>>) dst(%dma_wait3A_455 : memref<80x128xbf16, #tpu.memory_space<vmem>>)
    %dma_start3A_462 = arith.constant 1 : i32
    %dma_start3A_463 = arith.constant 120 : i32
    %dma_start3A_464 = arith.constant 0 : i32
    %dma_start3A_465 = arith.constant 0 : i32
    %dma_start3A_466 = tpu.memref_slice %arg10[%dma_start3A_462, %dma_start3A_464, %dma_start3A_465] : memref<7x80x128xbf16, #tpu.memory_space<vmem>> -> memref<1x80x128xbf16, #tpu.memory_space<vmem>>
    %dma_start3A_467 = tpu.memref_squeeze %dma_start3A_466 : memref<1x80x128xbf16, #tpu.memory_space<vmem>> -> memref<80x128xbf16, #tpu.memory_space<vmem>>
    %dma_start3A_468 = arith.constant 0 : i32
    %dma_start3A_469 = tpu.memref_slice %arg9[%dma_start3A_463, %dma_start3A_468] : memref<125x80xi32, #tpu.memory_space<vmem>> -> memref<1x80xi32, #tpu.memory_space<vmem>>
    %dma_start3A_470 = tpu.memref_squeeze %dma_start3A_469 : memref<1x80xi32, #tpu.memory_space<vmem>> -> memref<80xi32, #tpu.memory_space<vmem>>
    %dma_start3A_471 = arith.constant 0 : i32
    %dma_start3A_472 = arith.constant 0 : i32
    %dma_start3A_473 = tpu.memref_slice %arg7[%dma_start3A_471, %dma_start3A_472] : memref<10240x128xbf16, #tpu.memory_space<vmem_shared>> -> memref<10240x128xbf16, #tpu.memory_space<vmem_shared>>
    tpu.enqueue_indirect_dma source(%dma_start3A_467 : memref<80x128xbf16, #tpu.memory_space<vmem>>) target(%dma_start3A_473 : memref<10240x128xbf16, #tpu.memory_space<vmem_shared>>) offsets(%dma_start3A_470 : memref<80xi32, #tpu.memory_space<vmem>>) semaphore(%arg12 : memref<!tpu.dma_semaphore, #tpu.memory_space<semaphore_mem>>) {add = true}
    %dma_wait3A_474 = arith.constant 0 : i32
    %dma_wait3A_475 = arith.constant 0 : i32
    %dma_wait3A_476 = arith.constant 0 : i32
    %dma_wait3A_477 = arith.constant 0 : i32
    %dma_wait3A_478 = tpu.memref_slice %arg10[%dma_wait3A_474, %dma_wait3A_476, %dma_wait3A_477] : memref<7x80x128xbf16, #tpu.memory_space<vmem>> -> memref<1x80x128xbf16, #tpu.memory_space<vmem>>
    %dma_wait3A_479 = tpu.memref_squeeze %dma_wait3A_478 : memref<1x80x128xbf16, #tpu.memory_space<vmem>> -> memref<80x128xbf16, #tpu.memory_space<vmem>>
    %dma_wait3A_480 = arith.constant 0 : i32
    %dma_wait3A_481 = tpu.memref_slice %arg9[%dma_wait3A_475, %dma_wait3A_480] : memref<125x80xi32, #tpu.memory_space<vmem>> -> memref<1x80xi32, #tpu.memory_space<vmem>>
    %dma_wait3A_482 = tpu.memref_squeeze %dma_wait3A_481 : memref<1x80xi32, #tpu.memory_space<vmem>> -> memref<80xi32, #tpu.memory_space<vmem>>
    %dma_wait3A_483 = arith.constant 0 : i32
    %dma_wait3A_484 = arith.constant 0 : i32
    %dma_wait3A_485 = tpu.memref_slice %arg7[%dma_wait3A_483, %dma_wait3A_484] : memref<10240x128xbf16, #tpu.memory_space<vmem_shared>> -> memref<10240x128xbf16, #tpu.memory_space<vmem_shared>>
    tpu.wait_indirect_dma semaphore(%arg12 : memref<!tpu.dma_semaphore, #tpu.memory_space<semaphore_mem>>) src(%dma_wait3A_479 : memref<80x128xbf16, #tpu.memory_space<vmem>>) dst(%dma_wait3A_485 : memref<10240x128xbf16, #tpu.memory_space<vmem_shared>>)
    %dma_wait3A_486 = arith.constant 0 : i32
    %dma_wait3A_487 = arith.constant 2 : i32
    %dma_wait3A_488 = arith.constant 0 : i32
    %dma_wait3A_489 = arith.constant 0 : i32
    %dma_wait3A_490 = tpu.memref_slice %arg10[%dma_wait3A_487, %dma_wait3A_488, %dma_wait3A_489] : memref<7x80x128xbf16, #tpu.memory_space<vmem>> -> memref<1x80x128xbf16, #tpu.memory_space<vmem>>
    %dma_wait3A_491 = tpu.memref_squeeze %dma_wait3A_490 : memref<1x80x128xbf16, #tpu.memory_space<vmem>> -> memref<80x128xbf16, #tpu.memory_space<vmem>>
    %dma_wait3A_492 = arith.constant 0 : i32
    %dma_wait3A_493 = tpu.memref_slice %arg8[%dma_wait3A_486, %dma_wait3A_492] : memref<125x80xi32, #tpu.memory_space<vmem>> -> memref<1x80xi32, #tpu.memory_space<vmem>>
    %dma_wait3A_494 = tpu.memref_squeeze %dma_wait3A_493 : memref<1x80xi32, #tpu.memory_space<vmem>> -> memref<80xi32, #tpu.memory_space<vmem>>
    %dma_wait3A_495 = arith.constant 0 : i32
    %dma_wait3A_496 = arith.constant 0 : i32
    %dma_wait3A_497 = tpu.memref_slice %arg2[%dma_wait3A_495, %dma_wait3A_496] : memref<10000x128xbf16, #tpu.memory_space<hbm>> -> memref<10000x128xbf16, #tpu.memory_space<hbm>>
    tpu.wait_indirect_dma semaphore(%arg11 : memref<!tpu.dma_semaphore, #tpu.memory_space<semaphore_mem>>) src(%dma_wait3A_497 : memref<10000x128xbf16, #tpu.memory_space<hbm>>) dst(%dma_wait3A_491 : memref<80x128xbf16, #tpu.memory_space<vmem>>)
    %dma_start3A_498 = arith.constant 2 : i32
    %dma_start3A_499 = arith.constant 121 : i32
    %dma_start3A_500 = arith.constant 0 : i32
    %dma_start3A_501 = arith.constant 0 : i32
    %dma_start3A_502 = tpu.memref_slice %arg10[%dma_start3A_498, %dma_start3A_500, %dma_start3A_501] : memref<7x80x128xbf16, #tpu.memory_space<vmem>> -> memref<1x80x128xbf16, #tpu.memory_space<vmem>>
    %dma_start3A_503 = tpu.memref_squeeze %dma_start3A_502 : memref<1x80x128xbf16, #tpu.memory_space<vmem>> -> memref<80x128xbf16, #tpu.memory_space<vmem>>
    %dma_start3A_504 = arith.constant 0 : i32
    %dma_start3A_505 = tpu.memref_slice %arg9[%dma_start3A_499, %dma_start3A_504] : memref<125x80xi32, #tpu.memory_space<vmem>> -> memref<1x80xi32, #tpu.memory_space<vmem>>
    %dma_start3A_506 = tpu.memref_squeeze %dma_start3A_505 : memref<1x80xi32, #tpu.memory_space<vmem>> -> memref<80xi32, #tpu.memory_space<vmem>>
    %dma_start3A_507 = arith.constant 0 : i32
    %dma_start3A_508 = arith.constant 0 : i32
    %dma_start3A_509 = tpu.memref_slice %arg7[%dma_start3A_507, %dma_start3A_508] : memref<10240x128xbf16, #tpu.memory_space<vmem_shared>> -> memref<10240x128xbf16, #tpu.memory_space<vmem_shared>>
    tpu.enqueue_indirect_dma source(%dma_start3A_503 : memref<80x128xbf16, #tpu.memory_space<vmem>>) target(%dma_start3A_509 : memref<10240x128xbf16, #tpu.memory_space<vmem_shared>>) offsets(%dma_start3A_506 : memref<80xi32, #tpu.memory_space<vmem>>) semaphore(%arg12 : memref<!tpu.dma_semaphore, #tpu.memory_space<semaphore_mem>>) {add = true}
    %dma_wait3A_510 = arith.constant 0 : i32
    %dma_wait3A_511 = arith.constant 0 : i32
    %dma_wait3A_512 = arith.constant 0 : i32
    %dma_wait3A_513 = arith.constant 0 : i32
    %dma_wait3A_514 = tpu.memref_slice %arg10[%dma_wait3A_510, %dma_wait3A_512, %dma_wait3A_513] : memref<7x80x128xbf16, #tpu.memory_space<vmem>> -> memref<1x80x128xbf16, #tpu.memory_space<vmem>>
    %dma_wait3A_515 = tpu.memref_squeeze %dma_wait3A_514 : memref<1x80x128xbf16, #tpu.memory_space<vmem>> -> memref<80x128xbf16, #tpu.memory_space<vmem>>
    %dma_wait3A_516 = arith.constant 0 : i32
    %dma_wait3A_517 = tpu.memref_slice %arg9[%dma_wait3A_511, %dma_wait3A_516] : memref<125x80xi32, #tpu.memory_space<vmem>> -> memref<1x80xi32, #tpu.memory_space<vmem>>
    %dma_wait3A_518 = tpu.memref_squeeze %dma_wait3A_517 : memref<1x80xi32, #tpu.memory_space<vmem>> -> memref<80xi32, #tpu.memory_space<vmem>>
    %dma_wait3A_519 = arith.constant 0 : i32
    %dma_wait3A_520 = arith.constant 0 : i32
    %dma_wait3A_521 = tpu.memref_slice %arg7[%dma_wait3A_519, %dma_wait3A_520] : memref<10240x128xbf16, #tpu.memory_space<vmem_shared>> -> memref<10240x128xbf16, #tpu.memory_space<vmem_shared>>
    tpu.wait_indirect_dma semaphore(%arg12 : memref<!tpu.dma_semaphore, #tpu.memory_space<semaphore_mem>>) src(%dma_wait3A_515 : memref<80x128xbf16, #tpu.memory_space<vmem>>) dst(%dma_wait3A_521 : memref<10240x128xbf16, #tpu.memory_space<vmem_shared>>)
    %dma_wait3A_522 = arith.constant 0 : i32
    %dma_wait3A_523 = arith.constant 3 : i32
    %dma_wait3A_524 = arith.constant 0 : i32
    %dma_wait3A_525 = arith.constant 0 : i32
    %dma_wait3A_526 = tpu.memref_slice %arg10[%dma_wait3A_523, %dma_wait3A_524, %dma_wait3A_525] : memref<7x80x128xbf16, #tpu.memory_space<vmem>> -> memref<1x80x128xbf16, #tpu.memory_space<vmem>>
    %dma_wait3A_527 = tpu.memref_squeeze %dma_wait3A_526 : memref<1x80x128xbf16, #tpu.memory_space<vmem>> -> memref<80x128xbf16, #tpu.memory_space<vmem>>
    %dma_wait3A_528 = arith.constant 0 : i32
    %dma_wait3A_529 = tpu.memref_slice %arg8[%dma_wait3A_522, %dma_wait3A_528] : memref<125x80xi32, #tpu.memory_space<vmem>> -> memref<1x80xi32, #tpu.memory_space<vmem>>
    %dma_wait3A_530 = tpu.memref_squeeze %dma_wait3A_529 : memref<1x80xi32, #tpu.memory_space<vmem>> -> memref<80xi32, #tpu.memory_space<vmem>>
    %dma_wait3A_531 = arith.constant 0 : i32
    %dma_wait3A_532 = arith.constant 0 : i32
    %dma_wait3A_533 = tpu.memref_slice %arg2[%dma_wait3A_531, %dma_wait3A_532] : memref<10000x128xbf16, #tpu.memory_space<hbm>> -> memref<10000x128xbf16, #tpu.memory_space<hbm>>
    tpu.wait_indirect_dma semaphore(%arg11 : memref<!tpu.dma_semaphore, #tpu.memory_space<semaphore_mem>>) src(%dma_wait3A_533 : memref<10000x128xbf16, #tpu.memory_space<hbm>>) dst(%dma_wait3A_527 : memref<80x128xbf16, #tpu.memory_space<vmem>>)
    %dma_start3A_534 = arith.constant 3 : i32
    %dma_start3A_535 = arith.constant 122 : i32
    %dma_start3A_536 = arith.constant 0 : i32
    %dma_start3A_537 = arith.constant 0 : i32
    %dma_start3A_538 = tpu.memref_slice %arg10[%dma_start3A_534, %dma_start3A_536, %dma_start3A_537] : memref<7x80x128xbf16, #tpu.memory_space<vmem>> -> memref<1x80x128xbf16, #tpu.memory_space<vmem>>
    %dma_start3A_539 = tpu.memref_squeeze %dma_start3A_538 : memref<1x80x128xbf16, #tpu.memory_space<vmem>> -> memref<80x128xbf16, #tpu.memory_space<vmem>>
    %dma_start3A_540 = arith.constant 0 : i32
    %dma_start3A_541 = tpu.memref_slice %arg9[%dma_start3A_535, %dma_start3A_540] : memref<125x80xi32, #tpu.memory_space<vmem>> -> memref<1x80xi32, #tpu.memory_space<vmem>>
    %dma_start3A_542 = tpu.memref_squeeze %dma_start3A_541 : memref<1x80xi32, #tpu.memory_space<vmem>> -> memref<80xi32, #tpu.memory_space<vmem>>
    %dma_start3A_543 = arith.constant 0 : i32
    %dma_start3A_544 = arith.constant 0 : i32
    %dma_start3A_545 = tpu.memref_slice %arg7[%dma_start3A_543, %dma_start3A_544] : memref<10240x128xbf16, #tpu.memory_space<vmem_shared>> -> memref<10240x128xbf16, #tpu.memory_space<vmem_shared>>
    tpu.enqueue_indirect_dma source(%dma_start3A_539 : memref<80x128xbf16, #tpu.memory_space<vmem>>) target(%dma_start3A_545 : memref<10240x128xbf16, #tpu.memory_space<vmem_shared>>) offsets(%dma_start3A_542 : memref<80xi32, #tpu.memory_space<vmem>>) semaphore(%arg12 : memref<!tpu.dma_semaphore, #tpu.memory_space<semaphore_mem>>) {add = true}
    %dma_wait3A_546 = arith.constant 0 : i32
    %dma_wait3A_547 = arith.constant 0 : i32
    %dma_wait3A_548 = arith.constant 0 : i32
    %dma_wait3A_549 = arith.constant 0 : i32
    %dma_wait3A_550 = tpu.memref_slice %arg10[%dma_wait3A_546, %dma_wait3A_548, %dma_wait3A_549] : memref<7x80x128xbf16, #tpu.memory_space<vmem>> -> memref<1x80x128xbf16, #tpu.memory_space<vmem>>
    %dma_wait3A_551 = tpu.memref_squeeze %dma_wait3A_550 : memref<1x80x128xbf16, #tpu.memory_space<vmem>> -> memref<80x128xbf16, #tpu.memory_space<vmem>>
    %dma_wait3A_552 = arith.constant 0 : i32
    %dma_wait3A_553 = tpu.memref_slice %arg9[%dma_wait3A_547, %dma_wait3A_552] : memref<125x80xi32, #tpu.memory_space<vmem>> -> memref<1x80xi32, #tpu.memory_space<vmem>>
    %dma_wait3A_554 = tpu.memref_squeeze %dma_wait3A_553 : memref<1x80xi32, #tpu.memory_space<vmem>> -> memref<80xi32, #tpu.memory_space<vmem>>
    %dma_wait3A_555 = arith.constant 0 : i32
    %dma_wait3A_556 = arith.constant 0 : i32
    %dma_wait3A_557 = tpu.memref_slice %arg7[%dma_wait3A_555, %dma_wait3A_556] : memref<10240x128xbf16, #tpu.memory_space<vmem_shared>> -> memref<10240x128xbf16, #tpu.memory_space<vmem_shared>>
    tpu.wait_indirect_dma semaphore(%arg12 : memref<!tpu.dma_semaphore, #tpu.memory_space<semaphore_mem>>) src(%dma_wait3A_551 : memref<80x128xbf16, #tpu.memory_space<vmem>>) dst(%dma_wait3A_557 : memref<10240x128xbf16, #tpu.memory_space<vmem_shared>>)
    %dma_wait3A_558 = arith.constant 0 : i32
    %dma_wait3A_559 = arith.constant 4 : i32
    %dma_wait3A_560 = arith.constant 0 : i32
    %dma_wait3A_561 = arith.constant 0 : i32
    %dma_wait3A_562 = tpu.memref_slice %arg10[%dma_wait3A_559, %dma_wait3A_560, %dma_wait3A_561] : memref<7x80x128xbf16, #tpu.memory_space<vmem>> -> memref<1x80x128xbf16, #tpu.memory_space<vmem>>
    %dma_wait3A_563 = tpu.memref_squeeze %dma_wait3A_562 : memref<1x80x128xbf16, #tpu.memory_space<vmem>> -> memref<80x128xbf16, #tpu.memory_space<vmem>>
    %dma_wait3A_564 = arith.constant 0 : i32
    %dma_wait3A_565 = tpu.memref_slice %arg8[%dma_wait3A_558, %dma_wait3A_564] : memref<125x80xi32, #tpu.memory_space<vmem>> -> memref<1x80xi32, #tpu.memory_space<vmem>>
    %dma_wait3A_566 = tpu.memref_squeeze %dma_wait3A_565 : memref<1x80xi32, #tpu.memory_space<vmem>> -> memref<80xi32, #tpu.memory_space<vmem>>
    %dma_wait3A_567 = arith.constant 0 : i32
    %dma_wait3A_568 = arith.constant 0 : i32
    %dma_wait3A_569 = tpu.memref_slice %arg2[%dma_wait3A_567, %dma_wait3A_568] : memref<10000x128xbf16, #tpu.memory_space<hbm>> -> memref<10000x128xbf16, #tpu.memory_space<hbm>>
    tpu.wait_indirect_dma semaphore(%arg11 : memref<!tpu.dma_semaphore, #tpu.memory_space<semaphore_mem>>) src(%dma_wait3A_569 : memref<10000x128xbf16, #tpu.memory_space<hbm>>) dst(%dma_wait3A_563 : memref<80x128xbf16, #tpu.memory_space<vmem>>)
    %dma_start3A_570 = arith.constant 4 : i32
    %dma_start3A_571 = arith.constant 123 : i32
    %dma_start3A_572 = arith.constant 0 : i32
    %dma_start3A_573 = arith.constant 0 : i32
    %dma_start3A_574 = tpu.memref_slice %arg10[%dma_start3A_570, %dma_start3A_572, %dma_start3A_573] : memref<7x80x128xbf16, #tpu.memory_space<vmem>> -> memref<1x80x128xbf16, #tpu.memory_space<vmem>>
    %dma_start3A_575 = tpu.memref_squeeze %dma_start3A_574 : memref<1x80x128xbf16, #tpu.memory_space<vmem>> -> memref<80x128xbf16, #tpu.memory_space<vmem>>
    %dma_start3A_576 = arith.constant 0 : i32
    %dma_start3A_577 = tpu.memref_slice %arg9[%dma_start3A_571, %dma_start3A_576] : memref<125x80xi32, #tpu.memory_space<vmem>> -> memref<1x80xi32, #tpu.memory_space<vmem>>
    %dma_start3A_578 = tpu.memref_squeeze %dma_start3A_577 : memref<1x80xi32, #tpu.memory_space<vmem>> -> memref<80xi32, #tpu.memory_space<vmem>>
    %dma_start3A_579 = arith.constant 0 : i32
    %dma_start3A_580 = arith.constant 0 : i32
    %dma_start3A_581 = tpu.memref_slice %arg7[%dma_start3A_579, %dma_start3A_580] : memref<10240x128xbf16, #tpu.memory_space<vmem_shared>> -> memref<10240x128xbf16, #tpu.memory_space<vmem_shared>>
    tpu.enqueue_indirect_dma source(%dma_start3A_575 : memref<80x128xbf16, #tpu.memory_space<vmem>>) target(%dma_start3A_581 : memref<10240x128xbf16, #tpu.memory_space<vmem_shared>>) offsets(%dma_start3A_578 : memref<80xi32, #tpu.memory_space<vmem>>) semaphore(%arg12 : memref<!tpu.dma_semaphore, #tpu.memory_space<semaphore_mem>>) {add = true}
    %dma_wait3A_582 = arith.constant 0 : i32
    %dma_wait3A_583 = arith.constant 0 : i32
    %dma_wait3A_584 = arith.constant 0 : i32
    %dma_wait3A_585 = arith.constant 0 : i32
    %dma_wait3A_586 = tpu.memref_slice %arg10[%dma_wait3A_582, %dma_wait3A_584, %dma_wait3A_585] : memref<7x80x128xbf16, #tpu.memory_space<vmem>> -> memref<1x80x128xbf16, #tpu.memory_space<vmem>>
    %dma_wait3A_587 = tpu.memref_squeeze %dma_wait3A_586 : memref<1x80x128xbf16, #tpu.memory_space<vmem>> -> memref<80x128xbf16, #tpu.memory_space<vmem>>
    %dma_wait3A_588 = arith.constant 0 : i32
    %dma_wait3A_589 = tpu.memref_slice %arg9[%dma_wait3A_583, %dma_wait3A_588] : memref<125x80xi32, #tpu.memory_space<vmem>> -> memref<1x80xi32, #tpu.memory_space<vmem>>
    %dma_wait3A_590 = tpu.memref_squeeze %dma_wait3A_589 : memref<1x80xi32, #tpu.memory_space<vmem>> -> memref<80xi32, #tpu.memory_space<vmem>>
    %dma_wait3A_591 = arith.constant 0 : i32
    %dma_wait3A_592 = arith.constant 0 : i32
    %dma_wait3A_593 = tpu.memref_slice %arg7[%dma_wait3A_591, %dma_wait3A_592] : memref<10240x128xbf16, #tpu.memory_space<vmem_shared>> -> memref<10240x128xbf16, #tpu.memory_space<vmem_shared>>
    tpu.wait_indirect_dma semaphore(%arg12 : memref<!tpu.dma_semaphore, #tpu.memory_space<semaphore_mem>>) src(%dma_wait3A_587 : memref<80x128xbf16, #tpu.memory_space<vmem>>) dst(%dma_wait3A_593 : memref<10240x128xbf16, #tpu.memory_space<vmem_shared>>)
    %dma_wait3A_594 = arith.constant 0 : i32
    %dma_wait3A_595 = arith.constant 5 : i32
    %dma_wait3A_596 = arith.constant 0 : i32
    %dma_wait3A_597 = arith.constant 0 : i32
    %dma_wait3A_598 = tpu.memref_slice %arg10[%dma_wait3A_595, %dma_wait3A_596, %dma_wait3A_597] : memref<7x80x128xbf16, #tpu.memory_space<vmem>> -> memref<1x80x128xbf16, #tpu.memory_space<vmem>>
    %dma_wait3A_599 = tpu.memref_squeeze %dma_wait3A_598 : memref<1x80x128xbf16, #tpu.memory_space<vmem>> -> memref<80x128xbf16, #tpu.memory_space<vmem>>
    %dma_wait3A_600 = arith.constant 0 : i32
    %dma_wait3A_601 = tpu.memref_slice %arg8[%dma_wait3A_594, %dma_wait3A_600] : memref<125x80xi32, #tpu.memory_space<vmem>> -> memref<1x80xi32, #tpu.memory_space<vmem>>
    %dma_wait3A_602 = tpu.memref_squeeze %dma_wait3A_601 : memref<1x80xi32, #tpu.memory_space<vmem>> -> memref<80xi32, #tpu.memory_space<vmem>>
    %dma_wait3A_603 = arith.constant 0 : i32
    %dma_wait3A_604 = arith.constant 0 : i32
    %dma_wait3A_605 = tpu.memref_slice %arg2[%dma_wait3A_603, %dma_wait3A_604] : memref<10000x128xbf16, #tpu.memory_space<hbm>> -> memref<10000x128xbf16, #tpu.memory_space<hbm>>
    tpu.wait_indirect_dma semaphore(%arg11 : memref<!tpu.dma_semaphore, #tpu.memory_space<semaphore_mem>>) src(%dma_wait3A_605 : memref<10000x128xbf16, #tpu.memory_space<hbm>>) dst(%dma_wait3A_599 : memref<80x128xbf16, #tpu.memory_space<vmem>>)
    %dma_start3A_606 = arith.constant 5 : i32
    %dma_start3A_607 = arith.constant 124 : i32
    %dma_start3A_608 = arith.constant 0 : i32
    %dma_start3A_609 = arith.constant 0 : i32
    %dma_start3A_610 = tpu.memref_slice %arg10[%dma_start3A_606, %dma_start3A_608, %dma_start3A_609] : memref<7x80x128xbf16, #tpu.memory_space<vmem>> -> memref<1x80x128xbf16, #tpu.memory_space<vmem>>
    %dma_start3A_611 = tpu.memref_squeeze %dma_start3A_610 : memref<1x80x128xbf16, #tpu.memory_space<vmem>> -> memref<80x128xbf16, #tpu.memory_space<vmem>>
    %dma_start3A_612 = arith.constant 0 : i32
    %dma_start3A_613 = tpu.memref_slice %arg9[%dma_start3A_607, %dma_start3A_612] : memref<125x80xi32, #tpu.memory_space<vmem>> -> memref<1x80xi32, #tpu.memory_space<vmem>>
    %dma_start3A_614 = tpu.memref_squeeze %dma_start3A_613 : memref<1x80xi32, #tpu.memory_space<vmem>> -> memref<80xi32, #tpu.memory_space<vmem>>
    %dma_start3A_615 = arith.constant 0 : i32
    %dma_start3A_616 = arith.constant 0 : i32
    %dma_start3A_617 = tpu.memref_slice %arg7[%dma_start3A_615, %dma_start3A_616] : memref<10240x128xbf16, #tpu.memory_space<vmem_shared>> -> memref<10240x128xbf16, #tpu.memory_space<vmem_shared>>
    tpu.enqueue_indirect_dma source(%dma_start3A_611 : memref<80x128xbf16, #tpu.memory_space<vmem>>) target(%dma_start3A_617 : memref<10240x128xbf16, #tpu.memory_space<vmem_shared>>) offsets(%dma_start3A_614 : memref<80xi32, #tpu.memory_space<vmem>>) semaphore(%arg12 : memref<!tpu.dma_semaphore, #tpu.memory_space<semaphore_mem>>) {add = true}
    %dma_wait3A_618 = arith.constant 0 : i32
    %dma_wait3A_619 = arith.constant 0 : i32
    %dma_wait3A_620 = arith.constant 0 : i32
    %dma_wait3A_621 = arith.constant 0 : i32
    %dma_wait3A_622 = tpu.memref_slice %arg10[%dma_wait3A_618, %dma_wait3A_620, %dma_wait3A_621] : memref<7x80x128xbf16, #tpu.memory_space<vmem>> -> memref<1x80x128xbf16, #tpu.memory_space<vmem>>
    %dma_wait3A_623 = tpu.memref_squeeze %dma_wait3A_622 : memref<1x80x128xbf16, #tpu.memory_space<vmem>> -> memref<80x128xbf16, #tpu.memory_space<vmem>>
    %dma_wait3A_624 = arith.constant 0 : i32
    %dma_wait3A_625 = tpu.memref_slice %arg9[%dma_wait3A_619, %dma_wait3A_624] : memref<125x80xi32, #tpu.memory_space<vmem>> -> memref<1x80xi32, #tpu.memory_space<vmem>>
    %dma_wait3A_626 = tpu.memref_squeeze %dma_wait3A_625 : memref<1x80xi32, #tpu.memory_space<vmem>> -> memref<80xi32, #tpu.memory_space<vmem>>
    %dma_wait3A_627 = arith.constant 0 : i32
    %dma_wait3A_628 = arith.constant 0 : i32
    %dma_wait3A_629 = tpu.memref_slice %arg7[%dma_wait3A_627, %dma_wait3A_628] : memref<10240x128xbf16, #tpu.memory_space<vmem_shared>> -> memref<10240x128xbf16, #tpu.memory_space<vmem_shared>>
    tpu.wait_indirect_dma semaphore(%arg12 : memref<!tpu.dma_semaphore, #tpu.memory_space<semaphore_mem>>) src(%dma_wait3A_623 : memref<80x128xbf16, #tpu.memory_space<vmem>>) dst(%dma_wait3A_629 : memref<10240x128xbf16, #tpu.memory_space<vmem_shared>>)
    %barrier3A_630 = arith.constant 0 : index
    tpu.barrier barrier_id(%barrier3A_630)
    %mul3A_631 = arith.constant 640 : i32
    %mul3A_632 = arith.muli %arg1, %mul3A_631 : i32
    %mul3A_633 = arith.constant 640 : i32
    %mul3A_634 = arith.muli %arg1, %mul3A_633 : i32
    "tpu.region"() ({
      %run_scoped3A = tpu.sem_alloc : memref<!tpu.dma_semaphore, #tpu.memory_space<semaphore_mem>>
      %dma_start3A_635 = arith.constant 0 : i32
      %dma_start3A_636 = arith.constant 0 : i32
      %dma_start3A_637 = tpu.memref_slice %arg6[%arg0, %dma_start3A_635, %dma_start3A_636] : memref<2x10240x128xbf16, #tpu.memory_space<hbm>> -> memref<1x10240x128xbf16, #tpu.memory_space<hbm>>
      %dma_start3A_638 = tpu.memref_squeeze %dma_start3A_637 : memref<1x10240x128xbf16, #tpu.memory_space<hbm>> -> memref<10240x128xbf16, #tpu.memory_space<hbm>>
      %dma_start3A_639 = arith.constant 0 : i32
      %dma_start3A_640 = tpu.memref_slice %dma_start3A_638[%mul3A_634, %dma_start3A_639] : memref<10240x128xbf16, #tpu.memory_space<hbm>> -> memref<640x128xbf16, #tpu.memory_space<hbm>>
      %dma_start3A_641 = arith.constant 0 : i32
      %dma_start3A_642 = tpu.memref_slice %arg7[%mul3A_632, %dma_start3A_641] : memref<10240x128xbf16, #tpu.memory_space<vmem_shared>> -> memref<640x128xbf16, #tpu.memory_space<vmem_shared>>
      tpu.enqueue_dma source(%dma_start3A_642 : memref<640x128xbf16, #tpu.memory_space<vmem_shared>>) target(%dma_start3A_640 : memref<640x128xbf16, #tpu.memory_space<hbm>>) target_semaphore(%run_scoped3A : memref<!tpu.dma_semaphore, #tpu.memory_space<semaphore_mem>>)
      %dma_wait3A_643 = arith.constant 0 : i32
      %dma_wait3A_644 = arith.constant 0 : i32
      %dma_wait3A_645 = tpu.memref_slice %arg6[%arg0, %dma_wait3A_643, %dma_wait3A_644] : memref<2x10240x128xbf16, #tpu.memory_space<hbm>> -> memref<1x10240x128xbf16, #tpu.memory_space<hbm>>
      %dma_wait3A_646 = tpu.memref_squeeze %dma_wait3A_645 : memref<1x10240x128xbf16, #tpu.memory_space<hbm>> -> memref<10240x128xbf16, #tpu.memory_space<hbm>>
      %dma_wait3A_647 = arith.constant 0 : i32
      %dma_wait3A_648 = tpu.memref_slice %dma_wait3A_646[%mul3A_634, %dma_wait3A_647] : memref<10240x128xbf16, #tpu.memory_space<hbm>> -> memref<640x128xbf16, #tpu.memory_space<hbm>>
      %dma_wait3A_649 = arith.constant 0 : i32
      %dma_wait3A_650 = tpu.memref_slice %arg7[%mul3A_632, %dma_wait3A_649] : memref<10240x128xbf16, #tpu.memory_space<vmem_shared>> -> memref<640x128xbf16, #tpu.memory_space<vmem_shared>>
      tpu.wait_dma2 semaphore(%run_scoped3A : memref<!tpu.dma_semaphore, #tpu.memory_space<semaphore_mem>>) src(%dma_wait3A_650 : memref<640x128xbf16, #tpu.memory_space<vmem_shared>>) dst(%dma_wait3A_648 : memref<640x128xbf16, #tpu.memory_space<hbm>>)
      tpu.yield
    }) : () -> ()
    return
  }
}

module attributes {stable_mosaic.version = 14 : i64} {
  func.func @_scale_body(%arg0: i32, %arg1: memref<1024x128xf32, #tpu.memory_space<vmem>>, %arg2: memref<2x8x128xf32, #tpu.memory_space<vmem>>, %arg3: memref<1024x128xbf16, #tpu.memory_space<vmem>>) attributes {dimension_semantics = [#tpu.dimension_semantics<arbitrary>], iteration_bounds = array<i64: 10>, scalar_prefetch = 0 : i64, scratch_operands = 0 : i64, tpu.core_type = #tpu.core_type<tc>, window_params = [{transform_indices = @transform_0, window_bounds = array<i64: 1024, 128>}, {transform_indices = @transform_1, window_bounds = array<i64: 2, 8, 128>}, {transform_indices = @transform_2, window_bounds = array<i64: 1024, 128>}]} {
    %get3A = arith.constant 0 : index
    %get3A_0 = arith.constant 0 : index
    %get3A_1 = vector.load %arg1[%get3A, %get3A_0] : memref<1024x128xf32, #tpu.memory_space<vmem>>, vector<1024x128xf32>
    %get3A_2 = arith.constant 0 : index
    %get3A_3 = arith.constant 0 : index
    %get3A_4 = arith.constant 0 : index
    %get3A_5 = vector.load %arg2[%get3A_2, %get3A_3, %get3A_4] : memref<2x8x128xf32, #tpu.memory_space<vmem>>, vector<1x8x128xf32>
    %get3A_6 = vector.shape_cast %get3A_5 : vector<1x8x128xf32> to vector<8x128xf32>
    %get3A_7 = arith.constant 1 : index
    %get3A_8 = arith.constant 0 : index
    %get3A_9 = arith.constant 0 : index
    %get3A_10 = vector.load %arg2[%get3A_7, %get3A_8, %get3A_9] : memref<2x8x128xf32, #tpu.memory_space<vmem>>, vector<1x8x128xf32>
    %get3A_11 = vector.shape_cast %get3A_10 : vector<1x8x128xf32> to vector<8x128xf32>
    %add3A = arith.addf %get3A_6, %get3A_11 : vector<8x128xf32>
    %add3A_12 = arith.constant 1.000000e+00 : f32
    %add3A_13 = vector.broadcast %add3A_12 : f32 to vector<8x128xf32>
    %add3A_14 = arith.addf %add3A, %add3A_13 : vector<8x128xf32>
    %rsqrt3A = math.rsqrt %add3A_14 : vector<8x128xf32>
    %broadcast_in_dim3A = vector.shape_cast %rsqrt3A : vector<8x128xf32> to vector<8x1x128xf32>
    %broadcast_in_dim3A_15 = vector.broadcast %broadcast_in_dim3A : vector<8x1x128xf32> to vector<8x128x128xf32>
    %reshape3A = vector.shape_cast %broadcast_in_dim3A_15 : vector<8x128x128xf32> to vector<1024x128xf32>
    %iota3A = tpu.iota {dimensions = array<i32: 0>} : vector<1024x128xi32>
    %iota3A_16 = tpu.iota {dimensions = array<i32: 1>} : vector<1024x128xi32>
    %jit3A = arith.constant 128 : i32
    %eq3A = arith.constant 0 : i32
    %eq3A_17 = arith.cmpi eq, %jit3A, %eq3A : i32
    %jit3A_18 = arith.constant 1 : i32
    %select_n3A = arith.select %eq3A_17, %jit3A_18, %jit3A : i32
    %rem3A = vector.broadcast %select_n3A : i32 to vector<1024x128xi32>
    %rem3A_19 = arith.remsi %iota3A, %rem3A : vector<1024x128xi32>
    %ne3A = arith.constant 0 : i32
    %ne3A_20 = vector.broadcast %ne3A : i32 to vector<1024x128xi32>
    %ne3A_21 = arith.cmpi ne, %rem3A_19, %ne3A_20 : vector<1024x128xi32>
    %lt3A = arith.constant 0 : i32
    %lt3A_22 = vector.broadcast %lt3A : i32 to vector<1024x128xi32>
    %lt3A_23 = arith.cmpi slt, %rem3A_19, %lt3A_22 : vector<1024x128xi32>
    %lt3A_24 = arith.constant 0 : i32
    %lt3A_25 = arith.cmpi slt, %select_n3A, %lt3A_24 : i32
    %ne3A_26 = vector.broadcast %lt3A_25 : i1 to vector<1024x128xi1>
    %ne3A_27 = vector.broadcast %ne3A_26 : vector<1024x128xi1> to vector<1024x128xi1>
    %ne3A_28 = arith.xori %lt3A_23, %ne3A_27 : vector<1024x128xi1>
    %and3A = arith.andi %ne3A_28, %ne3A_21 : vector<1024x128xi1>
    %add3A_29 = vector.broadcast %select_n3A : i32 to vector<1024x128xi32>
    %add3A_30 = arith.addi %rem3A_19, %add3A_29 : vector<1024x128xi32>
    %select_n3A_31 = arith.select %and3A, %add3A_30, %rem3A_19 : vector<1024x128xi1>, vector<1024x128xi32>
    %eq3A_32 = arith.cmpi eq, %select_n3A_31, %iota3A_16 : vector<1024x128xi32>
    %jit3A_33 = arith.constant 1.000000e+00 : f32
    %jit3A_34 = arith.constant 0.000000e+00 : f32
    %broadcast_in_dim3A_35 = vector.broadcast %jit3A_33 : f32 to vector<1024x128xf32>
    %broadcast_in_dim3A_36 = vector.broadcast %jit3A_34 : f32 to vector<1024x128xf32>
    %select_n3A_37 = arith.select %eq3A_32, %broadcast_in_dim3A_35, %broadcast_in_dim3A_36 : vector<1024x128xi1>, vector<1024x128xf32>
    %mul3A = arith.mulf %reshape3A, %select_n3A_37 : vector<1024x128xf32>
    %reduce_sum3A = arith.constant dense<0.000000e+00> : vector<1024xf32>
    %reduce_sum3A_38 = vector.multi_reduction <add>, %mul3A, %reduce_sum3A [1] : vector<1024x128xf32> to vector<1024xf32>
    %broadcast_in_dim3A_39 = vector.shape_cast %reduce_sum3A_38 : vector<1024xf32> to vector<1024x1xf32>
    %mul3A_40 = vector.broadcast %broadcast_in_dim3A_39 : vector<1024x1xf32> to vector<1024x128xf32>
    %mul3A_41 = arith.mulf %get3A_1, %mul3A_40 : vector<1024x128xf32>
    %convert_element_type3A = arith.truncf %mul3A_41 : vector<1024x128xf32> to vector<1024x128xbf16>
    %swap3A = arith.constant 0 : index
    %swap3A_42 = arith.constant 0 : index
    %swap3A_43 = vector.load %arg3[%swap3A, %swap3A_42] : memref<1024x128xbf16, #tpu.memory_space<vmem>>, vector<1024x128xbf16>
    tpu.vector_store %arg3[%swap3A, %swap3A_42], %convert_element_type3A {strides = array<i32>} : memref<1024x128xbf16, #tpu.memory_space<vmem>>, vector<1024x128xbf16>,
    return
  }
  func.func @transform_0(%arg0: i32) -> (i32, i32) {
    %c0_i32 = arith.constant 0 : i32
    %c0_i32_0 = arith.constant 0 : i32
    return %arg0, %c0_i32 : i32, i32
  }
  func.func @transform_1(%arg0: i32) -> (i32, i32, i32) {
    %c0_i32 = arith.constant 0 : i32
    %c0_i32_0 = arith.constant 0 : i32
    %c0_i32_1 = arith.constant 0 : i32
    return %c0_i32, %arg0, %c0_i32_0 : i32, i32, i32
  }
  func.func @transform_2(%arg0: i32) -> (i32, i32) {
    %c0_i32 = arith.constant 0 : i32
    %c0_i32_0 = arith.constant 0 : i32
    return %arg0, %c0_i32 : i32, i32
  }
}

module attributes {stable_mosaic.version = 14 : i64} {
  func.func @_out_body(%arg0: i32, %arg1: memref<2x1024x128xbf16, #tpu.memory_space<vmem>>, %arg2: memref<2x8x128xf32, #tpu.memory_space<vmem>>, %arg3: memref<1024x128xf32, #tpu.memory_space<vmem>>, %arg4: memref<128x128xf32, #tpu.memory_space<vmem>>, %arg5: memref<1x128xf32, #tpu.memory_space<vmem>>, %arg6: memref<1024x128xf32, #tpu.memory_space<vmem>>) attributes {dimension_semantics = [#tpu.dimension_semantics<arbitrary>], iteration_bounds = array<i64: 10>, scalar_prefetch = 0 : i64, scratch_operands = 0 : i64, tpu.core_type = #tpu.core_type<tc>, window_params = [{transform_indices = @transform_0, window_bounds = array<i64: 2, 1024, 128>}, {transform_indices = @transform_1, window_bounds = array<i64: 2, 8, 128>}, {transform_indices = @transform_2, window_bounds = array<i64: 1024, 128>}, {pipeline_mode = #tpu.pipeline_mode<synchronous>, transform_indices = @transform_3, window_bounds = array<i64: 128, 128>}, {pipeline_mode = #tpu.pipeline_mode<synchronous>, transform_indices = @transform_4, window_bounds = array<i64: 1, 128>}, {transform_indices = @transform_5, window_bounds = array<i64: 1024, 128>}]} {
    %get3A = arith.constant 0 : index
    %get3A_0 = arith.constant 0 : index
    %get3A_1 = arith.constant 0 : index
    %get3A_2 = vector.load %arg2[%get3A, %get3A_0, %get3A_1] : memref<2x8x128xf32, #tpu.memory_space<vmem>>, vector<1x8x128xf32>
    %get3A_3 = vector.shape_cast %get3A_2 : vector<1x8x128xf32> to vector<8x128xf32>
    %get3A_4 = arith.constant 1 : index
    %get3A_5 = arith.constant 0 : index
    %get3A_6 = arith.constant 0 : index
    %get3A_7 = vector.load %arg2[%get3A_4, %get3A_5, %get3A_6] : memref<2x8x128xf32, #tpu.memory_space<vmem>>, vector<1x8x128xf32>
    %get3A_8 = vector.shape_cast %get3A_7 : vector<1x8x128xf32> to vector<8x128xf32>
    %add3A = arith.addf %get3A_3, %get3A_8 : vector<8x128xf32>
    %add3A_9 = arith.constant 1.000000e+00 : f32
    %add3A_10 = vector.broadcast %add3A_9 : f32 to vector<8x128xf32>
    %add3A_11 = arith.addf %add3A, %add3A_10 : vector<8x128xf32>
    %rsqrt3A = math.rsqrt %add3A_11 : vector<8x128xf32>
    %broadcast_in_dim3A = vector.shape_cast %rsqrt3A : vector<8x128xf32> to vector<8x1x128xf32>
    %broadcast_in_dim3A_12 = vector.broadcast %broadcast_in_dim3A : vector<8x1x128xf32> to vector<8x128x128xf32>
    %reshape3A = vector.shape_cast %broadcast_in_dim3A_12 : vector<8x128x128xf32> to vector<1024x128xf32>
    %iota3A = tpu.iota {dimensions = array<i32: 0>} : vector<1024x128xi32>
    %iota3A_13 = tpu.iota {dimensions = array<i32: 1>} : vector<1024x128xi32>
    %jit3A = arith.constant 128 : i32
    %eq3A = arith.constant 0 : i32
    %eq3A_14 = arith.cmpi eq, %jit3A, %eq3A : i32
    %jit3A_15 = arith.constant 1 : i32
    %select_n3A = arith.select %eq3A_14, %jit3A_15, %jit3A : i32
    %rem3A = vector.broadcast %select_n3A : i32 to vector<1024x128xi32>
    %rem3A_16 = arith.remsi %iota3A, %rem3A : vector<1024x128xi32>
    %ne3A = arith.constant 0 : i32
    %ne3A_17 = vector.broadcast %ne3A : i32 to vector<1024x128xi32>
    %ne3A_18 = arith.cmpi ne, %rem3A_16, %ne3A_17 : vector<1024x128xi32>
    %lt3A = arith.constant 0 : i32
    %lt3A_19 = vector.broadcast %lt3A : i32 to vector<1024x128xi32>
    %lt3A_20 = arith.cmpi slt, %rem3A_16, %lt3A_19 : vector<1024x128xi32>
    %lt3A_21 = arith.constant 0 : i32
    %lt3A_22 = arith.cmpi slt, %select_n3A, %lt3A_21 : i32
    %ne3A_23 = vector.broadcast %lt3A_22 : i1 to vector<1024x128xi1>
    %ne3A_24 = vector.broadcast %ne3A_23 : vector<1024x128xi1> to vector<1024x128xi1>
    %ne3A_25 = arith.xori %lt3A_20, %ne3A_24 : vector<1024x128xi1>
    %and3A = arith.andi %ne3A_25, %ne3A_18 : vector<1024x128xi1>
    %add3A_26 = vector.broadcast %select_n3A : i32 to vector<1024x128xi32>
    %add3A_27 = arith.addi %rem3A_16, %add3A_26 : vector<1024x128xi32>
    %select_n3A_28 = arith.select %and3A, %add3A_27, %rem3A_16 : vector<1024x128xi1>, vector<1024x128xi32>
    %eq3A_29 = arith.cmpi eq, %select_n3A_28, %iota3A_13 : vector<1024x128xi32>
    %jit3A_30 = arith.constant 1.000000e+00 : f32
    %jit3A_31 = arith.constant 0.000000e+00 : f32
    %broadcast_in_dim3A_32 = vector.broadcast %jit3A_30 : f32 to vector<1024x128xf32>
    %broadcast_in_dim3A_33 = vector.broadcast %jit3A_31 : f32 to vector<1024x128xf32>
    %select_n3A_34 = arith.select %eq3A_29, %broadcast_in_dim3A_32, %broadcast_in_dim3A_33 : vector<1024x128xi1>, vector<1024x128xf32>
    %mul3A = arith.mulf %reshape3A, %select_n3A_34 : vector<1024x128xf32>
    %reduce_sum3A = arith.constant dense<0.000000e+00> : vector<1024xf32>
    %reduce_sum3A_35 = vector.multi_reduction <add>, %mul3A, %reduce_sum3A [1] : vector<1024x128xf32> to vector<1024xf32>
    %broadcast_in_dim3A_36 = vector.shape_cast %reduce_sum3A_35 : vector<1024xf32> to vector<1024x1xf32>
    %get3A_37 = arith.constant 0 : index
    %get3A_38 = arith.constant 0 : index
    %get3A_39 = arith.constant 0 : index
    %get3A_40 = vector.load %arg1[%get3A_37, %get3A_38, %get3A_39] : memref<2x1024x128xbf16, #tpu.memory_space<vmem>>, vector<1x1024x128xbf16>
    %get3A_41 = vector.shape_cast %get3A_40 : vector<1x1024x128xbf16> to vector<1024x128xbf16>
    %convert_element_type3A = arith.extf %get3A_41 : vector<1024x128xbf16> to vector<1024x128xf32>
    %get3A_42 = arith.constant 1 : index
    %get3A_43 = arith.constant 0 : index
    %get3A_44 = arith.constant 0 : index
    %get3A_45 = vector.load %arg1[%get3A_42, %get3A_43, %get3A_44] : memref<2x1024x128xbf16, #tpu.memory_space<vmem>>, vector<1x1024x128xbf16>
    %get3A_46 = vector.shape_cast %get3A_45 : vector<1x1024x128xbf16> to vector<1024x128xbf16>
    %convert_element_type3A_47 = arith.extf %get3A_46 : vector<1024x128xbf16> to vector<1024x128xf32>
    %add3A_48 = arith.addf %convert_element_type3A, %convert_element_type3A_47 : vector<1024x128xf32>
    %mul3A_49 = vector.broadcast %broadcast_in_dim3A_36 : vector<1024x1xf32> to vector<1024x128xf32>
    %mul3A_50 = arith.mulf %mul3A_49, %add3A_48 : vector<1024x128xf32>
    %mul3A_51 = arith.mulf %broadcast_in_dim3A_36, %broadcast_in_dim3A_36 : vector<1024x1xf32>
    %get3A_52 = arith.constant 0 : index
    %get3A_53 = arith.constant 0 : index
    %get3A_54 = vector.load %arg3[%get3A_52, %get3A_53] : memref<1024x128xf32, #tpu.memory_space<vmem>>, vector<1024x128xf32>
    %mul3A_55 = vector.broadcast %mul3A_51 : vector<1024x1xf32> to vector<1024x128xf32>
    %mul3A_56 = arith.mulf %mul3A_55, %get3A_54 : vector<1024x128xf32>
    %add3A_57 = arith.addf %mul3A_50, %mul3A_56 : vector<1024x128xf32>
    %get3A_58 = arith.constant 0 : index
    %get3A_59 = arith.constant 0 : index
    %get3A_60 = vector.load %arg4[%get3A_58, %get3A_59] : memref<128x128xf32, #tpu.memory_space<vmem>>, vector<128x128xf32>
    %dot_general3A = arith.constant dense<0.000000e+00> : vector<1024x128xf32>
    %dot_general3A_61 = tpu.matmul %add3A_57, %get3A_60, %dot_general3A {dimension_numbers = #tpu.dot_dimension_numbers<[1], [0], [0], [1], [0, 0, 1, 1], [], []>, transpose_lhs_hint = false} : vector<1024x128xf32>, vector<128x128xf32>, vector<1024x128xf32> -> vector<1024x128xf32>
    %get3A_62 = arith.constant 0 : index
    %get3A_63 = arith.constant 0 : index
    %get3A_64 = vector.load %arg5[%get3A_62, %get3A_63] : memref<1x128xf32, #tpu.memory_space<vmem>>, vector<1x128xf32>
    %add3A_65 = vector.broadcast %get3A_64 : vector<1x128xf32> to vector<1024x128xf32>
    %add3A_66 = arith.addf %dot_general3A_61, %add3A_65 : vector<1024x128xf32>
    %swap3A = arith.constant 0 : index
    %swap3A_67 = arith.constant 0 : index
    %swap3A_68 = vector.load %arg6[%swap3A, %swap3A_67] : memref<1024x128xf32, #tpu.memory_space<vmem>>, vector<1024x128xf32>
    tpu.vector_store %arg6[%swap3A, %swap3A_67], %add3A_66 {strides = array<i32>} : memref<1024x128xf32, #tpu.memory_space<vmem>>, vector<1024x128xf32>,
    return
  }
  func.func @transform_0(%arg0: i32) -> (i32, i32, i32) {
    %c0_i32 = arith.constant 0 : i32
    %c0_i32_0 = arith.constant 0 : i32
    %c0_i32_1 = arith.constant 0 : i32
    return %c0_i32, %arg0, %c0_i32_0 : i32, i32, i32
  }
  func.func @transform_1(%arg0: i32) -> (i32, i32, i32) {
    %c0_i32 = arith.constant 0 : i32
    %c0_i32_0 = arith.constant 0 : i32
    %c0_i32_1 = arith.constant 0 : i32
    return %c0_i32, %arg0, %c0_i32_0 : i32, i32, i32
  }
  func.func @transform_2(%arg0: i32) -> (i32, i32) {
    %c0_i32 = arith.constant 0 : i32
    %c0_i32_0 = arith.constant 0 : i32
    return %arg0, %c0_i32 : i32, i32
  }
  func.func @transform_3(%arg0: i32) -> (i32, i32) {
    %c0_i32 = arith.constant 0 : i32
    %c0_i32_0 = arith.constant 0 : i32
    %c0_i32_1 = arith.constant 0 : i32
    return %c0_i32, %c0_i32_0 : i32, i32
  }
  func.func @transform_4(%arg0: i32) -> (i32, i32) {
    %c0_i32 = arith.constant 0 : i32
    %c0_i32_0 = arith.constant 0 : i32
    %c0_i32_1 = arith.constant 0 : i32
    return %c0_i32, %c0_i32_0 : i32, i32
  }
  func.func @transform_5(%arg0: i32) -> (i32, i32) {
    %c0_i32 = arith.constant 0 : i32
    %c0_i32_0 = arith.constant 0 : i32
    return %arg0, %c0_i32 : i32, i32
  }
}

</mosaic_0001>

<sc_bundles>
// kernel: kernel.6.cloned.1.call-start
scs
__scs_entry_jumppad:
0x0: {  	(pc) =	sbr.rel $0x88, $3  }
0x1: {  	(tag) =	ssettag $0x0;
	lr =	simm.s32 $0x1  }
0x2: {  	[smem:$0x3F9D] =	sst lr;
	_ =	strace $0xD0000000  }
0x3: {  	_ = 	snop  }
0x4: {  	_ = 	snop  }
0x5: {  	_ = 	snop  }
0x6: {  	_ = 	snop  }
0x7: {  	_ = 	snop  }
__scs_overlays_trampoline_lowered:
0x8: {  	[smem:$0x3FAC] =	sst s0  }
0x9: {  	[smem:$0x3FAD] =	sst s1  }
0xa: {  	[smem:$0x3FAE] =	sst s2  }
0xb: {  	[smem:$0x3FAF] =	sst s3  }
0xc: {  	[smem:$0x3FB0] =	sst s4  }
0xd: {  	[smem:$0x3FB1] =	sst s5  }
0xe: {  	[smem:$0x3FB2] =	sst s6  }
0xf: {  	[smem:$0x3FB3] =	sst s7  }
0x10: {  	[smem:$0x3FB4] =	sst s8  }
0x11: {  	[smem:$0x3FB5] =	sst s9;
	s0 =	simm.s32 @!p0 $0x0  }
0x12: {  	s1 =	sld [smem:$0x3F9B];
	s0 =	simm.s32 @p0 $0x1  }
0x13: {  	[smem:$0x3FB6] =	sst s0;
	s0 =	simm.s32 @!p1 $0x0  }
0x14: {  	s2 =	sld [smem:$0x3F9A];
	s0 =	simm.s32 @p1 $0x1  }
0x15: {  	[smem:$0x3FB7] =	sst s0;
	s0 =	simm.s32 @!p2 $0x0  }
0x16: {  	s3 =	sld [smem:$0x3FDB];
	s0 =	simm.s32 @p2 $0x1  }
0x17: {  	s4 =	simm.s32 $0x1BF5;
	[smem:$0x3FB9] =	sst s0  }
0x18: {  	s0 =	sld [smem:$0x3F9C];
	_ =	swait.ge [sflag:s4], $0x0  }
0x19: {  	s7 =	sld [smem:$0x3F9D]  }
0x1a: {  	s8 =	sadd.s32 $0xFFFFE003, lr  }
0x1b: {  	s9 =	sadd.s32 $0xFFFFFEF7, lr;
	s5 =	simm.s32 $0xFFFFFFFF;
	p2 =	slt.u32 s8, $0xFFFFF086  }
0x1c: {  	p1 =	slt.u32 s9, $0xF7A;
	s5 =	simm.s32 @!p2 $0x0  }
0x1d: {  	s5 =	simm.s32 @p1 $0x1;
	p0 =	seq.s32 s7, s2  }
0x1e: {  	s7 =	smul.u32 @!p0 $0xF7A, s2;
	p2 =	seq.s32 @!p0 s5, $0x0  }
0x1f: {  	s9 =	smul.u32 $0xF7A, s1;
	s8 =	simm.s32 @!p0 $0x1BF5;
	p2 =	por !p2, p0  }
0x20: {  	[sflag:s8] =	ssyncset.s32 @!p0 $0xFFFFF086;
	s6 =	sadd.s32 @!p0 s3, s7;
	s7 =	simm.s32 @!p0 $0x108  }
0x21: {  	s3 =	sadd.s32 s3, s9;
	s6 =	sadd.s32 @!p0 $0x88, s6;
	s7 =	simm.s32 @p2 $0x1082  }
0x22: {  	[simem:s7], [sflag:s8] =	dma.local @!p0 [hbm:s6], $0xF7A  }
0x23: {  	s9 =	sor.u32 $0xD0000000, s2;
	s6 =	simm.s32 $0x108;
	_ =	swait.ge @!p0 [sflag:s8], $0x0  }
0x24: {  	s3 =	sadd.s32 $0x88, s3;
	s6 =	simm.s32 @!p1 $0x1082;
	[sflag:s4] =	ssyncset.s32 $0xFFFFF086  }
0x25: {  	[simem:s6], [sflag:s4] =	dma.local [hbm:s3], $0xF7A  }
0x26: {  	[smem:$0x3F9D] =	sst s1;
	(tag) =	ssettag s2;
	_ =	strace s9  }
0x27: {  	s1 =	sld [smem:$0x3FAD]  }
0x28: {  	s2 =	sld [smem:$0x3FAE]  }
0x29: {  	s4 =	sld [smem:$0x3FB0]  }
0x2a: {  	p0 =	seq.s32 s5, $0x0;
	s5 =	sld [smem:$0x3FB1]  }
0x2b: {  	s6 =	sld [smem:$0x3FB2]  }
0x2c: {  	s7 =	sld [smem:$0x3FB3]  }
0x2d: {  	s3 =	simm.s32 $0x108;
	s8 =	sld [smem:$0x3FB4]  }
0x2e: {  	s3 =	simm.s32 @!p0 $0x1082;
	s9 =	sld [smem:$0x3FB5]  }
0x2f: {  	lr =	sadd.s32 s0, s3;
	s0 =	sld [smem:$0x3FAC]  }
0x30: {  	s3 =	sld [smem:$0x3FAF]  }
0x31: {  	[smem:$0x3FB8] =	sst s10  }
0x32: {  	s10 =	sld [smem:$0x3FB6];
	_ =	sdelay $0x3  }
0x33: {  	p0 =	seq.s32 s10, $0x1;
	s10 =	sld [smem:$0x3FB8];
	_ =	sdelay $0x3  }
0x34: {  	[smem:$0x3FB8] =	sst s10  }
0x35: {  	s10 =	sld [smem:$0x3FB7];
	_ =	sdelay $0x3  }
0x36: {  	p1 =	seq.s32 s10, $0x1;
	s10 =	sld [smem:$0x3FB8];
	_ =	sdelay $0x3  }
0x37: {  	[smem:$0x3FB8] =	sst s10  }
0x38: {  	s10 =	sld [smem:$0x3FB9]  }
0x39: {  	_ = 	snop;
	(pc) =	sbr.ind lr, $3  }
0x3a: {  	_ = 	snop  }
0x3b: {  	_ = 	snop  }
0x3c: {  	p2 =	seq.s32 s10, $0x1;
	s10 =	sld [smem:$0x3FB8]  }
0x3d: {  	_ =	shalt  }
0x3e: {  	_ =	shalt  }
0x3f: {  	_ =	shalt  }
0x40: {  	_ =	shalt  }
0x41: {  	_ =	shalt  }
0x42: {  	_ =	shalt  }
0x43: {  	_ =	shalt  }
0x44: {  	_ =	shalt  }
0x45: {  	_ =	shalt  }
0x46: {  	_ =	shalt  }
0x47: {  	_ =	shalt  }
0x48: {  	_ =	shalt  }
0x49: {  	_ =	shalt  }
0x4a: {  	_ =	shalt  }
0x4b: {  	_ =	shalt  }
0x4c: {  	_ =	shalt  }
0x4d: {  	_ =	shalt  }
0x4e: {  	_ =	shalt  }
0x4f: {  	_ =	shalt  }
0x50: {  	_ =	shalt  }
0x51: {  	_ =	shalt  }
0x52: {  	_ =	shalt  }
0x53: {  	_ =	shalt  }
0x54: {  	_ =	shalt  }
0x55: {  	_ =	shalt  }
0x56: {  	_ =	shalt  }
0x57: {  	_ =	shalt  }
0x58: {  	_ =	shalt  }
0x59: {  	_ =	shalt  }
0x5a: {  	_ =	shalt  }
0x5b: {  	_ =	shalt  }
0x5c: {  	_ =	shalt  }
0x5d: {  	_ =	shalt  }
0x5e: {  	_ =	shalt  }
0x5f: {  	_ =	shalt  }
0x60: {  	_ =	shalt  }
0x61: {  	_ =	shalt  }
0x62: {  	_ =	shalt  }
0x63: {  	_ =	shalt  }
0x64: {  	_ =	shalt  }
0x65: {  	_ =	shalt  }
0x66: {  	_ =	shalt  }
0x67: {  	_ =	shalt  }
0x68: {  	_ =	shalt  }
0x69: {  	_ =	shalt  }
0x6a: {  	_ =	shalt  }
0x6b: {  	_ =	shalt  }
0x6c: {  	_ =	shalt  }
0x6d: {  	_ =	shalt  }
0x6e: {  	_ =	shalt  }
0x6f: {  	_ =	shalt  }
0x70: {  	_ =	shalt  }
0x71: {  	_ =	shalt  }
0x72: {  	_ =	shalt  }
0x73: {  	_ =	shalt  }
0x74: {  	_ =	shalt  }
0x75: {  	_ =	shalt  }
0x76: {  	_ =	shalt  }
0x77: {  	_ =	shalt  }
0x78: {  	_ =	shalt  }
0x79: {  	_ =	shalt  }
0x7a: {  	_ =	shalt  }
0x7b: {  	_ =	shalt  }
0x7c: {  	_ =	shalt  }
0x7d: {  	_ =	shalt  }
0x7e: {  	_ =	shalt  }
0x7f: {  	_ =	shalt  }
0x80: {  	_ =	shalt  }
0x81: {  	_ =	shalt  }
0x82: {  	_ =	shalt  }
0x83: {  	_ =	shalt  }
0x84: {  	_ =	shalt  }
0x85: {  	_ =	shalt  }
0x86: {  	_ =	shalt  }
0x87: {  	_ =	shalt  }
.Lfunc_end0:
.L_simem_size_0:
called_computation_lowered:
.L_overlay_start_0:
0x88: {  	s2 =	sld [smem:$0x3FD9]  }
0x89: {  	s3 =	sld [smem:$0x3FFE];
	_ =	sdelay $0x1  }
0x8a: {  	s1 =	srdreg.scid  }
0x8b: {  	s0 =	sand.u32 $0x1, s1  }
0x8c: {  	s17 =	sshll.u32 s0, $0xA;
	s2 =	sadd.s32 s3, s2  }
0x8d: {  	s2 =	sadd.s32 s2, s17  }
0x8e: {  	[smem:$0x3FC4] =	sst s2  }
0x8f: {  	_ = 	snop  }
0x90: {  	s2 =	sld [smem:$0x3FD0];
	(tm) =	ssettm $0x1  }
0x91: {  	s18 =	sld [smem:$0x3FFB];
	_ =	sdelay $0x3  }
0x92: {  	_ =	strace s18  }
0x93: {  	s3 =	sld [smem:$0x3FFC];
	_ =	sdelay $0x3  }
0x94: {  	_ =	strace s3  }
0x95: {  	s3 =	sld [smem:$0x3FFD];
	_ =	sdelay $0x3  }
0x96: {  	_ =	strace s3  }
0x97: {  	_ =	strace $0x8FFFFFFF  }
0x98: {  	s19 =	sld [smem:$0x3FDB];
	_ =	sdelay $0x1  }
0x99: {  	s4 =	simm.s32 $_scs_section_size  }
0x9a: {  	s5 =	simm.s32 $_size__tile_overlayer_lowered;
	s6 =	simm.s32 $_tile_overlayer_lowered  }
0x9b: {  	s22 =	simm.s32 $0x1BFF;
	s21 =	sshll.u32 s6, $0x1;
	s3 =	sadd.s32 s4, s19  }
0x9c: {  	s7 =	simm.s32 $0x0;
	s20 =	sshll.u32 s5, $0x1;
	s5 =	sadd.s32 s21, s3  }
0x9d: {  	[timem:s7], [sflag:s22] =	dma.local [hbm:s5], s20  }
0x9e: {  	_ =	swait.ge [sflag:s22], s20  }
0x9f: {  	s4 =	ssub.s32 $0x0, s20;
	[sflag:s22] =	ssyncset.done $0x0  }
0xa0: {  	[sflag:s22] =	ssyncadd.s32 s4;
	_ =	sdelay $0x1  }
0xa1: {  	s23 =	simm.s32 $0x1B8B  }
0xa2: {  	_ =	swait.ge [sflag:s23], $0x1  }
0xa3: {  	[sflag:s23] =	ssyncset.done $0x0  }
0xa4: {  	s25 =	simm.s32 $0x1B8E;
	s24 =	sld [smem:$0x3FFE];
	[sflag:s23] =	ssyncadd.s32 $0xFFFFFFFF  }
0xa5: {  	s26 =	simm.s32 $execute0_lowered;
	[smem:$0x3FD2] =	sst s25  }
0xa6: {  	s5 =	sshll.u32 s26, $0x1;
	_ =	strace $0x80000046;
	[dreg:$0x1] =	wrdreg $0xFFFFFFFF  }
0xa7: {  	s28 =	simm.s32 $_size_execute0_lowered;
	s3 =	sadd.s32 s3, s5;
	[dreg:$0x0] =	wrdreg $0x0  }
0xa8: {  	s5 =	sshll.u32 s28, $0x1;
	[dreg:$0x2] =	wrdreg s3  }
0xa9: {  	[dreg:$0x3] =	wrdreg s5  }
0xaa: {  	[dreg:$0x4] =	wrdreg $0xC0  }
0xab: {  	_ =	task [dreg:s7], $0x5FFFF  }
0xac: {  	[dreg:$0x1] =	wrdreg $0xFFFFFFFF  }
0xad: {  	[dreg:$0x0] =	wrdreg $0x60  }
0xae: {  	[dreg:$0x2] =	wrdreg s24  }
0xaf: {  	[dreg:$0x3] =	wrdreg s2  }
0xb0: {  	[dreg:$0x4] =	wrdreg $0x0  }
0xb1: {  	[dreg:$0x5] =	wrdreg $0x9  }
0xb2: {  	_ =	task.clear_ibuf [dreg:s7], $0x6FFFF;
	_ =	strace $0x90000046  }
0xb3: {  	s29 =	simm.s32 $0x9;
	_ =	strace $0x80000048  }
0xb4: {  	_ =	swait.ge [sflag:s29], $0x1  }
0xb5: {  	[sflag:s29] =	ssyncadd.s32 $0xFFFFFFFF  }
0xb6: {  	_ =	strace $0x90000048  }
0xb7: {  	_ =	sfence  }
0xb8: {  	s30 =	sld [smem:$0x0];
	_ =	sdelay $0x2  }
0xb9: {  	s31 =	sshll.u32 s1, $0xD;
	s1 =	sshrl.u32 s1, $0x2  }
0xba: {  	s3 =	sand.u32 $0x4000, s31;
	s1 =	sadd.s32 s1, s30  }
0xbb: {  	s0 =	sor.u32 s3, s0;
	s1 =	sshll.u32 s1, $0x11  }
0xbc: {  	s0 =	sor.u32 s1, s0  }
0xbd: {  	s0 =	sadd.s32 $0x8F2B, s0  }
0xbe: {  	[sflag:s0] =	ssyncadd.remote.s32 $0x1  }
0xbf: {  	_ =	sfence.sel $0xFFFF  }
0xc0: {  	[dreg:$0x0] =	wrdreg $0xFFFFFFFF;
	(pc) =	sbr.abs _section_cstart, $3  }
0xc1: {  	[dreg:$0x1] =	wrdreg $0xFFFFFFFF  }
0xc2: {  	_ =	task.clear_ibuf [dreg:s7], $0x2FFFF;
	_ =	strace $0x9FFFFFFF  }
0xc3: {  	(tm) =	ssettm $0x7FFFFFFF  }
tec
execute0_lowered:
.L_overlay_start_1:
0x0: {  	(tag) =	ssettag $0x1  }
0x1: {  	s5 =	rddreg [dreg:$0x0]  }
0x2: {  	s9 =	rddreg [dreg:$0x1]  }
0x3: {  	s0 =	srdreg.scid;
	s2 =	rddreg [dreg:$0x2]  }
0x4: {  	s1 =	stileid.u32;
	s3 =	simm.s32 $0x0;
	s14 =	simm.s32 $0x50  }
0x5: {  	s15 =	simm.s32 $0x1;
	s6 =	sand.u32 $0x1, s0;
	s0 =	rddreg [dreg:$0x3]  }
0x6: {  	s16 =	simm.s32 $0x29E0;
	s19 =	simm.s32 $0x0;
	[smem:$0x7FF] =	sst s3  }
0x7: {  	s8 =	smul.u32 $0xA00, s1;
	s30 =	sshll.u32 s1, $0x6;
	s31 =	sshll.u32 s1, $0xA  }
0x8: {  	s18 =	sshll.u32 s1, $0x7;
	p0 =	sgt.u32 s1, $0x9;
	s4 =	sshll.u32 s6, $0x4  }
0x9: {  	_ =	strace $0x80000047;
	s7 =	ssub.s32 $0x2, s6;
	s13 =	smul.u32 $0x500, s6  }
0xa: {  	s6 =	sor.u32 $0x1C02, s30;
	s4 =	sor.u32 s1, s4;
	s11 =	sshrl.u32 s7, $0x1  }
0xb: {  	s29 =	sshrl.u32 s8, $0x2;
	s8 =	sadd.s32 s31, s2;
	s4 =	smul.u32 $0x4E2, s4  }
.Ltmp0:
0xc: {  	s11 =	ssub.s32 s7, s11;
	s12 =	sadd.s32 s29, s2;
	(pc) =	sbr.rel .LBB2_1-.Ltmp0, $4  }
0xd: {  	s17 =	sadd.s32 s9, s13;
	s13 =	simm.s32 $0x2990;
	s9 =	smax.u32 s11, $0x1  }
0xe: {  	s11 =	simm.s32 $0x2;
	s17 =	sadd.s32 s18, s17;
	s18 =	simm.s32 $0x2DE0  }
0xf: {  	s10 =	sadd.s32 s4, s5;
	s4 =	sadd.s32 $0x14A00, s5;
	s5 =	sadd.s32 $0x14C00, s5  }
0x10: {  	s7 =	sadd.s32 $0xAC00, s10;
	s10 =	sshrl.u32 s12, $0x3;
	s12 =	simm.s32 $0x280  }
.LBB2_7:
0x11: {  	s19 =	sadd.s32 $0x1, s19  }
0x12: {  	p1 =	sne.s32 s19, s9  }
.Ltmp1:
0x13: {  	_ = 	snop;
	(pc) =	sbr.rel @!p1 .LBB2_8-.Ltmp1, $1  }
0x14: {  	_ =	sdelay $0x3  }
.LBB2_1:
0x15: {  	[spmem:s10], [sflag:s6] =	dma.local [hbm:s5], $0x50  }
0x16: {  	_ =	swait.ge [sflag:s11], $0x50  }
0x17: {  	[sflag:s11] =	ssyncset.done $0x0  }
0x18: {  	[sflag:s11] =	ssyncadd.s32 $0xFFFFFFB0  }
0x19: {  	[tilespmem:s12], [sflag:$0x2] =	stream.linear.gather [hbm4b:s7+s3], $0x2710, $0x38;
	[tilespmem:$0x31E0] =	vst v63  }
0x1a: {  	_ =	swait.ge [sflag:s11], $0x2710  }
0x1b: {  	[sflag:s11] =	ssyncset.done $0x0  }
0x1c: {  	[sflag:s11] =	ssyncadd.s32 $0xFFFFD8F0  }
0x1d: {  	[tilespmem:s13], [sflag:$0x2] =	stream.linear.gather [hbm4b:s4+s3], $0x50, $0x38;
	[tilespmem:$0x31E0] =	vst v63  }
0x1e: {  	_ =	swait.ge [sflag:s11], $0x50  }
0x1f: {  	[sflag:s11] =	ssyncset.done $0x0  }
0x20: {  	[sflag:s11] =	ssyncadd.s32 $0xFFFFFFB0  }
0x21: {  	s20 =	simm.s32 $0x0;
	[bflag:$0x0] =	sbarrier.arrive $0xFFFF  }
.LBB2_2:
0x22: {  	p1 =	sne.s32 s20, $0x9B00  }
.Ltmp2:
0x23: {  	_ = 	snop;
	(pc) =	sbr.rel @p1 .LBB2_2-.Ltmp2, $4  }
0x24: {  	_ = 	snop  }
0x25: {  	s21 =	sshra.s32 s20, $0x2  }
0x26: {  	s20 =	sadd.s32 $0x140, s20;
	s21 =	sadd.s32 $0x280, s21  }
0x27: {  	[spmem:s2] =	stream.indirect.scatter.add.f32 [tilespmem:s13], [sflag:$0x1], $0x1, s21, s14, $0xb8;
	[tilespmem:$0x31E0] =	vst v63  }
0x28: {  	_ =	swait.ge [sflag:s15], $0x50  }
0x29: {  	s20 =	simm.s32 $0x7C;
	[sflag:s15] =	ssyncset.done $0x0  }
.LBB2_4:
0x2a: {  	p1 =	sne.s32 s20, $0x1;
	s20 =	sadd.s32 $0xFFFFFFFF, s20;
	[sflag:s15] =	ssyncadd.s32 $0xFFFFFFB0  }
.Ltmp3:
0x2b: {  	(pc) =	sbr.rel @p1 .LBB2_4-.Ltmp3, $3  }
0x2c: {  	_ =	sdelay $0x1  }
0x2d: {  	_ =	swait.ge [sflag:s15], $0x50  }
0x2e: {  	[sflag:s15] =	ssyncset.done $0x0  }
.Ltmp4:
0x2f: {  	(pc) =	sbr.rel @p0 .LBB2_7-.Ltmp4, $3  }
0x30: {  	_ = 	snop  }
0x31: {  	[sflag:s15] =	ssyncadd.s32 $0xFFFFFFB0  }
0x32: {  	[bflag:$0x0] =	sbarrier.arrive $0xFFFF;
	_ =	sdelay $0x1  }
0x33: {  	[tilespmem:s16], [sflag:$0x2] =	stream.linear.gather [spmem:s8], $0x400, $0x38;
	[tilespmem:$0x31E0] =	vst v63  }
0x34: {  	_ =	swait.ge [sflag:s11], $0x400  }
0x35: {  	[sflag:s11] =	ssyncset.done $0x0  }
0x36: {  	[sflag:s11] =	ssyncadd.s32 $0xFFFFFC00  }
0x37: {  	v0 =	vld [tilespmem:$0x29E0]  }
0x38: {  	v1 =	vld [tilespmem:$0x29F0]  }
0x39: {  	v2 =	vld [tilespmem:$0x2A00]  }
0x3a: {  	v3 =	vld [tilespmem:$0x2A10]  }
0x3b: {  	v4 =	vld [tilespmem:$0x2A20]  }
0x3c: {  	v61 =	vld [tilespmem:$0x2A30];
	[tilespmem:$0x2DE0] =	vst v0  }
0x3d: {  	v62 =	vld [tilespmem:$0x2A40];
	[tilespmem:$0x2DF0] =	vst v1  }
0x3e: {  	v63 =	vld [tilespmem:$0x2A50];
	[tilespmem:$0x2E00] =	vst v2  }
0x3f: {  	v8 =	vld [tilespmem:$0x2A60];
	[tilespmem:$0x2E10] =	vst v3  }
0x40: {  	v9 =	vld [tilespmem:$0x2A70];
	[tilespmem:$0x2E20] =	vst v4  }
0x41: {  	v10 =	vld [tilespmem:$0x2A80];
	[tilespmem:$0x2E30] =	vst v61  }
0x42: {  	v11 =	vld [tilespmem:$0x2A90];
	[tilespmem:$0x2E40] =	vst v62  }
0x43: {  	v12 =	vld [tilespmem:$0x2AA0];
	[tilespmem:$0x2E50] =	vst v63  }
0x44: {  	v13 =	vld [tilespmem:$0x2AB0];
	[tilespmem:$0x2E60] =	vst v8  }
0x45: {  	v14 =	vld [tilespmem:$0x2AC0];
	[tilespmem:$0x2E70] =	vst v9  }
0x46: {  	v15 =	vld [tilespmem:$0x2AD0];
	[tilespmem:$0x2E80] =	vst v10  }
0x47: {  	v16 =	vld [tilespmem:$0x2AE0];
	[tilespmem:$0x2E90] =	vst v11  }
0x48: {  	v17 =	vld [tilespmem:$0x2AF0];
	[tilespmem:$0x2EA0] =	vst v12  }
0x49: {  	v18 =	vld [tilespmem:$0x2B00];
	[tilespmem:$0x2EB0] =	vst v13  }
0x4a: {  	v19 =	vld [tilespmem:$0x2B10];
	[tilespmem:$0x2EC0] =	vst v14  }
0x4b: {  	v20 =	vld [tilespmem:$0x2B20];
	[tilespmem:$0x2ED0] =	vst v15  }
0x4c: {  	v21 =	vld [tilespmem:$0x2B30];
	[tilespmem:$0x2EE0] =	vst v16  }
0x4d: {  	v22 =	vld [tilespmem:$0x2B40];
	[tilespmem:$0x2EF0] =	vst v17  }
0x4e: {  	v23 =	vld [tilespmem:$0x2B50];
	[tilespmem:$0x2F00] =	vst v18  }
0x4f: {  	v24 =	vld [tilespmem:$0x2B60];
	[tilespmem:$0x2F10] =	vst v19  }
0x50: {  	v25 =	vld [tilespmem:$0x2B70];
	[tilespmem:$0x2F20] =	vst v20  }
0x51: {  	v26 =	vld [tilespmem:$0x2B80];
	[tilespmem:$0x2F30] =	vst v21  }
0x52: {  	v27 =	vld [tilespmem:$0x2B90];
	[tilespmem:$0x2F40] =	vst v22  }
0x53: {  	v28 =	vld [tilespmem:$0x2BA0];
	[tilespmem:$0x2F50] =	vst v23  }
0x54: {  	v29 =	vld [tilespmem:$0x2BB0];
	[tilespmem:$0x2F60] =	vst v24  }
0x55: {  	v30 =	vld [tilespmem:$0x2BC0];
	[tilespmem:$0x2F70] =	vst v25  }
0x56: {  	v31 =	vld [tilespmem:$0x2BD0];
	[tilespmem:$0x2F80] =	vst v26  }
0x57: {  	v32 =	vld [tilespmem:$0x2BE0];
	[tilespmem:$0x2F90] =	vst v27  }
0x58: {  	v33 =	vld [tilespmem:$0x2BF0];
	[tilespmem:$0x2FA0] =	vst v28  }
0x59: {  	v34 =	vld [tilespmem:$0x2C00];
	[tilespmem:$0x2FB0] =	vst v29  }
0x5a: {  	v35 =	vld [tilespmem:$0x2C10];
	[tilespmem:$0x2FC0] =	vst v30  }
0x5b: {  	v36 =	vld [tilespmem:$0x2C20];
	[tilespmem:$0x2FD0] =	vst v31  }
0x5c: {  	v37 =	vld [tilespmem:$0x2C30];
	[tilespmem:$0x2FE0] =	vst v32  }
0x5d: {  	v38 =	vld [tilespmem:$0x2C40];
	[tilespmem:$0x2FF0] =	vst v33  }
0x5e: {  	v39 =	vld [tilespmem:$0x2C50];
	[tilespmem:$0x3000] =	vst v34  }
0x5f: {  	v40 =	vld [tilespmem:$0x2C60];
	[tilespmem:$0x3010] =	vst v35  }
0x60: {  	v41 =	vld [tilespmem:$0x2C70];
	[tilespmem:$0x3020] =	vst v36  }
0x61: {  	v42 =	vld [tilespmem:$0x2C80];
	[tilespmem:$0x3030] =	vst v37  }
0x62: {  	v43 =	vld [tilespmem:$0x2C90];
	[tilespmem:$0x3040] =	vst v38  }
0x63: {  	v44 =	vld [tilespmem:$0x2CA0];
	[tilespmem:$0x3050] =	vst v39  }
0x64: {  	v45 =	vld [tilespmem:$0x2CB0];
	[tilespmem:$0x3060] =	vst v40  }
0x65: {  	v46 =	vld [tilespmem:$0x2CC0];
	[tilespmem:$0x3070] =	vst v41  }
0x66: {  	v47 =	vld [tilespmem:$0x2CD0];
	[tilespmem:$0x3080] =	vst v42  }
0x67: {  	v48 =	vld [tilespmem:$0x2CE0];
	[tilespmem:$0x3090] =	vst v43  }
0x68: {  	v49 =	vld [tilespmem:$0x2CF0];
	[tilespmem:$0x30A0] =	vst v44  }
0x69: {  	v50 =	vld [tilespmem:$0x2D00];
	[tilespmem:$0x30B0] =	vst v45  }
0x6a: {  	v51 =	vld [tilespmem:$0x2D10];
	[tilespmem:$0x30C0] =	vst v46  }
0x6b: {  	v52 =	vld [tilespmem:$0x2D20];
	[tilespmem:$0x30D0] =	vst v47  }
0x6c: {  	v53 =	vld [tilespmem:$0x2D30];
	[tilespmem:$0x30E0] =	vst v48  }
0x6d: {  	v54 =	vld [tilespmem:$0x2D40];
	[tilespmem:$0x30F0] =	vst v49  }
0x6e: {  	v55 =	vld [tilespmem:$0x2D50];
	[tilespmem:$0x3100] =	vst v50  }
0x6f: {  	v56 =	vld [tilespmem:$0x2D60];
	[tilespmem:$0x3110] =	vst v51  }
0x70: {  	v57 =	vld [tilespmem:$0x2D70];
	[tilespmem:$0x3120] =	vst v52  }
0x71: {  	v58 =	vld [tilespmem:$0x2D80];
	[tilespmem:$0x3130] =	vst v53  }
0x72: {  	v59 =	vld [tilespmem:$0x2D90];
	[tilespmem:$0x3140] =	vst v54  }
0x73: {  	v60 =	vld [tilespmem:$0x2DA0];
	[tilespmem:$0x3150] =	vst v55  }
0x74: {  	[tilespmem:$0x3160] =	vst v56;
	v61 =	vld [tilespmem:$0x2DB0]  }
0x75: {  	[tilespmem:$0x3170] =	vst v57;
	v62 =	vld [tilespmem:$0x2DC0]  }
0x76: {  	[tilespmem:$0x3180] =	vst v58;
	v63 =	vld [tilespmem:$0x2DD0]  }
0x77: {  	[tilespmem:$0x3190] =	vst v59  }
0x78: {  	[tilespmem:$0x31A0] =	vst v60  }
0x79: {  	[tilespmem:$0x31B0] =	vst v61  }
0x7a: {  	[tilespmem:$0x31C0] =	vst v62  }
.Ltmp5:
0x7b: {  	[tilespmem:$0x31D0] =	vst v63;
	(pc) =	sbr.rel .LBB2_7-.Ltmp5, $4  }
0x7c: {  	[hbm4b:s17+s3] =	stream.linear.scatter [tilespmem:s18], [sflag:$0x2], $0x400, $0x38;
	[tilespmem:$0x31E0] =	vst v63  }
0x7d: {  	_ =	swait.ge [sflag:s11], $0x400  }
0x7e: {  	[sflag:s11] =	ssyncset.done $0x0  }
0x7f: {  	[sflag:s11] =	ssyncadd.s32 $0xFFFFFC00  }
.LBB2_8:
0x80: {  	_ =	sfence.sel $0x180000  }
0x81: {  	[bflag:$0x0] =	sbarrier.arrive $0xFFFF  }
0x82: {  	p0 =	sne.s32 s1, $0x0;
	_ =	strace $0x90000047  }
0x83: {  	s0 =	sadd.s32 @!p0 $0x100000, s0;
	[bflag:$0x2] =	sbarrier.arrive $0xFFFF  }
0x84: {  	[sflag:s0] =	ssyncadd.tile.s32 @!p0 $0x1;
	_ =	shalt  }
.Lfunc_end2:
_tile_overlayer_lowered:
.L_overlay_start_2:
0x85: {  	(tag) =	ssettag $0x2  }
0x86: {  	s0 =	rddreg [dreg:$0x0];
	s2 =	stileid.u32  }
0x87: {  	s1 =	rddreg [dreg:$0x1];
	p0 =	sne.s32 s2, $0x0  }
0x88: {  	s3 =	rddreg [dreg:$0x2];
	[bflag:$0x3] =	sbarrier.arrive $0xFFFF;
	s2 =	simm.s32 @!p0 $0x1C02  }
0x89: {  	[timem:s3], [sflag:s2] =	dma.local @!p0 [hbm:s0], s1  }
0x8a: {  	s0 =	simm.s32 @!p0 $0x2  }
0x8b: {  	_ =	swait.ge @!p0 [sflag:s0], s1  }
0x8c: {  	s1 =	ssub.s32 @!p0 $0x0, s1;
	[sflag:s0] =	ssyncset.done @!p0 $0x0  }
0x8d: {  	[sflag:s0] =	ssyncadd.s32 @!p0 s1  }
0x8e: {  	[bflag:$0x3] =	sbarrier.arrive $0xFFFF  }
0x8f: {  	_ =	shalt  }

// kernel: kernel.9.cloned.1.call-start
scs
__scs_entry_jumppad:
0x0: {  	(pc) =	sbr.rel $0x88, $3  }
0x1: {  	(tag) =	ssettag $0x0;
	lr =	simm.s32 $0x1  }
0x2: {  	[smem:$0x3F9D] =	sst lr;
	_ =	strace $0xD0000000  }
0x3: {  	_ = 	snop  }
0x4: {  	_ = 	snop  }
0x5: {  	_ = 	snop  }
0x6: {  	_ = 	snop  }
0x7: {  	_ = 	snop  }
__scs_overlays_trampoline_lowered:
0x8: {  	[smem:$0x3FAC] =	sst s0  }
0x9: {  	[smem:$0x3FAD] =	sst s1  }
0xa: {  	[smem:$0x3FAE] =	sst s2  }
0xb: {  	[smem:$0x3FAF] =	sst s3  }
0xc: {  	[smem:$0x3FB0] =	sst s4  }
0xd: {  	[smem:$0x3FB1] =	sst s5  }
0xe: {  	[smem:$0x3FB2] =	sst s6  }
0xf: {  	[smem:$0x3FB3] =	sst s7  }
0x10: {  	[smem:$0x3FB4] =	sst s8  }
0x11: {  	[smem:$0x3FB5] =	sst s9;
	s0 =	simm.s32 @!p0 $0x0  }
0x12: {  	s1 =	sld [smem:$0x3F9B];
	s0 =	simm.s32 @p0 $0x1  }
0x13: {  	[smem:$0x3FB6] =	sst s0;
	s0 =	simm.s32 @!p1 $0x0  }
0x14: {  	s2 =	sld [smem:$0x3F9A];
	s0 =	simm.s32 @p1 $0x1  }
0x15: {  	[smem:$0x3FB7] =	sst s0;
	s0 =	simm.s32 @!p2 $0x0  }
0x16: {  	s3 =	sld [smem:$0x3FDB];
	s0 =	simm.s32 @p2 $0x1  }
0x17: {  	s4 =	simm.s32 $0x1BF5;
	[smem:$0x3FB9] =	sst s0  }
0x18: {  	s0 =	sld [smem:$0x3F9C];
	_ =	swait.ge [sflag:s4], $0x0  }
0x19: {  	s7 =	sld [smem:$0x3F9D]  }
0x1a: {  	s8 =	sadd.s32 $0xFFFFE003, lr  }
0x1b: {  	s9 =	sadd.s32 $0xFFFFFEF7, lr;
	s5 =	simm.s32 $0xFFFFFFFF;
	p2 =	slt.u32 s8, $0xFFFFF086  }
0x1c: {  	p1 =	slt.u32 s9, $0xF7A;
	s5 =	simm.s32 @!p2 $0x0  }
0x1d: {  	s5 =	simm.s32 @p1 $0x1;
	p0 =	seq.s32 s7, s2  }
0x1e: {  	s7 =	smul.u32 @!p0 $0xF7A, s2;
	p2 =	seq.s32 @!p0 s5, $0x0  }
0x1f: {  	s9 =	smul.u32 $0xF7A, s1;
	s8 =	simm.s32 @!p0 $0x1BF5;
	p2 =	por !p2, p0  }
0x20: {  	[sflag:s8] =	ssyncset.s32 @!p0 $0xFFFFF086;
	s6 =	sadd.s32 @!p0 s3, s7;
	s7 =	simm.s32 @!p0 $0x108  }
0x21: {  	s3 =	sadd.s32 s3, s9;
	s6 =	sadd.s32 @!p0 $0x88, s6;
	s7 =	simm.s32 @p2 $0x1082  }
0x22: {  	[simem:s7], [sflag:s8] =	dma.local @!p0 [hbm:s6], $0xF7A  }
0x23: {  	s9 =	sor.u32 $0xD0000000, s2;
	s6 =	simm.s32 $0x108;
	_ =	swait.ge @!p0 [sflag:s8], $0x0  }
0x24: {  	s3 =	sadd.s32 $0x88, s3;
	s6 =	simm.s32 @!p1 $0x1082;
	[sflag:s4] =	ssyncset.s32 $0xFFFFF086  }
0x25: {  	[simem:s6], [sflag:s4] =	dma.local [hbm:s3], $0xF7A  }
0x26: {  	[smem:$0x3F9D] =	sst s1;
	(tag) =	ssettag s2;
	_ =	strace s9  }
0x27: {  	s1 =	sld [smem:$0x3FAD]  }
0x28: {  	s2 =	sld [smem:$0x3FAE]  }
0x29: {  	s4 =	sld [smem:$0x3FB0]  }
0x2a: {  	p0 =	seq.s32 s5, $0x0;
	s5 =	sld [smem:$0x3FB1]  }
0x2b: {  	s6 =	sld [smem:$0x3FB2]  }
0x2c: {  	s7 =	sld [smem:$0x3FB3]  }
0x2d: {  	s3 =	simm.s32 $0x108;
	s8 =	sld [smem:$0x3FB4]  }
0x2e: {  	s3 =	simm.s32 @!p0 $0x1082;
	s9 =	sld [smem:$0x3FB5]  }
0x2f: {  	lr =	sadd.s32 s0, s3;
	s0 =	sld [smem:$0x3FAC]  }
0x30: {  	s3 =	sld [smem:$0x3FAF]  }
0x31: {  	[smem:$0x3FB8] =	sst s10  }
0x32: {  	s10 =	sld [smem:$0x3FB6];
	_ =	sdelay $0x3  }
0x33: {  	p0 =	seq.s32 s10, $0x1;
	s10 =	sld [smem:$0x3FB8];
	_ =	sdelay $0x3  }
0x34: {  	[smem:$0x3FB8] =	sst s10  }
0x35: {  	s10 =	sld [smem:$0x3FB7];
	_ =	sdelay $0x3  }
0x36: {  	p1 =	seq.s32 s10, $0x1;
	s10 =	sld [smem:$0x3FB8];
	_ =	sdelay $0x3  }
0x37: {  	[smem:$0x3FB8] =	sst s10  }
0x38: {  	s10 =	sld [smem:$0x3FB9]  }
0x39: {  	_ = 	snop;
	(pc) =	sbr.ind lr, $3  }
0x3a: {  	_ = 	snop  }
0x3b: {  	_ = 	snop  }
0x3c: {  	p2 =	seq.s32 s10, $0x1;
	s10 =	sld [smem:$0x3FB8]  }
0x3d: {  	_ =	shalt  }
0x3e: {  	_ =	shalt  }
0x3f: {  	_ =	shalt  }
0x40: {  	_ =	shalt  }
0x41: {  	_ =	shalt  }
0x42: {  	_ =	shalt  }
0x43: {  	_ =	shalt  }
0x44: {  	_ =	shalt  }
0x45: {  	_ =	shalt  }
0x46: {  	_ =	shalt  }
0x47: {  	_ =	shalt  }
0x48: {  	_ =	shalt  }
0x49: {  	_ =	shalt  }
0x4a: {  	_ =	shalt  }
0x4b: {  	_ =	shalt  }
0x4c: {  	_ =	shalt  }
0x4d: {  	_ =	shalt  }
0x4e: {  	_ =	shalt  }
0x4f: {  	_ =	shalt  }
0x50: {  	_ =	shalt  }
0x51: {  	_ =	shalt  }
0x52: {  	_ =	shalt  }
0x53: {  	_ =	shalt  }
0x54: {  	_ =	shalt  }
0x55: {  	_ =	shalt  }
0x56: {  	_ =	shalt  }
0x57: {  	_ =	shalt  }
0x58: {  	_ =	shalt  }
0x59: {  	_ =	shalt  }
0x5a: {  	_ =	shalt  }
0x5b: {  	_ =	shalt  }
0x5c: {  	_ =	shalt  }
0x5d: {  	_ =	shalt  }
0x5e: {  	_ =	shalt  }
0x5f: {  	_ =	shalt  }
0x60: {  	_ =	shalt  }
0x61: {  	_ =	shalt  }
0x62: {  	_ =	shalt  }
0x63: {  	_ =	shalt  }
0x64: {  	_ =	shalt  }
0x65: {  	_ =	shalt  }
0x66: {  	_ =	shalt  }
0x67: {  	_ =	shalt  }
0x68: {  	_ =	shalt  }
0x69: {  	_ =	shalt  }
0x6a: {  	_ =	shalt  }
0x6b: {  	_ =	shalt  }
0x6c: {  	_ =	shalt  }
0x6d: {  	_ =	shalt  }
0x6e: {  	_ =	shalt  }
0x6f: {  	_ =	shalt  }
0x70: {  	_ =	shalt  }
0x71: {  	_ =	shalt  }
0x72: {  	_ =	shalt  }
0x73: {  	_ =	shalt  }
0x74: {  	_ =	shalt  }
0x75: {  	_ =	shalt  }
0x76: {  	_ =	shalt  }
0x77: {  	_ =	shalt  }
0x78: {  	_ =	shalt  }
0x79: {  	_ =	shalt  }
0x7a: {  	_ =	shalt  }
0x7b: {  	_ =	shalt  }
0x7c: {  	_ =	shalt  }
0x7d: {  	_ =	shalt  }
0x7e: {  	_ =	shalt  }
0x7f: {  	_ =	shalt  }
0x80: {  	_ =	shalt  }
0x81: {  	_ =	shalt  }
0x82: {  	_ =	shalt  }
0x83: {  	_ =	shalt  }
0x84: {  	_ =	shalt  }
0x85: {  	_ =	shalt  }
0x86: {  	_ =	shalt  }
0x87: {  	_ =	shalt  }
.Lfunc_end0:
.L_simem_size_0:
called_computation.1_lowered:
.L_overlay_start_0:
0x88: {  	s2 =	sld [smem:$0x3FD9]  }
0x89: {  	s3 =	sld [smem:$0x3FFE];
	_ =	sdelay $0x1  }
0x8a: {  	s1 =	srdreg.scid  }
0x8b: {  	s0 =	sand.u32 $0x1, s1  }
0x8c: {  	s17 =	sshll.u32 s0, $0xA;
	s2 =	sadd.s32 s3, s2  }
0x8d: {  	s2 =	sadd.s32 s2, s17  }
0x8e: {  	[smem:$0x3FC4] =	sst s2  }
0x8f: {  	_ = 	snop  }
0x90: {  	s2 =	sld [smem:$0x3FD0];
	(tm) =	ssettm $0x1  }
0x91: {  	s18 =	sld [smem:$0x3FFB];
	_ =	sdelay $0x3  }
0x92: {  	_ =	strace s18  }
0x93: {  	s3 =	sld [smem:$0x3FFC];
	_ =	sdelay $0x3  }
0x94: {  	_ =	strace s3  }
0x95: {  	s3 =	sld [smem:$0x3FFD];
	_ =	sdelay $0x3  }
0x96: {  	_ =	strace s3  }
0x97: {  	_ =	strace $0x8FFFFFFF  }
0x98: {  	s19 =	sld [smem:$0x3FDB];
	_ =	sdelay $0x1  }
0x99: {  	s4 =	simm.s32 $_scs_section_size  }
0x9a: {  	s5 =	simm.s32 $_size__tile_overlayer_lowered;
	s6 =	simm.s32 $_tile_overlayer_lowered  }
0x9b: {  	s22 =	simm.s32 $0x1BFF;
	s21 =	sshll.u32 s6, $0x1;
	s3 =	sadd.s32 s4, s19  }
0x9c: {  	s7 =	simm.s32 $0x0;
	s20 =	sshll.u32 s5, $0x1;
	s5 =	sadd.s32 s21, s3  }
0x9d: {  	[timem:s7], [sflag:s22] =	dma.local [hbm:s5], s20  }
0x9e: {  	_ =	swait.ge [sflag:s22], s20  }
0x9f: {  	s4 =	ssub.s32 $0x0, s20;
	[sflag:s22] =	ssyncset.done $0x0  }
0xa0: {  	[sflag:s22] =	ssyncadd.s32 s4;
	_ =	sdelay $0x1  }
0xa1: {  	s23 =	simm.s32 $0x1B8B  }
0xa2: {  	_ =	swait.ge [sflag:s23], $0x1  }
0xa3: {  	[sflag:s23] =	ssyncset.done $0x0  }
0xa4: {  	s25 =	simm.s32 $0x1B8E;
	s24 =	sld [smem:$0x3FFE];
	[sflag:s23] =	ssyncadd.s32 $0xFFFFFFFF  }
0xa5: {  	s26 =	simm.s32 $execute0_lowered;
	[smem:$0x3FD2] =	sst s25  }
0xa6: {  	s5 =	sshll.u32 s26, $0x1;
	_ =	strace $0x80000049;
	[dreg:$0x1] =	wrdreg $0xFFFFFFFF  }
0xa7: {  	s28 =	simm.s32 $_size_execute0_lowered;
	s3 =	sadd.s32 s3, s5;
	[dreg:$0x0] =	wrdreg $0x0  }
0xa8: {  	s5 =	sshll.u32 s28, $0x1;
	[dreg:$0x2] =	wrdreg s3  }
0xa9: {  	[dreg:$0x3] =	wrdreg s5  }
0xaa: {  	[dreg:$0x4] =	wrdreg $0xC0  }
0xab: {  	_ =	task [dreg:s7], $0x5FFFF  }
0xac: {  	[dreg:$0x1] =	wrdreg $0xFFFFFFFF  }
0xad: {  	[dreg:$0x0] =	wrdreg $0x60  }
0xae: {  	[dreg:$0x2] =	wrdreg s2  }
0xaf: {  	[dreg:$0x3] =	wrdreg s24  }
0xb0: {  	[dreg:$0x4] =	wrdreg $0x0  }
0xb1: {  	[dreg:$0x5] =	wrdreg $0x9  }
0xb2: {  	_ =	task.clear_ibuf [dreg:s7], $0x6FFFF;
	_ =	strace $0x90000049  }
0xb3: {  	s29 =	simm.s32 $0x9;
	_ =	strace $0x8000004B  }
0xb4: {  	_ =	swait.ge [sflag:s29], $0x1  }
0xb5: {  	[sflag:s29] =	ssyncadd.s32 $0xFFFFFFFF  }
0xb6: {  	_ =	strace $0x9000004B  }
0xb7: {  	_ =	sfence  }
0xb8: {  	s30 =	sld [smem:$0x0];
	_ =	sdelay $0x2  }
0xb9: {  	s31 =	sshll.u32 s1, $0xD;
	s1 =	sshrl.u32 s1, $0x2  }
0xba: {  	s3 =	sand.u32 $0x4000, s31;
	s1 =	sadd.s32 s1, s30  }
0xbb: {  	s0 =	sor.u32 s3, s0;
	s1 =	sshll.u32 s1, $0x11  }
0xbc: {  	s0 =	sor.u32 s1, s0  }
0xbd: {  	s0 =	sadd.s32 $0x8F2B, s0  }
0xbe: {  	[sflag:s0] =	ssyncadd.remote.s32 $0x1  }
0xbf: {  	_ =	sfence.sel $0xFFFF  }
0xc0: {  	[dreg:$0x0] =	wrdreg $0xFFFFFFFF;
	(pc) =	sbr.abs _section_cstart, $3  }
0xc1: {  	[dreg:$0x1] =	wrdreg $0xFFFFFFFF  }
0xc2: {  	_ =	task.clear_ibuf [dreg:s7], $0x2FFFF;
	_ =	strace $0x9FFFFFFF  }
0xc3: {  	(tm) =	ssettm $0x7FFFFFFF  }
tec
execute0_lowered:
.L_overlay_start_1:
0x0: {  	(tag) =	ssettag $0x1  }
0x1: {  	s0 =	rddreg [dreg:$0x0]  }
0x2: {  	s2 =	rddreg [dreg:$0x1]  }
0x3: {  	s1 =	srdreg.scid;
	s3 =	rddreg [dreg:$0x2]  }
0x4: {  	s7 =	stileid.u32;
	s4 =	simm.s32 $0x0;
	s11 =	simm.s32 $0x3  }
0x5: {  	s12 =	simm.s32 $0xA000;
	s14 =	simm.s32 $0x50;
	s15 =	simm.s32 $0xEE20  }
0x6: {  	s17 =	simm.s32 $0x10220;
	s19 =	simm.s32 $0x11620;
	s21 =	simm.s32 $0x12A20  }
0x7: {  	s23 =	simm.s32 $0x13E20;
	s28 =	simm.s32 $0x1;
	s29 =	simm.s32 $0x2  }
0x8: {  	s30 =	simm.s32 $0x16620;
	s20 =	simm.s32 $0xEC90;
	s22 =	simm.s32 $0xECE0  }
0x9: {  	s31 =	simm.s32 $0xED80;
	s1 =	sand.u32 $0x1, s1;
	[smem:$0x7FF] =	sst s4  }
0xa: {  	s9 =	smul.u32 $0x14000, s7;
	s5 =	sshll.u32 s1, $0x4;
	_ =	strace $0x8000004A  }
0xb: {  	s6 =	smul.u32 $0x14000, s1;
	s1 =	ssub.s32 $0x2, s1;
	s5 =	sor.u32 s7, s5  }
0xc: {  	s25 =	sshrl.u32 s1, $0x1;
	s26 =	sshrl.u32 s9, $0x1;
	s7 =	sshll.u32 s7, $0x6  }
0xd: {  	s13 =	sshrl.u32 s9, $0x4;
	s5 =	smul.u32 $0x4E2, s5;
	s1 =	ssub.s32 s1, s25  }
0xe: {  	s10 =	sadd.s32 s26, s3;
	s26 =	simm.s32 $0x15220;
	s25 =	simm.s32 $0xED30  }
0xf: {  	s9 =	smax.u32 s1, $0x1;
	s10 =	sshrl.u32 s10, $0x3;
	s1 =	simm.s32 $0xEDD0  }
0x10: {  	s8 =	sadd.s32 s5, s2;
	s5 =	sadd.s32 $0x14E00, s2;
	s2 =	sadd.s32 s6, s2  }
0x11: {  	s6 =	sor.u32 $0x1C03, s7;
	s7 =	sadd.s32 $0xAC00, s8;
	s2 =	sadd.s32 $0x16200, s2  }
0x12: {  	s8 =	sadd.s32 $0xE00, s8;
	s24 =	sadd.s32 s13, s2;
	s2 =	simm.s32 $0x0  }
.LBB2_1:
0x13: {  	[spmem:s10], [sflag:s6] =	dma.local [hbm:s5], $0x1400  }
0x14: {  	_ =	swait.ge [sflag:s11], $0x1400  }
0x15: {  	[sflag:s11] =	ssyncset.done $0x0  }
0x16: {  	[sflag:s11] =	ssyncadd.s32 $0xFFFFEC00  }
0x17: {  	[tilespmem:s12], [sflag:$0x3] =	stream.linear.gather [hbm4b:s7+s4], $0x2710, $0x38;
	[tilespmem:$0x17A20] =	vst v63  }
0x18: {  	_ =	swait.ge [sflag:s11], $0x2710  }
0x19: {  	[sflag:s11] =	ssyncset.done $0x0  }
0x1a: {  	s13 =	simm.s32 $0xC710;
	[sflag:s11] =	ssyncadd.s32 $0xFFFFD8F0  }
0x1b: {  	[tilespmem:s13], [sflag:$0x3] =	stream.linear.gather [hbm4b:s8+s4], $0x2710, $0x38;
	[tilespmem:$0x17A20] =	vst v63  }
0x1c: {  	_ =	swait.ge [sflag:s11], $0x2710  }
0x1d: {  	[sflag:s11] =	ssyncset.done $0x0  }
0x1e: {  	[sflag:s11] =	ssyncadd.s32 $0xFFFFD8F0  }
0x1f: {  	[bflag:$0x0] =	sbarrier.arrive $0xFFFF  }
0x20: {  	[tilespmem:s15], [sflag:$0x1] =	stream.indirect.gather [hbm4b:s0+s14], $0x40, s12, s14, $0xb8;
	[tilespmem:$0x17A20] =	vst v63  }
0x21: {  	s16 =	simm.s32 $0xA050  }
0x22: {  	[tilespmem:s17], [sflag:$0x1] =	stream.indirect.gather [hbm4b:s0+s14], $0x40, s16, s14, $0xb8;
	[tilespmem:$0x17A20] =	vst v63  }
0x23: {  	s18 =	simm.s32 $0xA0A0  }
0x24: {  	[tilespmem:s19], [sflag:$0x1] =	stream.indirect.gather [hbm4b:s0+s14], $0x40, s18, s14, $0xb8;
	[tilespmem:$0x17A20] =	vst v63  }
0x25: {  	s16 =	simm.s32 $0xA0F0  }
0x26: {  	[tilespmem:s21], [sflag:$0x1] =	stream.indirect.gather [hbm4b:s0+s14], $0x40, s16, s14, $0xb8;
	[tilespmem:$0x17A20] =	vst v63  }
0x27: {  	s18 =	simm.s32 $0xA140  }
0x28: {  	[tilespmem:s23], [sflag:$0x1] =	stream.indirect.gather [hbm4b:s0+s14], $0x40, s18, s14, $0xb8;
	[tilespmem:$0x17A20] =	vst v63  }
0x29: {  	s16 =	simm.s32 $0xA190  }
0x2a: {  	[tilespmem:s26], [sflag:$0x1] =	stream.indirect.gather [hbm4b:s0+s14], $0x40, s16, s14, $0xb8;
	[tilespmem:$0x17A20] =	vst v63  }
0x2b: {  	_ =	swait.ge [sflag:s28], $0x1400  }
0x2c: {  	[sflag:s28] =	ssyncset.done $0x0  }
0x2d: {  	s18 =	simm.s32 $0xC710;
	[sflag:s28] =	ssyncadd.s32 $0xFFFFEC00  }
0x2e: {  	[spmem:s3] =	stream.indirect.scatter.add.bf16 [tilespmem:s15], [sflag:$0x2], $0x40, s18, s14, $0xb8;
	[tilespmem:$0x17A20] =	vst v63  }
0x2f: {  	_ =	swait.ge [sflag:s29], $0x1400  }
0x30: {  	[sflag:s29] =	ssyncset.done $0x0  }
0x31: {  	s16 =	simm.s32 $0xA1E0;
	[sflag:s29] =	ssyncadd.s32 $0xFFFFEC00  }
0x32: {  	[tilespmem:s30], [sflag:$0x1] =	stream.indirect.gather [hbm4b:s0+s14], $0x40, s16, s14, $0xb8;
	[tilespmem:$0x17A20] =	vst v63  }
0x33: {  	_ =	swait.ge [sflag:s28], $0x1400  }
0x34: {  	[sflag:s28] =	ssyncset.done $0x0  }
0x35: {  	s18 =	simm.s32 $0xC760;
	[sflag:s28] =	ssyncadd.s32 $0xFFFFEC00  }
0x36: {  	[spmem:s3] =	stream.indirect.scatter.add.bf16 [tilespmem:s17], [sflag:$0x2], $0x40, s18, s14, $0xb8;
	[tilespmem:$0x17A20] =	vst v63  }
0x37: {  	_ =	swait.ge [sflag:s29], $0x1400  }
0x38: {  	[sflag:s29] =	ssyncset.done $0x0  }
0x39: {  	s16 =	simm.s32 $0xA230;
	[sflag:s29] =	ssyncadd.s32 $0xFFFFEC00  }
0x3a: {  	[tilespmem:s15], [sflag:$0x1] =	stream.indirect.gather [hbm4b:s0+s14], $0x40, s16, s14, $0xb8;
	[tilespmem:$0x17A20] =	vst v63  }
0x3b: {  	_ =	swait.ge [sflag:s28], $0x1400  }
0x3c: {  	[sflag:s28] =	ssyncset.done $0x0  }
0x3d: {  	s18 =	simm.s32 $0xC7B0;
	[sflag:s28] =	ssyncadd.s32 $0xFFFFEC00  }
0x3e: {  	[spmem:s3] =	stream.indirect.scatter.add.bf16 [tilespmem:s19], [sflag:$0x2], $0x40, s18, s14, $0xb8;
	[tilespmem:$0x17A20] =	vst v63  }
0x3f: {  	_ =	swait.ge [sflag:s29], $0x1400  }
0x40: {  	[sflag:s29] =	ssyncset.done $0x0  }
0x41: {  	s16 =	simm.s32 $0xA280;
	[sflag:s29] =	ssyncadd.s32 $0xFFFFEC00  }
0x42: {  	[tilespmem:s17], [sflag:$0x1] =	stream.indirect.gather [hbm4b:s0+s14], $0x40, s16, s14, $0xb8;
	[tilespmem:$0x17A20] =	vst v63  }
0x43: {  	_ =	swait.ge [sflag:s28], $0x1400  }
0x44: {  	[sflag:s28] =	ssyncset.done $0x0  }
0x45: {  	s18 =	simm.s32 $0xC800;
	[sflag:s28] =	ssyncadd.s32 $0xFFFFEC00  }
0x46: {  	[spmem:s3] =	stream.indirect.scatter.add.bf16 [tilespmem:s21], [sflag:$0x2], $0x40, s18, s14, $0xb8;
	[tilespmem:$0x17A20] =	vst v63  }
0x47: {  	_ =	swait.ge [sflag:s29], $0x1400  }
0x48: {  	[sflag:s29] =	ssyncset.done $0x0  }
0x49: {  	s16 =	simm.s32 $0xA2D0;
	[sflag:s29] =	ssyncadd.s32 $0xFFFFEC00  }
0x4a: {  	[tilespmem:s19], [sflag:$0x1] =	stream.indirect.gather [hbm4b:s0+s14], $0x40, s16, s14, $0xb8;
	[tilespmem:$0x17A20] =	vst v63  }
0x4b: {  	_ =	swait.ge [sflag:s28], $0x1400  }
0x4c: {  	[sflag:s28] =	ssyncset.done $0x0  }
0x4d: {  	s18 =	simm.s32 $0xC850;
	[sflag:s28] =	ssyncadd.s32 $0xFFFFEC00  }
0x4e: {  	[spmem:s3] =	stream.indirect.scatter.add.bf16 [tilespmem:s23], [sflag:$0x2], $0x40, s18, s14, $0xb8;
	[tilespmem:$0x17A20] =	vst v63  }
0x4f: {  	_ =	swait.ge [sflag:s29], $0x1400  }
0x50: {  	[sflag:s29] =	ssyncset.done $0x0  }
0x51: {  	s16 =	simm.s32 $0xA320;
	[sflag:s29] =	ssyncadd.s32 $0xFFFFEC00  }
0x52: {  	[tilespmem:s21], [sflag:$0x1] =	stream.indirect.gather [hbm4b:s0+s14], $0x40, s16, s14, $0xb8;
	[tilespmem:$0x17A20] =	vst v63  }
0x53: {  	_ =	swait.ge [sflag:s28], $0x1400  }
0x54: {  	[sflag:s28] =	ssyncset.done $0x0  }
0x55: {  	s18 =	simm.s32 $0xC8A0;
	[sflag:s28] =	ssyncadd.s32 $0xFFFFEC00  }
0x56: {  	[spmem:s3] =	stream.indirect.scatter.add.bf16 [tilespmem:s26], [sflag:$0x2], $0x40, s18, s14, $0xb8;
	[tilespmem:$0x17A20] =	vst v63  }
0x57: {  	_ =	swait.ge [sflag:s29], $0x1400  }
0x58: {  	[sflag:s29] =	ssyncset.done $0x0  }
0x59: {  	s16 =	simm.s32 $0xA370;
	[sflag:s29] =	ssyncadd.s32 $0xFFFFEC00  }
0x5a: {  	[tilespmem:s23], [sflag:$0x1] =	stream.indirect.gather [hbm4b:s0+s14], $0x40, s16, s14, $0xb8;
	[tilespmem:$0x17A20] =	vst v63  }
0x5b: {  	_ =	swait.ge [sflag:s28], $0x1400  }
0x5c: {  	[sflag:s28] =	ssyncset.done $0x0  }
0x5d: {  	s18 =	simm.s32 $0xC8F0;
	[sflag:s28] =	ssyncadd.s32 $0xFFFFEC00  }
0x5e: {  	[spmem:s3] =	stream.indirect.scatter.add.bf16 [tilespmem:s30], [sflag:$0x2], $0x40, s18, s14, $0xb8;
	[tilespmem:$0x17A20] =	vst v63  }
0x5f: {  	_ =	swait.ge [sflag:s29], $0x1400  }
0x60: {  	[sflag:s29] =	ssyncset.done $0x0  }
0x61: {  	s13 =	simm.s32 $0x8C0;
	s16 =	simm.s32 $0xA3C0;
	[sflag:s29] =	ssyncadd.s32 $0xFFFFEC00  }
.LBB2_2:
0x62: {  	[tilespmem:s26], [sflag:$0x1] =	stream.indirect.gather [hbm4b:s0+s14], $0x40, s16, s14, $0xb8;
	[tilespmem:$0x17A20] =	vst v63  }
0x63: {  	s16 =	smov.u32 s13  }
0x64: {  	p0 =	sne.s32 s13, $0x8340;
	s13 =	sadd.s32 $0x8C0, s13;
	_ =	swait.ge [sflag:s28], $0x1400  }
0x65: {  	s16 =	sshra.s32 s16, $0x2;
	[sflag:s28] =	ssyncset.done $0x0  }
0x66: {  	s18 =	sadd.s32 $0xC710, s16;
	[sflag:s28] =	ssyncadd.s32 $0xFFFFEC00  }
0x67: {  	[spmem:s3] =	stream.indirect.scatter.add.bf16 [tilespmem:s15], [sflag:$0x2], $0x40, s18, s14, $0xb8;
	[tilespmem:$0x17A20] =	vst v63  }
0x68: {  	_ =	swait.ge [sflag:s29], $0x1400  }
0x69: {  	[sflag:s29] =	ssyncset.done $0x0  }
0x6a: {  	s18 =	sadd.s32 $0xA1E0, s16;
	[sflag:s29] =	ssyncadd.s32 $0xFFFFEC00  }
0x6b: {  	[tilespmem:s30], [sflag:$0x1] =	stream.indirect.gather [hbm4b:s0+s14], $0x40, s18, s14, $0xb8;
	[tilespmem:$0x17A20] =	vst v63  }
0x6c: {  	_ =	swait.ge [sflag:s28], $0x1400  }
0x6d: {  	[sflag:s28] =	ssyncset.done $0x0  }
0x6e: {  	s18 =	sadd.s32 $0xC760, s16;
	[sflag:s28] =	ssyncadd.s32 $0xFFFFEC00  }
0x6f: {  	[spmem:s3] =	stream.indirect.scatter.add.bf16 [tilespmem:s17], [sflag:$0x2], $0x40, s18, s14, $0xb8;
	[tilespmem:$0x17A20] =	vst v63  }
0x70: {  	_ =	swait.ge [sflag:s29], $0x1400  }
0x71: {  	[sflag:s29] =	ssyncset.done $0x0  }
0x72: {  	s18 =	sadd.s32 $0xA230, s16;
	[sflag:s29] =	ssyncadd.s32 $0xFFFFEC00  }
0x73: {  	[tilespmem:s15], [sflag:$0x1] =	stream.indirect.gather [hbm4b:s0+s14], $0x40, s18, s14, $0xb8;
	[tilespmem:$0x17A20] =	vst v63  }
0x74: {  	_ =	swait.ge [sflag:s28], $0x1400  }
0x75: {  	[sflag:s28] =	ssyncset.done $0x0  }
0x76: {  	s18 =	sadd.s32 $0xC7B0, s16;
	[sflag:s28] =	ssyncadd.s32 $0xFFFFEC00  }
0x77: {  	[spmem:s3] =	stream.indirect.scatter.add.bf16 [tilespmem:s19], [sflag:$0x2], $0x40, s18, s14, $0xb8;
	[tilespmem:$0x17A20] =	vst v63  }
0x78: {  	_ =	swait.ge [sflag:s29], $0x1400  }
0x79: {  	[sflag:s29] =	ssyncset.done $0x0  }
0x7a: {  	s18 =	sadd.s32 $0xA280, s16;
	[sflag:s29] =	ssyncadd.s32 $0xFFFFEC00  }
0x7b: {  	[tilespmem:s17], [sflag:$0x1] =	stream.indirect.gather [hbm4b:s0+s14], $0x40, s18, s14, $0xb8;
	[tilespmem:$0x17A20] =	vst v63  }
0x7c: {  	_ =	swait.ge [sflag:s28], $0x1400  }
0x7d: {  	[sflag:s28] =	ssyncset.done $0x0  }
0x7e: {  	s18 =	sadd.s32 $0xC800, s16;
	[sflag:s28] =	ssyncadd.s32 $0xFFFFEC00  }
0x7f: {  	[spmem:s3] =	stream.indirect.scatter.add.bf16 [tilespmem:s21], [sflag:$0x2], $0x40, s18, s14, $0xb8;
	[tilespmem:$0x17A20] =	vst v63  }
0x80: {  	_ =	swait.ge [sflag:s29], $0x1400  }
0x81: {  	[sflag:s29] =	ssyncset.done $0x0  }
0x82: {  	s18 =	sadd.s32 $0xA2D0, s16;
	[sflag:s29] =	ssyncadd.s32 $0xFFFFEC00  }
0x83: {  	[tilespmem:s19], [sflag:$0x1] =	stream.indirect.gather [hbm4b:s0+s14], $0x40, s18, s14, $0xb8;
	[tilespmem:$0x17A20] =	vst v63  }
0x84: {  	_ =	swait.ge [sflag:s28], $0x1400  }
0x85: {  	[sflag:s28] =	ssyncset.done $0x0  }
0x86: {  	s18 =	sadd.s32 $0xC850, s16;
	[sflag:s28] =	ssyncadd.s32 $0xFFFFEC00  }
0x87: {  	[spmem:s3] =	stream.indirect.scatter.add.bf16 [tilespmem:s23], [sflag:$0x2], $0x40, s18, s14, $0xb8;
	[tilespmem:$0x17A20] =	vst v63  }
0x88: {  	_ =	swait.ge [sflag:s29], $0x1400  }
0x89: {  	[sflag:s29] =	ssyncset.done $0x0  }
0x8a: {  	s18 =	sadd.s32 $0xA320, s16;
	[sflag:s29] =	ssyncadd.s32 $0xFFFFEC00  }
0x8b: {  	[tilespmem:s21], [sflag:$0x1] =	stream.indirect.gather [hbm4b:s0+s14], $0x40, s18, s14, $0xb8;
	[tilespmem:$0x17A20] =	vst v63  }
0x8c: {  	_ =	swait.ge [sflag:s28], $0x1400  }
0x8d: {  	[sflag:s28] =	ssyncset.done $0x0  }
0x8e: {  	s18 =	sadd.s32 $0xC8A0, s16;
	[sflag:s28] =	ssyncadd.s32 $0xFFFFEC00  }
0x8f: {  	[spmem:s3] =	stream.indirect.scatter.add.bf16 [tilespmem:s26], [sflag:$0x2], $0x40, s18, s14, $0xb8;
	[tilespmem:$0x17A20] =	vst v63  }
0x90: {  	_ =	swait.ge [sflag:s29], $0x1400  }
0x91: {  	[sflag:s29] =	ssyncset.done $0x0  }
0x92: {  	s18 =	sadd.s32 $0xA370, s16;
	[sflag:s29] =	ssyncadd.s32 $0xFFFFEC00  }
0x93: {  	[tilespmem:s23], [sflag:$0x1] =	stream.indirect.gather [hbm4b:s0+s14], $0x40, s18, s14, $0xb8;
	[tilespmem:$0x17A20] =	vst v63  }
0x94: {  	_ =	swait.ge [sflag:s28], $0x1400  }
0x95: {  	[sflag:s28] =	ssyncset.done $0x0  }
.Ltmp0:
0x96: {  	s18 =	sadd.s32 $0xC8F0, s16;
	[sflag:s28] =	ssyncadd.s32 $0xFFFFEC00;
	(pc) =	sbr.rel @p0 .LBB2_2-.Ltmp0, $4  }
0x97: {  	[spmem:s3] =	stream.indirect.scatter.add.bf16 [tilespmem:s30], [sflag:$0x2], $0x40, s18, s14, $0xb8;
	[tilespmem:$0x17A20] =	vst v63  }
0x98: {  	_ =	swait.ge [sflag:s29], $0x1400  }
0x99: {  	[sflag:s29] =	ssyncset.done $0x0  }
0x9a: {  	s16 =	sadd.s32 $0xA3C0, s16;
	[sflag:s29] =	ssyncadd.s32 $0xFFFFEC00  }
0x9b: {  	[tilespmem:s26], [sflag:$0x1] =	stream.indirect.gather [hbm4b:s0+s14], $0x40, s16, s14, $0xb8;
	[tilespmem:$0x17A20] =	vst v63  }
0x9c: {  	_ =	swait.ge [sflag:s28], $0x1400  }
0x9d: {  	[sflag:s28] =	ssyncset.done $0x0  }
0x9e: {  	s13 =	simm.s32 $0xEA10;
	[sflag:s28] =	ssyncadd.s32 $0xFFFFEC00  }
0x9f: {  	[spmem:s3] =	stream.indirect.scatter.add.bf16 [tilespmem:s15], [sflag:$0x2], $0x40, s13, s14, $0xb8;
	[tilespmem:$0x17A20] =	vst v63  }
0xa0: {  	_ =	swait.ge [sflag:s29], $0x1400  }
0xa1: {  	[sflag:s29] =	ssyncset.done $0x0  }
0xa2: {  	s16 =	simm.s32 $0xC4E0;
	[sflag:s29] =	ssyncadd.s32 $0xFFFFEC00  }
0xa3: {  	[tilespmem:s30], [sflag:$0x1] =	stream.indirect.gather [hbm4b:s0+s14], $0x40, s16, s14, $0xb8;
	[tilespmem:$0x17A20] =	vst v63  }
0xa4: {  	_ =	swait.ge [sflag:s28], $0x1400  }
0xa5: {  	[sflag:s28] =	ssyncset.done $0x0  }
0xa6: {  	s18 =	simm.s32 $0xEA60;
	[sflag:s28] =	ssyncadd.s32 $0xFFFFEC00  }
0xa7: {  	[spmem:s3] =	stream.indirect.scatter.add.bf16 [tilespmem:s17], [sflag:$0x2], $0x40, s18, s14, $0xb8;
	[tilespmem:$0x17A20] =	vst v63  }
0xa8: {  	_ =	swait.ge [sflag:s29], $0x1400  }
0xa9: {  	[sflag:s29] =	ssyncset.done $0x0  }
0xaa: {  	s16 =	simm.s32 $0xC530;
	[sflag:s29] =	ssyncadd.s32 $0xFFFFEC00  }
0xab: {  	[tilespmem:s15], [sflag:$0x1] =	stream.indirect.gather [hbm4b:s0+s14], $0x40, s16, s14, $0xb8;
	[tilespmem:$0x17A20] =	vst v63  }
0xac: {  	_ =	swait.ge [sflag:s28], $0x1400  }
0xad: {  	[sflag:s28] =	ssyncset.done $0x0  }
0xae: {  	s18 =	simm.s32 $0xEAB0;
	[sflag:s28] =	ssyncadd.s32 $0xFFFFEC00  }
0xaf: {  	[spmem:s3] =	stream.indirect.scatter.add.bf16 [tilespmem:s19], [sflag:$0x2], $0x40, s18, s14, $0xb8;
	[tilespmem:$0x17A20] =	vst v63  }
0xb0: {  	_ =	swait.ge [sflag:s29], $0x1400  }
0xb1: {  	[sflag:s29] =	ssyncset.done $0x0  }
0xb2: {  	s16 =	simm.s32 $0xC580;
	[sflag:s29] =	ssyncadd.s32 $0xFFFFEC00  }
0xb3: {  	[tilespmem:s17], [sflag:$0x1] =	stream.indirect.gather [hbm4b:s0+s14], $0x40, s16, s14, $0xb8;
	[tilespmem:$0x17A20] =	vst v63  }
0xb4: {  	_ =	swait.ge [sflag:s28], $0x1400  }
0xb5: {  	[sflag:s28] =	ssyncset.done $0x0  }
0xb6: {  	s18 =	simm.s32 $0xEB00;
	[sflag:s28] =	ssyncadd.s32 $0xFFFFEC00  }
0xb7: {  	[spmem:s3] =	stream.indirect.scatter.add.bf16 [tilespmem:s21], [sflag:$0x2], $0x40, s18, s14, $0xb8;
	[tilespmem:$0x17A20] =	vst v63  }
0xb8: {  	_ =	swait.ge [sflag:s29], $0x1400  }
0xb9: {  	[sflag:s29] =	ssyncset.done $0x0  }
0xba: {  	s16 =	simm.s32 $0xC5D0;
	[sflag:s29] =	ssyncadd.s32 $0xFFFFEC00  }
0xbb: {  	[tilespmem:s19], [sflag:$0x1] =	stream.indirect.gather [hbm4b:s0+s14], $0x40, s16, s14, $0xb8;
	[tilespmem:$0x17A20] =	vst v63  }
0xbc: {  	_ =	swait.ge [sflag:s28], $0x1400  }
0xbd: {  	[sflag:s28] =	ssyncset.done $0x0  }
0xbe: {  	s18 =	simm.s32 $0xEB50;
	[sflag:s28] =	ssyncadd.s32 $0xFFFFEC00  }
0xbf: {  	[spmem:s3] =	stream.indirect.scatter.add.bf16 [tilespmem:s23], [sflag:$0x2], $0x40, s18, s14, $0xb8;
	[tilespmem:$0x17A20] =	vst v63  }
0xc0: {  	_ =	swait.ge [sflag:s29], $0x1400  }
0xc1: {  	[sflag:s29] =	ssyncset.done $0x0  }
0xc2: {  	s16 =	simm.s32 $0xC620;
	[sflag:s29] =	ssyncadd.s32 $0xFFFFEC00  }
0xc3: {  	[tilespmem:s21], [sflag:$0x1] =	stream.indirect.gather [hbm4b:s0+s14], $0x40, s16, s14, $0xb8;
	[tilespmem:$0x17A20] =	vst v63  }
0xc4: {  	_ =	swait.ge [sflag:s28], $0x1400  }
0xc5: {  	[sflag:s28] =	ssyncset.done $0x0  }
0xc6: {  	s18 =	simm.s32 $0xEBA0;
	[sflag:s28] =	ssyncadd.s32 $0xFFFFEC00  }
0xc7: {  	[spmem:s3] =	stream.indirect.scatter.add.bf16 [tilespmem:s26], [sflag:$0x2], $0x40, s18, s14, $0xb8;
	[tilespmem:$0x17A20] =	vst v63  }
0xc8: {  	_ =	swait.ge [sflag:s29], $0x1400  }
0xc9: {  	[sflag:s29] =	ssyncset.done $0x0  }
0xca: {  	s16 =	simm.s32 $0xC670;
	[sflag:s29] =	ssyncadd.s32 $0xFFFFEC00  }
0xcb: {  	[tilespmem:s23], [sflag:$0x1] =	stream.indirect.gather [hbm4b:s0+s14], $0x40, s16, s14, $0xb8;
	[tilespmem:$0x17A20] =	vst v63  }
0xcc: {  	_ =	swait.ge [sflag:s28], $0x1400  }
0xcd: {  	[sflag:s28] =	ssyncset.done $0x0  }
0xce: {  	s18 =	simm.s32 $0xEBF0;
	[sflag:s28] =	ssyncadd.s32 $0xFFFFEC00  }
0xcf: {  	[spmem:s3] =	stream.indirect.scatter.add.bf16 [tilespmem:s30], [sflag:$0x2], $0x40, s18, s14, $0xb8;
	[tilespmem:$0x17A20] =	vst v63  }
0xd0: {  	_ =	swait.ge [sflag:s29], $0x1400  }
0xd1: {  	[sflag:s29] =	ssyncset.done $0x0  }
0xd2: {  	s16 =	simm.s32 $0xC6C0;
	[sflag:s29] =	ssyncadd.s32 $0xFFFFEC00  }
0xd3: {  	[tilespmem:s26], [sflag:$0x1] =	stream.indirect.gather [hbm4b:s0+s14], $0x40, s16, s14, $0xb8;
	[tilespmem:$0x17A20] =	vst v63  }
0xd4: {  	_ =	swait.ge [sflag:s28], $0x1400  }
0xd5: {  	[sflag:s28] =	ssyncset.done $0x0  }
0xd6: {  	s18 =	simm.s32 $0xEC40;
	[sflag:s28] =	ssyncadd.s32 $0xFFFFEC00  }
0xd7: {  	[spmem:s3] =	stream.indirect.scatter.add.bf16 [tilespmem:s15], [sflag:$0x2], $0x40, s18, s14, $0xb8;
	[tilespmem:$0x17A20] =	vst v63  }
0xd8: {  	_ =	swait.ge [sflag:s29], $0x1400  }
0xd9: {  	[sflag:s29] =	ssyncset.done $0x0  }
0xda: {  	[sflag:s29] =	ssyncadd.s32 $0xFFFFEC00  }
0xdb: {  	_ =	swait.ge [sflag:s28], $0x1400  }
0xdc: {  	[sflag:s28] =	ssyncset.done $0x0  }
0xdd: {  	[sflag:s28] =	ssyncadd.s32 $0xFFFFEC00  }
0xde: {  	[spmem:s3] =	stream.indirect.scatter.add.bf16 [tilespmem:s17], [sflag:$0x2], $0x40, s20, s14, $0xb8;
	[tilespmem:$0x17A20] =	vst v63  }
0xdf: {  	_ =	swait.ge [sflag:s29], $0x1400  }
0xe0: {  	[sflag:s29] =	ssyncset.done $0x0  }
0xe1: {  	[sflag:s29] =	ssyncadd.s32 $0xFFFFEC00  }
0xe2: {  	_ =	swait.ge [sflag:s28], $0x1400  }
0xe3: {  	[sflag:s28] =	ssyncset.done $0x0  }
0xe4: {  	[sflag:s28] =	ssyncadd.s32 $0xFFFFEC00  }
0xe5: {  	[spmem:s3] =	stream.indirect.scatter.add.bf16 [tilespmem:s19], [sflag:$0x2], $0x40, s22, s14, $0xb8;
	[tilespmem:$0x17A20] =	vst v63  }
0xe6: {  	_ =	swait.ge [sflag:s29], $0x1400  }
0xe7: {  	[sflag:s29] =	ssyncset.done $0x0  }
0xe8: {  	[sflag:s29] =	ssyncadd.s32 $0xFFFFEC00  }
0xe9: {  	_ =	swait.ge [sflag:s28], $0x1400  }
0xea: {  	[sflag:s28] =	ssyncset.done $0x0  }
0xeb: {  	[sflag:s28] =	ssyncadd.s32 $0xFFFFEC00  }
0xec: {  	[spmem:s3] =	stream.indirect.scatter.add.bf16 [tilespmem:s21], [sflag:$0x2], $0x40, s25, s14, $0xb8;
	[tilespmem:$0x17A20] =	vst v63  }
0xed: {  	_ =	swait.ge [sflag:s29], $0x1400  }
0xee: {  	[sflag:s29] =	ssyncset.done $0x0  }
0xef: {  	[sflag:s29] =	ssyncadd.s32 $0xFFFFEC00  }
0xf0: {  	_ =	swait.ge [sflag:s28], $0x1400  }
0xf1: {  	[sflag:s28] =	ssyncset.done $0x0  }
0xf2: {  	[sflag:s28] =	ssyncadd.s32 $0xFFFFEC00  }
0xf3: {  	[spmem:s3] =	stream.indirect.scatter.add.bf16 [tilespmem:s23], [sflag:$0x2], $0x40, s31, s14, $0xb8;
	[tilespmem:$0x17A20] =	vst v63  }
0xf4: {  	_ =	swait.ge [sflag:s29], $0x1400  }
0xf5: {  	[sflag:s29] =	ssyncset.done $0x0  }
0xf6: {  	[sflag:s29] =	ssyncadd.s32 $0xFFFFEC00  }
0xf7: {  	_ =	swait.ge [sflag:s28], $0x1400  }
0xf8: {  	[sflag:s28] =	ssyncset.done $0x0  }
0xf9: {  	[sflag:s28] =	ssyncadd.s32 $0xFFFFEC00  }
0xfa: {  	[spmem:s3] =	stream.indirect.scatter.add.bf16 [tilespmem:s26], [sflag:$0x2], $0x40, s1, s14, $0xb8;
	[tilespmem:$0x17A20] =	vst v63  }
0xfb: {  	_ =	swait.ge [sflag:s29], $0x1400  }
0xfc: {  	s2 =	sadd.s32 $0x1, s2;
	[sflag:s29] =	ssyncset.done $0x0  }
0xfd: {  	p0 =	sne.s32 s2, s9;
	[sflag:s29] =	ssyncadd.s32 $0xFFFFEC00  }
.Ltmp1:
0xfe: {  	[bflag:$0x0] =	sbarrier.arrive $0xFFFF;
	(pc) =	sbr.rel @p0 .LBB2_1-.Ltmp1, $4  }
0xff: {  	[hbm:s24], [sflag:s6] =	dma.local [spmem:s10], $0x1400  }
0x100: {  	_ =	swait.ge [sflag:s11], $0x1400  }
0x101: {  	[sflag:s11] =	ssyncset.done $0x0  }
0x102: {  	[sflag:s11] =	ssyncadd.s32 $0xFFFFEC00  }
0x103: {  	_ =	sfence.sel $0x180000  }
0x104: {  	[bflag:$0x0] =	sbarrier.arrive $0xFFFF  }
0x105: {  	_ =	strace $0x9000004A  }
0x106: {  	s0 =	stileid.u32;
	[bflag:$0x2] =	sbarrier.arrive $0xFFFF  }
0x107: {  	p0 =	sne.s32 s0, $0x0;
	s0 =	rddreg [dreg:$0x3]  }
0x108: {  	s0 =	sadd.s32 @!p0 $0x100000, s0  }
0x109: {  	[sflag:s0] =	ssyncadd.tile.s32 @!p0 $0x1;
	_ =	shalt  }
.Lfunc_end2:
_tile_overlayer_lowered:
.L_overlay_start_2:
0x10a: {  	(tag) =	ssettag $0x2  }
0x10b: {  	s0 =	rddreg [dreg:$0x0];
	s2 =	stileid.u32  }
0x10c: {  	s1 =	rddreg [dreg:$0x1];
	p0 =	sne.s32 s2, $0x0  }
0x10d: {  	s3 =	rddreg [dreg:$0x2];
	[bflag:$0x3] =	sbarrier.arrive $0xFFFF;
	s2 =	simm.s32 @!p0 $0x1C03  }
0x10e: {  	[timem:s3], [sflag:s2] =	dma.local @!p0 [hbm:s0], s1  }
0x10f: {  	s0 =	simm.s32 @!p0 $0x3  }
0x110: {  	_ =	swait.ge @!p0 [sflag:s0], s1  }
0x111: {  	s1 =	ssub.s32 @!p0 $0x0, s1;
	[sflag:s0] =	ssyncset.done @!p0 $0x0  }
0x112: {  	[sflag:s0] =	ssyncadd.s32 @!p0 s1  }
0x113: {  	[bflag:$0x3] =	sbarrier.arrive $0xFFFF  }
0x114: {  	_ =	shalt  }

</sc_bundles>
